<compile_context>
chip_gen: v7x
topology: tpu7x:2x2x1
jax: 0.10.2.dev20260603
libtpu: 0.0.44.dev20260713+nightly
codegen_flags: <defaults>
</compile_context>

<pallas_src>
import functools

import jax
import jax.numpy as jnp
from jax import lax
from jax.experimental import pallas as pl
from jax.experimental.pallas import tpu as pltpu
from jax.experimental.pallas import tpu_sc as plsc

N_NODES = 10000
N_EDGES = 320000
IN_CH = 128
HID = 16

NC = 2
NS = 16
NW = NC * NS
NPAD = 10240
E_PER_W = N_EDGES // NW
CHUNK = 80
NCHUNK = E_PER_W // CHUNK
STRIPE = NPAD // NS

GRP = N_NODES * HID // 128
GRP_PAD = NPAD * HID // 128
DEG_G = NPAD // 128

_MESH = plsc.VectorSubcoreMesh(core_axis_name="c", subcore_axis_name="s")


@functools.partial(
    pl.kernel,
    out_type=jax.ShapeDtypeStruct((NC, NPAD, HID), jnp.float32),
    mesh=_MESH,
    scratch_types=[
        pltpu.VMEM((E_PER_W,), jnp.int32),
        pltpu.VMEM((CHUNK, HID), jnp.float32),
        pltpu.VMEM((STRIPE, HID), jnp.float32),
        pltpu.VMEM_SHARED((NPAD, HID), jnp.float32),
        pltpu.SemaphoreType.DMA,
    ],
    compiler_params=pltpu.CompilerParams(use_tc_tiling_on_sc=False),
)
def _deg_kernel(edge_hbm, out_hbm, dst_v, ones_v, zero_v, hist_sh, sem):
    c = lax.axis_index("c")
    s = lax.axis_index("s")
    wid = c * NS + s

    def zb(i, _):
        zero_v[i] = jnp.zeros((HID,), jnp.float32)
        return 0
    lax.fori_loop(0, STRIPE, zb, 0, unroll=8)

    def ob(i, _):
        ones_v[i] = jnp.ones((HID,), jnp.float32)
        return 0
    lax.fori_loop(0, CHUNK, ob, 0, unroll=8)

    pltpu.sync_copy(zero_v, hist_sh.at[pl.ds(s * STRIPE, STRIPE)])
    plsc.subcore_barrier()

    pltpu.sync_copy(edge_hbm.at[1, pl.ds(wid * E_PER_W, E_PER_W)], dst_v)

    def body(j, _):
        pltpu.async_copy(
            ones_v, hist_sh.at[dst_v.at[pl.ds(j * CHUNK, CHUNK)]], sem,
            add=True)
        return 0
    lax.fori_loop(0, NCHUNK, body, 0)

    def drain(j, _):
        pltpu.make_async_copy(
            ones_v, hist_sh.at[dst_v.at[pl.ds(0, CHUNK)]], sem).wait()
        return 0
    lax.fori_loop(0, NCHUNK, drain, 0)

    plsc.subcore_barrier()
    pltpu.sync_copy(hist_sh.at[pl.ds(s * STRIPE, STRIPE)],
                    out_hbm.at[c, pl.ds(s * STRIPE, STRIPE)])


NSLOT = 5
NOUTER = NCHUNK // NSLOT


@functools.partial(
    pl.kernel,
    out_type=jax.ShapeDtypeStruct((NC, NPAD, HID), jnp.float32),
    mesh=_MESH,
    scratch_types=[
        pltpu.VMEM((E_PER_W,), jnp.int32),
        pltpu.VMEM((E_PER_W,), jnp.int32),
        [pltpu.VMEM((CHUNK, HID), jnp.float32) for _ in range(NSLOT)],
        pltpu.VMEM((STRIPE, HID), jnp.float32),
        pltpu.VMEM_SHARED((NPAD, HID), jnp.float32),
        pltpu.VMEM_SHARED((N_NODES, HID), jnp.float32),
        [pltpu.SemaphoreType.DMA for _ in range(NSLOT)],
        [pltpu.SemaphoreType.DMA for _ in range(NSLOT)],
    ],
    compiler_params=pltpu.CompilerParams(use_tc_tiling_on_sc=False),
)
def _mp_kernel(xs_hbm, edge_hbm, out_hbm,
               src_v, dst_v, bufs, zero_v, acc_sh, xs_sh, gsems, ssems):
    c = lax.axis_index("c")
    s = lax.axis_index("s")
    wid = c * NS + s
    XSTRIPE = N_NODES // NS

    def zbody(i, _):
        zero_v[i] = jnp.zeros((HID,), jnp.float32)
        return 0
    lax.fori_loop(0, STRIPE, zbody, 0, unroll=8)
    pltpu.sync_copy(zero_v, acc_sh.at[pl.ds(s * STRIPE, STRIPE)])
    pltpu.sync_copy(xs_hbm.at[pl.ds(s * XSTRIPE, XSTRIPE)],
                    xs_sh.at[pl.ds(s * XSTRIPE, XSTRIPE)])
    plsc.subcore_barrier()

    pltpu.sync_copy(edge_hbm.at[0, pl.ds(wid * E_PER_W, E_PER_W)], src_v)
    pltpu.sync_copy(edge_hbm.at[1, pl.ds(wid * E_PER_W, E_PER_W)], dst_v)

    def sidx(j):
        return src_v.at[pl.ds(j * CHUNK, CHUNK)]

    def didx(j):
        return dst_v.at[pl.ds(j * CHUNK, CHUNK)]

    pltpu.async_copy(xs_sh.at[sidx(0)], bufs[0], gsems[0])
    pltpu.async_copy(xs_sh.at[sidx(1)], bufs[1], gsems[1])

    def body(t, _):
        for b in range(NSLOT):
            j = t * NSLOT + b
            p2 = (b + 2) % NSLOT

            @pl.when(j >= 3)
            def _():
                pltpu.make_async_copy(
                    bufs[p2], acc_sh.at[didx(0)], ssems[p2]).wait()

            @pl.when(j + 2 < NCHUNK)
            def _():
                pltpu.async_copy(xs_sh.at[sidx(j + 2)], bufs[p2],
                                 gsems[p2])

            pltpu.make_async_copy(xs_sh.at[sidx(j)], bufs[b],
                                  gsems[b]).wait()
            pltpu.async_copy(bufs[b], acc_sh.at[didx(j)], ssems[b],
                             add=True)
        return 0
    lax.fori_loop(0, NOUTER, body, 0)

    for b in (2, 3, 4):
        pltpu.make_async_copy(bufs[b], acc_sh.at[didx(0)], ssems[b]).wait()

    plsc.subcore_barrier()
    pltpu.sync_copy(acc_sh.at[pl.ds(s * STRIPE, STRIPE)],
                    out_hbm.at[c, pl.ds(s * STRIPE, STRIPE)])


def _tc_mm1_body(xr_ref, w1b_ref, xw_ref):
    xw_ref[...] = jnp.dot(xr_ref[...], w1b_ref[...],
                          preferred_element_type=jnp.float32)


def _tc_scale_body(xw_ref, degp_ref, xs1_ref, dis_ref):
    deg = degp_ref[0, :GRP] + degp_ref[1, :GRP] + 1.0
    dis_g = lax.rsqrt(deg)
    dis_ref[...] = dis_g
    xs1_ref[...] = dis_g * xw_ref[...]


def _tc_mid_body(accp_ref, xs1_ref, dis_ref, w2b_ref, b1t_ref, xs2_ref):
    acc = accp_ref[0, :GRP] + accp_ref[1, :GRP] + xs1_ref[...]
    dis_g = dis_ref[...]
    h1 = dis_g * acc + b1t_ref[...]
    h1 = jnp.where(h1 > 0, h1, jnp.exp(jnp.minimum(h1, 0.0)) - 1.0)
    xw2 = jnp.dot(h1, w2b_ref[...], preferred_element_type=jnp.float32)
    xs2_ref[...] = dis_g * xw2


def _tc_final_body(accp_ref, xs2_ref, dis_ref, wlb_ref, b2t_ref, blr_ref,
                   out_ref):
    acc = accp_ref[0, :GRP] + accp_ref[1, :GRP] + xs2_ref[...]
    h2 = dis_ref[...] * acc + b2t_ref[...]
    og = jnp.dot(h2, wlb_ref[...], preferred_element_type=jnp.float32)
    out_ref[...] = og + blr_ref[...]


def kernel(x, edge_index, W1, b1, W2, b2, Wl, bl):
    e32 = edge_index.astype(jnp.int32)

    eye8 = jnp.eye(8, dtype=jnp.float32)
    w1b = jnp.kron(eye8, W1)
    w2b = jnp.kron(eye8, W2)
    wlb = jnp.kron(eye8, Wl)
    b1t = jnp.tile(b1, 8).reshape(1, 128)
    b2t = jnp.tile(b2, 8).reshape(1, 128)
    blr = bl.reshape(1, 1)
    xr = x.reshape(GRP, 8 * IN_CH)

    degp = _deg_kernel(e32)
    degp_g = degp.reshape(NC, GRP_PAD, 128)

    xw1_g = pl.pallas_call(
        _tc_mm1_body,
        out_shape=jax.ShapeDtypeStruct((GRP, 128), jnp.float32),
    )(xr, w1b)

    xs1_g, dis_g = pl.pallas_call(
        _tc_scale_body,
        out_shape=(
            jax.ShapeDtypeStruct((GRP, 128), jnp.float32),
            jax.ShapeDtypeStruct((GRP, 128), jnp.float32),
        ),
    )(xw1_g, degp_g)

    acc1 = _mp_kernel(xs1_g.reshape(N_NODES, HID), e32)
    acc1_g = acc1.reshape(NC, GRP_PAD, 128)

    xs2_g = pl.pallas_call(
        _tc_mid_body,
        out_shape=jax.ShapeDtypeStruct((GRP, 128), jnp.float32),
    )(acc1_g, xs1_g, dis_g, w2b, b1t)

    acc2 = _mp_kernel(xs2_g.reshape(N_NODES, HID), e32)
    acc2_g = acc2.reshape(NC, GRP_PAD, 128)

    out_g = pl.pallas_call(
        _tc_final_body,
        out_shape=jax.ShapeDtypeStruct((GRP, 8), jnp.float32),
    )(acc2_g, xs2_g, dis_g, wlb, b2t, blr)

    return out_g.reshape(N_NODES, 1)

# --- scband reference (transcript-rebuilt; emitter-appended) ---
"""Pipeline reference for scband-gcn-net-89300960018826 (READ-ONLY COPY).

The authoritative reference and input builder live on the scoring server;
editing this copy changes nothing except your own understanding.
"""

import jax, jax.numpy as jnp
import numpy as np

N_NODES = 10000
N_EDGES = 320000
IN_CH = 128
HID = 16

def gcn_conv(x, edge_index, W, b, n_nodes):
    # GCNConv: add self-loops, symmetric normalization, x@W then propagate, + bias
    src = jnp.concatenate([edge_index[0], jnp.arange(n_nodes, dtype=edge_index.dtype)])
    dst = jnp.concatenate([edge_index[1], jnp.arange(n_nodes, dtype=edge_index.dtype)])
    ones = jnp.ones(src.shape[0], dtype=x.dtype)
    deg = jax.ops.segment_sum(ones, dst, num_segments=n_nodes)
    deg_inv_sqrt = jnp.where(deg > 0, 1.0 / jnp.sqrt(deg), 0.0)
    norm = deg_inv_sqrt[src] * deg_inv_sqrt[dst]
    xw = x @ W
    msgs = norm[:, None] * jnp.take(xw, src, axis=0)
    out = jax.ops.segment_sum(msgs, dst, num_segments=n_nodes)
    return out + b

def setup_inputs(seed: int = 0) -> dict:
    key = jax.random.key(seed)
    k1, k2, k3, k4, k5 = jax.random.split(key, 5)
    x = jax.random.normal(k1, (N_NODES, IN_CH), dtype=jnp.float32)
    edge_index = jax.random.randint(k2, (2, N_EDGES), 0, N_NODES, dtype=jnp.int64)
    # GCNConv glorot init
    W1 = jax.random.normal(k3, (IN_CH, HID), dtype=jnp.float32) * (1.0 / np.sqrt(IN_CH))
    b1 = jnp.zeros((HID,), dtype=jnp.float32)
    W2 = jax.random.normal(k4, (HID, HID), dtype=jnp.float32) * (1.0 / np.sqrt(HID))
    b2 = jnp.zeros((HID,), dtype=jnp.float32)
    Wl = jax.random.normal(k5, (HID, 1), dtype=jnp.float32) * (1.0 / np.sqrt(HID))
    bl = jnp.zeros((1,), dtype=jnp.float32)
    return {"x": x, "edge_index": edge_index, "W1": W1, "b1": b1, "W2": W2, "b2": b2, "Wl": Wl, "bl": bl}

def reference(x, edge_index, W1, b1, W2, b2, Wl, bl):
    # eval mode: dropout is identity
    h = gcn_conv(x, edge_index, W1, b1, N_NODES)
    h = jax.nn.elu(h)
    h = gcn_conv(h, edge_index, W2, b2, N_NODES)
    out = h @ Wl + bl
    return out

if __name__ == "__main__":
    import jax
    _d = setup_inputs()
    print(jax.jit(kernel)(*tuple(_d.values())))

</pallas_src>

<mosaic_0001>
#map = affine_map<(d0, d1) -> (0, 0)>
#map1 = affine_map<(d0, d1) -> (0, 0, 0)>
module attributes {stable_mosaic.version = 14 : i64} {
  func.func @_mp_kernel(%arg0: i32, %arg1: i32, %arg2: memref<10000x16xf32, #tpu.memory_space<hbm>>, %arg3: memref<2x320000xi32, #tpu.memory_space<hbm>>, %arg4: memref<2x10240x16xf32, #tpu.memory_space<hbm>>, %arg5: memref<10000xi32, #tpu.memory_space<vmem>>, %arg6: memref<10000xi32, #tpu.memory_space<vmem>>, %arg7: memref<80x16xf32, #tpu.memory_space<vmem>>, %arg8: memref<80x16xf32, #tpu.memory_space<vmem>>, %arg9: memref<80x16xf32, #tpu.memory_space<vmem>>, %arg10: memref<80x16xf32, #tpu.memory_space<vmem>>, %arg11: memref<80x16xf32, #tpu.memory_space<vmem>>, %arg12: memref<640x16xf32, #tpu.memory_space<vmem>>, %arg13: memref<10240x16xf32, #tpu.memory_space<vmem_shared>>, %arg14: memref<10000x16xf32, #tpu.memory_space<vmem_shared>>, %arg15: memref<!tpu.dma_semaphore, #tpu.memory_space<semaphore_mem>>, %arg16: memref<!tpu.dma_semaphore, #tpu.memory_space<semaphore_mem>>, %arg17: memref<!tpu.dma_semaphore, #tpu.memory_space<semaphore_mem>>, %arg18: memref<!tpu.dma_semaphore, #tpu.memory_space<semaphore_mem>>, %arg19: memref<!tpu.dma_semaphore, #tpu.memory_space<semaphore_mem>>, %arg20: memref<!tpu.dma_semaphore, #tpu.memory_space<semaphore_mem>>, %arg21: memref<!tpu.dma_semaphore, #tpu.memory_space<semaphore_mem>>, %arg22: memref<!tpu.dma_semaphore, #tpu.memory_space<semaphore_mem>>, %arg23: memref<!tpu.dma_semaphore, #tpu.memory_space<semaphore_mem>>, %arg24: memref<!tpu.dma_semaphore, #tpu.memory_space<semaphore_mem>>) attributes {dimension_semantics = [#tpu.dimension_semantics<core_parallel>, #tpu.dimension_semantics<subcore_parallel>], iteration_bounds = array<i64: 2, 16>, scalar_prefetch = 0 : i64, scratch_operands = 20 : i64, tpu.core_type = #tpu.core_type<sc_vector_subcore>, window_params = [{transform_indices = #map}, {transform_indices = #map}, {transform_indices = #map1}]} {
    %mul3A = arith.constant 16 : i32
    %mul3A_0 = arith.muli %arg0, %mul3A : i32
    %add3A = arith.addi %mul3A_0, %arg1 : i32
    %scan3A = arith.constant 0 : i32
    %scan3A_1 = arith.constant 0 : i32
    %scan3A_2 = arith.constant 640 : i32
    %scan3A_3 = arith.addi %scan3A_1, %scan3A_2 : i32
    %scan3A_4 = arith.constant 8 : i32
    %scan3A_5 = scf.for %scan3A_53 = %scan3A_1 to %scan3A_3 step %scan3A_4 iter_args(%scan3A_54 = %scan3A) -> (i32)  : i32 {
      %broadcast_in_dim3A = arith.constant 0.000000e+00 : f32
      %broadcast_in_dim3A_55 = vector.broadcast %broadcast_in_dim3A : f32 to vector<16xf32>
      %swap3A = arith.index_cast %scan3A_53 : i32 to index
      %swap3A_56 = arith.constant 0 : index
      %swap3A_57 = tpu.vector_load %arg12[%swap3A, %swap3A_56] {strides = array<i32>} : memref<640x16xf32, #tpu.memory_space<vmem>>, vector<1x16xf32>,
      %swap3A_58 = vector.shape_cast %swap3A_57 : vector<1x16xf32> to vector<16xf32>
      %swap3A_59 = vector.shape_cast %broadcast_in_dim3A_55 : vector<16xf32> to vector<1x16xf32>
      tpu.vector_store %arg12[%swap3A, %swap3A_56], %swap3A_59 {strides = array<i32>} : memref<640x16xf32, #tpu.memory_space<vmem>>, vector<1x16xf32>,
      %scan3A_60 = arith.constant 0 : i32
      %scan3A_61 = arith.constant 1 : i32
      %scan3A_62 = arith.addi %scan3A_53, %scan3A_61 : i32
      %broadcast_in_dim3A_63 = arith.constant 0.000000e+00 : f32
      %broadcast_in_dim3A_64 = vector.broadcast %broadcast_in_dim3A_63 : f32 to vector<16xf32>
      %swap3A_65 = arith.index_cast %scan3A_62 : i32 to index
      %swap3A_66 = arith.constant 0 : index
      %swap3A_67 = tpu.vector_load %arg12[%swap3A_65, %swap3A_66] {strides = array<i32>} : memref<640x16xf32, #tpu.memory_space<vmem>>, vector<1x16xf32>,
      %swap3A_68 = vector.shape_cast %swap3A_67 : vector<1x16xf32> to vector<16xf32>
      %swap3A_69 = vector.shape_cast %broadcast_in_dim3A_64 : vector<16xf32> to vector<1x16xf32>
      tpu.vector_store %arg12[%swap3A_65, %swap3A_66], %swap3A_69 {strides = array<i32>} : memref<640x16xf32, #tpu.memory_space<vmem>>, vector<1x16xf32>,
      %scan3A_70 = arith.constant 0 : i32
      %scan3A_71 = arith.constant 2 : i32
      %scan3A_72 = arith.addi %scan3A_53, %scan3A_71 : i32
      %broadcast_in_dim3A_73 = arith.constant 0.000000e+00 : f32
      %broadcast_in_dim3A_74 = vector.broadcast %broadcast_in_dim3A_73 : f32 to vector<16xf32>
      %swap3A_75 = arith.index_cast %scan3A_72 : i32 to index
      %swap3A_76 = arith.constant 0 : index
      %swap3A_77 = tpu.vector_load %arg12[%swap3A_75, %swap3A_76] {strides = array<i32>} : memref<640x16xf32, #tpu.memory_space<vmem>>, vector<1x16xf32>,
      %swap3A_78 = vector.shape_cast %swap3A_77 : vector<1x16xf32> to vector<16xf32>
      %swap3A_79 = vector.shape_cast %broadcast_in_dim3A_74 : vector<16xf32> to vector<1x16xf32>
      tpu.vector_store %arg12[%swap3A_75, %swap3A_76], %swap3A_79 {strides = array<i32>} : memref<640x16xf32, #tpu.memory_space<vmem>>, vector<1x16xf32>,
      %scan3A_80 = arith.constant 0 : i32
      %scan3A_81 = arith.constant 3 : i32
      %scan3A_82 = arith.addi %scan3A_53, %scan3A_81 : i32
      %broadcast_in_dim3A_83 = arith.constant 0.000000e+00 : f32
      %broadcast_in_dim3A_84 = vector.broadcast %broadcast_in_dim3A_83 : f32 to vector<16xf32>
      %swap3A_85 = arith.index_cast %scan3A_82 : i32 to index
      %swap3A_86 = arith.constant 0 : index
      %swap3A_87 = tpu.vector_load %arg12[%swap3A_85, %swap3A_86] {strides = array<i32>} : memref<640x16xf32, #tpu.memory_space<vmem>>, vector<1x16xf32>,
      %swap3A_88 = vector.shape_cast %swap3A_87 : vector<1x16xf32> to vector<16xf32>
      %swap3A_89 = vector.shape_cast %broadcast_in_dim3A_84 : vector<16xf32> to vector<1x16xf32>
      tpu.vector_store %arg12[%swap3A_85, %swap3A_86], %swap3A_89 {strides = array<i32>} : memref<640x16xf32, #tpu.memory_space<vmem>>, vector<1x16xf32>,
      %scan3A_90 = arith.constant 0 : i32
      %scan3A_91 = arith.constant 4 : i32
      %scan3A_92 = arith.addi %scan3A_53, %scan3A_91 : i32
      %broadcast_in_dim3A_93 = arith.constant 0.000000e+00 : f32
      %broadcast_in_dim3A_94 = vector.broadcast %broadcast_in_dim3A_93 : f32 to vector<16xf32>
      %swap3A_95 = arith.index_cast %scan3A_92 : i32 to index
      %swap3A_96 = arith.constant 0 : index
      %swap3A_97 = tpu.vector_load %arg12[%swap3A_95, %swap3A_96] {strides = array<i32>} : memref<640x16xf32, #tpu.memory_space<vmem>>, vector<1x16xf32>,
      %swap3A_98 = vector.shape_cast %swap3A_97 : vector<1x16xf32> to vector<16xf32>
      %swap3A_99 = vector.shape_cast %broadcast_in_dim3A_94 : vector<16xf32> to vector<1x16xf32>
      tpu.vector_store %arg12[%swap3A_95, %swap3A_96], %swap3A_99 {strides = array<i32>} : memref<640x16xf32, #tpu.memory_space<vmem>>, vector<1x16xf32>,
      %scan3A_100 = arith.constant 0 : i32
      %scan3A_101 = arith.constant 5 : i32
      %scan3A_102 = arith.addi %scan3A_53, %scan3A_101 : i32
      %broadcast_in_dim3A_103 = arith.constant 0.000000e+00 : f32
      %broadcast_in_dim3A_104 = vector.broadcast %broadcast_in_dim3A_103 : f32 to vector<16xf32>
      %swap3A_105 = arith.index_cast %scan3A_102 : i32 to index
      %swap3A_106 = arith.constant 0 : index
      %swap3A_107 = tpu.vector_load %arg12[%swap3A_105, %swap3A_106] {strides = array<i32>} : memref<640x16xf32, #tpu.memory_space<vmem>>, vector<1x16xf32>,
      %swap3A_108 = vector.shape_cast %swap3A_107 : vector<1x16xf32> to vector<16xf32>
      %swap3A_109 = vector.shape_cast %broadcast_in_dim3A_104 : vector<16xf32> to vector<1x16xf32>
      tpu.vector_store %arg12[%swap3A_105, %swap3A_106], %swap3A_109 {strides = array<i32>} : memref<640x16xf32, #tpu.memory_space<vmem>>, vector<1x16xf32>,
      %scan3A_110 = arith.constant 0 : i32
      %scan3A_111 = arith.constant 6 : i32
      %scan3A_112 = arith.addi %scan3A_53, %scan3A_111 : i32
      %broadcast_in_dim3A_113 = arith.constant 0.000000e+00 : f32
      %broadcast_in_dim3A_114 = vector.broadcast %broadcast_in_dim3A_113 : f32 to vector<16xf32>
      %swap3A_115 = arith.index_cast %scan3A_112 : i32 to index
      %swap3A_116 = arith.constant 0 : index
      %swap3A_117 = tpu.vector_load %arg12[%swap3A_115, %swap3A_116] {strides = array<i32>} : memref<640x16xf32, #tpu.memory_space<vmem>>, vector<1x16xf32>,
      %swap3A_118 = vector.shape_cast %swap3A_117 : vector<1x16xf32> to vector<16xf32>
      %swap3A_119 = vector.shape_cast %broadcast_in_dim3A_114 : vector<16xf32> to vector<1x16xf32>
      tpu.vector_store %arg12[%swap3A_115, %swap3A_116], %swap3A_119 {strides = array<i32>} : memref<640x16xf32, #tpu.memory_space<vmem>>, vector<1x16xf32>,
      %scan3A_120 = arith.constant 0 : i32
      %scan3A_121 = arith.constant 7 : i32
      %scan3A_122 = arith.addi %scan3A_53, %scan3A_121 : i32
      %broadcast_in_dim3A_123 = arith.constant 0.000000e+00 : f32
      %broadcast_in_dim3A_124 = vector.broadcast %broadcast_in_dim3A_123 : f32 to vector<16xf32>
      %swap3A_125 = arith.index_cast %scan3A_122 : i32 to index
      %swap3A_126 = arith.constant 0 : index
      %swap3A_127 = tpu.vector_load %arg12[%swap3A_125, %swap3A_126] {strides = array<i32>} : memref<640x16xf32, #tpu.memory_space<vmem>>, vector<1x16xf32>,
      %swap3A_128 = vector.shape_cast %swap3A_127 : vector<1x16xf32> to vector<16xf32>
      %swap3A_129 = vector.shape_cast %broadcast_in_dim3A_124 : vector<16xf32> to vector<1x16xf32>
      tpu.vector_store %arg12[%swap3A_125, %swap3A_126], %swap3A_129 {strides = array<i32>} : memref<640x16xf32, #tpu.memory_space<vmem>>, vector<1x16xf32>,
      %scan3A_130 = arith.constant 0 : i32
      scf.yield %scan3A_130 : i32
    }
    %scan3A_6 = arith.constant 640 : i32
    %mul3A_7 = arith.constant 640 : i32
    %mul3A_8 = arith.muli %arg1, %mul3A_7 : i32
    "tpu.region"() ({
      %run_scoped3A_53 = tpu.sem_alloc : memref<!tpu.dma_semaphore, #tpu.memory_space<semaphore_mem>>
      %dma_start3A_54 = arith.constant 0 : i32
      %dma_start3A_55 = tpu.memref_slice %arg13[%mul3A_8, %dma_start3A_54] : memref<10240x16xf32, #tpu.memory_space<vmem_shared>> -> memref<640x16xf32, #tpu.memory_space<vmem_shared>>
      %dma_start3A_56 = arith.constant 0 : i32
      %dma_start3A_57 = tpu.memref_slice %arg13[%mul3A_8, %dma_start3A_56] : memref<10240x16xf32, #tpu.memory_space<vmem_shared>> -> memref<640x16xf32, #tpu.memory_space<vmem_shared>>
      tpu.enqueue_dma source(%arg12 : memref<640x16xf32, #tpu.memory_space<vmem>>) target(%dma_start3A_57 : memref<640x16xf32, #tpu.memory_space<vmem_shared>>) target_semaphore(%run_scoped3A_53 : memref<!tpu.dma_semaphore, #tpu.memory_space<semaphore_mem>>)
      %dma_wait3A_58 = arith.constant 0 : i32
      %dma_wait3A_59 = tpu.memref_slice %arg13[%mul3A_8, %dma_wait3A_58] : memref<10240x16xf32, #tpu.memory_space<vmem_shared>> -> memref<640x16xf32, #tpu.memory_space<vmem_shared>>
      %dma_wait3A_60 = arith.constant 0 : i32
      %dma_wait3A_61 = tpu.memref_slice %arg13[%mul3A_8, %dma_wait3A_60] : memref<10240x16xf32, #tpu.memory_space<vmem_shared>> -> memref<640x16xf32, #tpu.memory_space<vmem_shared>>
      tpu.wait_dma2 semaphore(%run_scoped3A_53 : memref<!tpu.dma_semaphore, #tpu.memory_space<semaphore_mem>>) src(%arg12 : memref<640x16xf32, #tpu.memory_space<vmem>>) dst(%dma_wait3A_61 : memref<640x16xf32, #tpu.memory_space<vmem_shared>>)
      tpu.yield
    }) : () -> ()
    %mul3A_9 = arith.constant 625 : i32
    %mul3A_10 = arith.muli %arg1, %mul3A_9 : i32
    %mul3A_11 = arith.constant 625 : i32
    %mul3A_12 = arith.muli %arg1, %mul3A_11 : i32
    "tpu.region"() ({
      %run_scoped3A_53 = tpu.sem_alloc : memref<!tpu.dma_semaphore, #tpu.memory_space<semaphore_mem>>
      %dma_start3A_54 = arith.constant 0 : i32
      %dma_start3A_55 = tpu.memref_slice %arg14[%mul3A_12, %dma_start3A_54] : memref<10000x16xf32, #tpu.memory_space<vmem_shared>> -> memref<625x16xf32, #tpu.memory_space<vmem_shared>>
      %dma_start3A_56 = arith.constant 0 : i32
      %dma_start3A_57 = tpu.memref_slice %arg2[%mul3A_10, %dma_start3A_56] : memref<10000x16xf32, #tpu.memory_space<hbm>> -> memref<625x16xf32, #tpu.memory_space<hbm>>
      tpu.enqueue_dma source(%dma_start3A_57 : memref<625x16xf32, #tpu.memory_space<hbm>>) target(%dma_start3A_55 : memref<625x16xf32, #tpu.memory_space<vmem_shared>>) target_semaphore(%run_scoped3A_53 : memref<!tpu.dma_semaphore, #tpu.memory_space<semaphore_mem>>)
      %dma_wait3A_58 = arith.constant 0 : i32
      %dma_wait3A_59 = tpu.memref_slice %arg14[%mul3A_12, %dma_wait3A_58] : memref<10000x16xf32, #tpu.memory_space<vmem_shared>> -> memref<625x16xf32, #tpu.memory_space<vmem_shared>>
      %dma_wait3A_60 = arith.constant 0 : i32
      %dma_wait3A_61 = tpu.memref_slice %arg2[%mul3A_10, %dma_wait3A_60] : memref<10000x16xf32, #tpu.memory_space<hbm>> -> memref<625x16xf32, #tpu.memory_space<hbm>>
      tpu.wait_dma2 semaphore(%run_scoped3A_53 : memref<!tpu.dma_semaphore, #tpu.memory_space<semaphore_mem>>) src(%dma_wait3A_61 : memref<625x16xf32, #tpu.memory_space<hbm>>) dst(%dma_wait3A_59 : memref<625x16xf32, #tpu.memory_space<vmem_shared>>)
      tpu.yield
    }) : () -> ()
    %barrier3A = arith.constant 0 : index
    tpu.barrier barrier_id(%barrier3A)
    %mul3A_13 = arith.constant 10000 : i32
    %mul3A_14 = arith.muli %add3A, %mul3A_13 : i32
    %run_scoped3A = arith.constant 0 : i32
    "tpu.region"() ({
      %run_scoped3A_53 = tpu.sem_alloc : memref<!tpu.dma_semaphore, #tpu.memory_space<semaphore_mem>>
      %dma_start3A_54 = tpu.memref_slice %arg3[%run_scoped3A, %mul3A_14] : memref<2x320000xi32, #tpu.memory_space<hbm>> -> memref<1x10000xi32, #tpu.memory_space<hbm>>
      %dma_start3A_55 = tpu.memref_squeeze %dma_start3A_54 : memref<1x10000xi32, #tpu.memory_space<hbm>> -> memref<10000xi32, #tpu.memory_space<hbm>>
      %dma_start3A_56 = tpu.memref_slice %arg3[%run_scoped3A, %mul3A_14] : memref<2x320000xi32, #tpu.memory_space<hbm>> -> memref<1x10000xi32, #tpu.memory_space<hbm>>
      %dma_start3A_57 = tpu.memref_squeeze %dma_start3A_56 : memref<1x10000xi32, #tpu.memory_space<hbm>> -> memref<10000xi32, #tpu.memory_space<hbm>>
      tpu.enqueue_dma source(%dma_start3A_57 : memref<10000xi32, #tpu.memory_space<hbm>>) target(%arg5 : memref<10000xi32, #tpu.memory_space<vmem>>) target_semaphore(%run_scoped3A_53 : memref<!tpu.dma_semaphore, #tpu.memory_space<semaphore_mem>>)
      %dma_wait3A_58 = tpu.memref_slice %arg3[%run_scoped3A, %mul3A_14] : memref<2x320000xi32, #tpu.memory_space<hbm>> -> memref<1x10000xi32, #tpu.memory_space<hbm>>
      %dma_wait3A_59 = tpu.memref_squeeze %dma_wait3A_58 : memref<1x10000xi32, #tpu.memory_space<hbm>> -> memref<10000xi32, #tpu.memory_space<hbm>>
      %dma_wait3A_60 = tpu.memref_slice %arg3[%run_scoped3A, %mul3A_14] : memref<2x320000xi32, #tpu.memory_space<hbm>> -> memref<1x10000xi32, #tpu.memory_space<hbm>>
      %dma_wait3A_61 = tpu.memref_squeeze %dma_wait3A_60 : memref<1x10000xi32, #tpu.memory_space<hbm>> -> memref<10000xi32, #tpu.memory_space<hbm>>
      tpu.wait_dma2 semaphore(%run_scoped3A_53 : memref<!tpu.dma_semaphore, #tpu.memory_space<semaphore_mem>>) src(%dma_wait3A_61 : memref<10000xi32, #tpu.memory_space<hbm>>) dst(%arg5 : memref<10000xi32, #tpu.memory_space<vmem>>)
      tpu.yield
    }) : () -> ()
    %mul3A_15 = arith.constant 10000 : i32
    %mul3A_16 = arith.muli %add3A, %mul3A_15 : i32
    %run_scoped3A_17 = arith.constant 1 : i32
    "tpu.region"() ({
      %run_scoped3A_53 = tpu.sem_alloc : memref<!tpu.dma_semaphore, #tpu.memory_space<semaphore_mem>>
      %dma_start3A_54 = tpu.memref_slice %arg3[%run_scoped3A_17, %mul3A_16] : memref<2x320000xi32, #tpu.memory_space<hbm>> -> memref<1x10000xi32, #tpu.memory_space<hbm>>
      %dma_start3A_55 = tpu.memref_squeeze %dma_start3A_54 : memref<1x10000xi32, #tpu.memory_space<hbm>> -> memref<10000xi32, #tpu.memory_space<hbm>>
      %dma_start3A_56 = tpu.memref_slice %arg3[%run_scoped3A_17, %mul3A_16] : memref<2x320000xi32, #tpu.memory_space<hbm>> -> memref<1x10000xi32, #tpu.memory_space<hbm>>
      %dma_start3A_57 = tpu.memref_squeeze %dma_start3A_56 : memref<1x10000xi32, #tpu.memory_space<hbm>> -> memref<10000xi32, #tpu.memory_space<hbm>>
      tpu.enqueue_dma source(%dma_start3A_57 : memref<10000xi32, #tpu.memory_space<hbm>>) target(%arg6 : memref<10000xi32, #tpu.memory_space<vmem>>) target_semaphore(%run_scoped3A_53 : memref<!tpu.dma_semaphore, #tpu.memory_space<semaphore_mem>>)
      %dma_wait3A_58 = tpu.memref_slice %arg3[%run_scoped3A_17, %mul3A_16] : memref<2x320000xi32, #tpu.memory_space<hbm>> -> memref<1x10000xi32, #tpu.memory_space<hbm>>
      %dma_wait3A_59 = tpu.memref_squeeze %dma_wait3A_58 : memref<1x10000xi32, #tpu.memory_space<hbm>> -> memref<10000xi32, #tpu.memory_space<hbm>>
      %dma_wait3A_60 = tpu.memref_slice %arg3[%run_scoped3A_17, %mul3A_16] : memref<2x320000xi32, #tpu.memory_space<hbm>> -> memref<1x10000xi32, #tpu.memory_space<hbm>>
      %dma_wait3A_61 = tpu.memref_squeeze %dma_wait3A_60 : memref<1x10000xi32, #tpu.memory_space<hbm>> -> memref<10000xi32, #tpu.memory_space<hbm>>
      tpu.wait_dma2 semaphore(%run_scoped3A_53 : memref<!tpu.dma_semaphore, #tpu.memory_space<semaphore_mem>>) src(%dma_wait3A_61 : memref<10000xi32, #tpu.memory_space<hbm>>) dst(%arg6 : memref<10000xi32, #tpu.memory_space<vmem>>)
      tpu.yield
    }) : () -> ()
    %dma_start3A = arith.constant 0 : i32
    %dma_start3A_18 = tpu.memref_slice %arg5[%dma_start3A] : memref<10000xi32, #tpu.memory_space<vmem>> -> memref<80xi32, #tpu.memory_space<vmem>>
    %dma_start3A_19 = arith.constant 0 : i32
    %dma_start3A_20 = arith.constant 0 : i32
    %dma_start3A_21 = tpu.memref_slice %arg14[%dma_start3A_19, %dma_start3A_20] : memref<10000x16xf32, #tpu.memory_space<vmem_shared>> -> memref<10000x16xf32, #tpu.memory_space<vmem_shared>>
    tpu.enqueue_indirect_dma source(%dma_start3A_21 : memref<10000x16xf32, #tpu.memory_space<vmem_shared>>) target(%arg7 : memref<80x16xf32, #tpu.memory_space<vmem>>) offsets(%dma_start3A_18 : memref<80xi32, #tpu.memory_space<vmem>>) semaphore(%arg15 : memref<!tpu.dma_semaphore, #tpu.memory_space<semaphore_mem>>)
    %dma_start3A_22 = arith.constant 80 : i32
    %dma_start3A_23 = tpu.memref_slice %arg5[%dma_start3A_22] : memref<10000xi32, #tpu.memory_space<vmem>> -> memref<80xi32, #tpu.memory_space<vmem>>
    %dma_start3A_24 = arith.constant 0 : i32
    %dma_start3A_25 = arith.constant 0 : i32
    %dma_start3A_26 = tpu.memref_slice %arg14[%dma_start3A_24, %dma_start3A_25] : memref<10000x16xf32, #tpu.memory_space<vmem_shared>> -> memref<10000x16xf32, #tpu.memory_space<vmem_shared>>
    tpu.enqueue_indirect_dma source(%dma_start3A_26 : memref<10000x16xf32, #tpu.memory_space<vmem_shared>>) target(%arg8 : memref<80x16xf32, #tpu.memory_space<vmem>>) offsets(%dma_start3A_23 : memref<80xi32, #tpu.memory_space<vmem>>) semaphore(%arg16 : memref<!tpu.dma_semaphore, #tpu.memory_space<semaphore_mem>>)
    %scan3A_27 = arith.constant 0 : i32
    %scan3A_28 = arith.constant 0 : i32
    %scan3A_29 = arith.constant 25 : i32
    %scan3A_30 = arith.addi %scan3A_28, %scan3A_29 : i32
    %scan3A_31 = arith.constant 1 : i32
    %scan3A_32 = scf.for %scan3A_53 = %scan3A_28 to %scan3A_30 step %scan3A_31 iter_args(%scan3A_54 = %scan3A_27) -> (i32)  : i32 {
      %mul3A_55 = arith.constant 5 : i32
      %mul3A_56 = arith.muli %scan3A_53, %mul3A_55 : i32
      %add3A_57 = arith.constant 0 : i32
      %add3A_58 = arith.addi %mul3A_56, %add3A_57 : i32
      %ge3A = arith.constant 3 : i32
      %ge3A_59 = arith.cmpi sge, %add3A_58, %ge3A : i32
      %convert_element_type3A = arith.extui %ge3A_59 : i1 to i32
      %cond3A = arith.constant 0 : i32
      %cond3A_60 = arith.cmpi ne, %convert_element_type3A, %cond3A : i32
      scf.if %cond3A_60 {
        %dma_wait3A_192 = arith.constant 0 : i32
        %dma_wait3A_193 = tpu.memref_slice %arg6[%dma_wait3A_192] : memref<10000xi32, #tpu.memory_space<vmem>> -> memref<80xi32, #tpu.memory_space<vmem>>
        %dma_wait3A_194 = arith.constant 0 : i32
        %dma_wait3A_195 = arith.constant 0 : i32
        %dma_wait3A_196 = tpu.memref_slice %arg13[%dma_wait3A_194, %dma_wait3A_195] : memref<10240x16xf32, #tpu.memory_space<vmem_shared>> -> memref<10240x16xf32, #tpu.memory_space<vmem_shared>>
        tpu.wait_indirect_dma semaphore(%arg22 : memref<!tpu.dma_semaphore, #tpu.memory_space<semaphore_mem>>) src(%arg9 : memref<80x16xf32, #tpu.memory_space<vmem>>) dst(%dma_wait3A_196 : memref<10240x16xf32, #tpu.memory_space<vmem_shared>>)
      } else {
      }
      %add3A_61 = arith.constant 2 : i32
      %add3A_62 = arith.addi %add3A_58, %add3A_61 : i32
      %lt3A = arith.constant 125 : i32
      %lt3A_63 = arith.cmpi slt, %add3A_62, %lt3A : i32
      %convert_element_type3A_64 = arith.extui %lt3A_63 : i1 to i32
      %cond3A_65 = arith.constant 0 : i32
      %cond3A_66 = arith.cmpi ne, %convert_element_type3A_64, %cond3A_65 : i32
      scf.if %cond3A_66 {
        %add3A_192 = arith.constant 2 : i32
        %add3A_193 = arith.addi %add3A_58, %add3A_192 : i32
        %mul3A_194 = arith.constant 80 : i32
        %mul3A_195 = arith.muli %add3A_193, %mul3A_194 : i32
        %dma_start3A_196 = tpu.memref_slice %arg5[%mul3A_195] : memref<10000xi32, #tpu.memory_space<vmem>> -> memref<80xi32, #tpu.memory_space<vmem>>
        %dma_start3A_197 = arith.constant 0 : i32
        %dma_start3A_198 = arith.constant 0 : i32
        %dma_start3A_199 = tpu.memref_slice %arg14[%dma_start3A_197, %dma_start3A_198] : memref<10000x16xf32, #tpu.memory_space<vmem_shared>> -> memref<10000x16xf32, #tpu.memory_space<vmem_shared>>
        tpu.enqueue_indirect_dma source(%dma_start3A_199 : memref<10000x16xf32, #tpu.memory_space<vmem_shared>>) target(%arg9 : memref<80x16xf32, #tpu.memory_space<vmem>>) offsets(%dma_start3A_196 : memref<80xi32, #tpu.memory_space<vmem>>) semaphore(%arg17 : memref<!tpu.dma_semaphore, #tpu.memory_space<semaphore_mem>>)
      } else {
      }
      %mul3A_67 = arith.constant 80 : i32
      %mul3A_68 = arith.muli %add3A_58, %mul3A_67 : i32
      %dma_wait3A_69 = tpu.memref_slice %arg5[%mul3A_68] : memref<10000xi32, #tpu.memory_space<vmem>> -> memref<80xi32, #tpu.memory_space<vmem>>
      %dma_wait3A_70 = arith.constant 0 : i32
      %dma_wait3A_71 = arith.constant 0 : i32
      %dma_wait3A_72 = tpu.memref_slice %arg14[%dma_wait3A_70, %dma_wait3A_71] : memref<10000x16xf32, #tpu.memory_space<vmem_shared>> -> memref<10000x16xf32, #tpu.memory_space<vmem_shared>>
      tpu.wait_indirect_dma semaphore(%arg15 : memref<!tpu.dma_semaphore, #tpu.memory_space<semaphore_mem>>) src(%dma_wait3A_72 : memref<10000x16xf32, #tpu.memory_space<vmem_shared>>) dst(%arg7 : memref<80x16xf32, #tpu.memory_space<vmem>>)
      %mul3A_73 = arith.constant 80 : i32
      %mul3A_74 = arith.muli %add3A_58, %mul3A_73 : i32
      %dma_start3A_75 = tpu.memref_slice %arg6[%mul3A_74] : memref<10000xi32, #tpu.memory_space<vmem>> -> memref<80xi32, #tpu.memory_space<vmem>>
      %dma_start3A_76 = arith.constant 0 : i32
      %dma_start3A_77 = arith.constant 0 : i32
      %dma_start3A_78 = tpu.memref_slice %arg13[%dma_start3A_76, %dma_start3A_77] : memref<10240x16xf32, #tpu.memory_space<vmem_shared>> -> memref<10240x16xf32, #tpu.memory_space<vmem_shared>>
      tpu.enqueue_indirect_dma source(%arg7 : memref<80x16xf32, #tpu.memory_space<vmem>>) target(%dma_start3A_78 : memref<10240x16xf32, #tpu.memory_space<vmem_shared>>) offsets(%dma_start3A_75 : memref<80xi32, #tpu.memory_space<vmem>>) semaphore(%arg20 : memref<!tpu.dma_semaphore, #tpu.memory_space<semaphore_mem>>) {add = true}
      %mul3A_79 = arith.constant 5 : i32
      %mul3A_80 = arith.muli %scan3A_53, %mul3A_79 : i32
      %add3A_81 = arith.constant 1 : i32
      %add3A_82 = arith.addi %mul3A_80, %add3A_81 : i32
      %ge3A_83 = arith.constant 3 : i32
      %ge3A_84 = arith.cmpi sge, %add3A_82, %ge3A_83 : i32
      %convert_element_type3A_85 = arith.extui %ge3A_84 : i1 to i32
      %cond3A_86 = arith.constant 0 : i32
      %cond3A_87 = arith.cmpi ne, %convert_element_type3A_85, %cond3A_86 : i32
      scf.if %cond3A_87 {
        %dma_wait3A_192 = arith.constant 0 : i32
        %dma_wait3A_193 = tpu.memref_slice %arg6[%dma_wait3A_192] : memref<10000xi32, #tpu.memory_space<vmem>> -> memref<80xi32, #tpu.memory_space<vmem>>
        %dma_wait3A_194 = arith.constant 0 : i32
        %dma_wait3A_195 = arith.constant 0 : i32
        %dma_wait3A_196 = tpu.memref_slice %arg13[%dma_wait3A_194, %dma_wait3A_195] : memref<10240x16xf32, #tpu.memory_space<vmem_shared>> -> memref<10240x16xf32, #tpu.memory_space<vmem_shared>>
        tpu.wait_indirect_dma semaphore(%arg23 : memref<!tpu.dma_semaphore, #tpu.memory_space<semaphore_mem>>) src(%arg10 : memref<80x16xf32, #tpu.memory_space<vmem>>) dst(%dma_wait3A_196 : memref<10240x16xf32, #tpu.memory_space<vmem_shared>>)
      } else {
      }
      %add3A_88 = arith.constant 2 : i32
      %add3A_89 = arith.addi %add3A_82, %add3A_88 : i32
      %lt3A_90 = arith.constant 125 : i32
      %lt3A_91 = arith.cmpi slt, %add3A_89, %lt3A_90 : i32
      %convert_element_type3A_92 = arith.extui %lt3A_91 : i1 to i32
      %cond3A_93 = arith.constant 0 : i32
      %cond3A_94 = arith.cmpi ne, %convert_element_type3A_92, %cond3A_93 : i32
      scf.if %cond3A_94 {
        %add3A_192 = arith.constant 2 : i32
        %add3A_193 = arith.addi %add3A_82, %add3A_192 : i32
        %mul3A_194 = arith.constant 80 : i32
        %mul3A_195 = arith.muli %add3A_193, %mul3A_194 : i32
        %dma_start3A_196 = tpu.memref_slice %arg5[%mul3A_195] : memref<10000xi32, #tpu.memory_space<vmem>> -> memref<80xi32, #tpu.memory_space<vmem>>
        %dma_start3A_197 = arith.constant 0 : i32
        %dma_start3A_198 = arith.constant 0 : i32
        %dma_start3A_199 = tpu.memref_slice %arg14[%dma_start3A_197, %dma_start3A_198] : memref<10000x16xf32, #tpu.memory_space<vmem_shared>> -> memref<10000x16xf32, #tpu.memory_space<vmem_shared>>
        tpu.enqueue_indirect_dma source(%dma_start3A_199 : memref<10000x16xf32, #tpu.memory_space<vmem_shared>>) target(%arg10 : memref<80x16xf32, #tpu.memory_space<vmem>>) offsets(%dma_start3A_196 : memref<80xi32, #tpu.memory_space<vmem>>) semaphore(%arg18 : memref<!tpu.dma_semaphore, #tpu.memory_space<semaphore_mem>>)
      } else {
      }
      %mul3A_95 = arith.constant 80 : i32
      %mul3A_96 = arith.muli %add3A_82, %mul3A_95 : i32
      %dma_wait3A_97 = tpu.memref_slice %arg5[%mul3A_96] : memref<10000xi32, #tpu.memory_space<vmem>> -> memref<80xi32, #tpu.memory_space<vmem>>
      %dma_wait3A_98 = arith.constant 0 : i32
      %dma_wait3A_99 = arith.constant 0 : i32
      %dma_wait3A_100 = tpu.memref_slice %arg14[%dma_wait3A_98, %dma_wait3A_99] : memref<10000x16xf32, #tpu.memory_space<vmem_shared>> -> memref<10000x16xf32, #tpu.memory_space<vmem_shared>>
      tpu.wait_indirect_dma semaphore(%arg16 : memref<!tpu.dma_semaphore, #tpu.memory_space<semaphore_mem>>) src(%dma_wait3A_100 : memref<10000x16xf32, #tpu.memory_space<vmem_shared>>) dst(%arg8 : memref<80x16xf32, #tpu.memory_space<vmem>>)
      %mul3A_101 = arith.constant 80 : i32
      %mul3A_102 = arith.muli %add3A_82, %mul3A_101 : i32
      %dma_start3A_103 = tpu.memref_slice %arg6[%mul3A_102] : memref<10000xi32, #tpu.memory_space<vmem>> -> memref<80xi32, #tpu.memory_space<vmem>>
      %dma_start3A_104 = arith.constant 0 : i32
      %dma_start3A_105 = arith.constant 0 : i32
      %dma_start3A_106 = tpu.memref_slice %arg13[%dma_start3A_104, %dma_start3A_105] : memref<10240x16xf32, #tpu.memory_space<vmem_shared>> -> memref<10240x16xf32, #tpu.memory_space<vmem_shared>>
      tpu.enqueue_indirect_dma source(%arg8 : memref<80x16xf32, #tpu.memory_space<vmem>>) target(%dma_start3A_106 : memref<10240x16xf32, #tpu.memory_space<vmem_shared>>) offsets(%dma_start3A_103 : memref<80xi32, #tpu.memory_space<vmem>>) semaphore(%arg21 : memref<!tpu.dma_semaphore, #tpu.memory_space<semaphore_mem>>) {add = true}
      %mul3A_107 = arith.constant 5 : i32
      %mul3A_108 = arith.muli %scan3A_53, %mul3A_107 : i32
      %add3A_109 = arith.constant 2 : i32
      %add3A_110 = arith.addi %mul3A_108, %add3A_109 : i32
      %ge3A_111 = arith.constant 3 : i32
      %ge3A_112 = arith.cmpi sge, %add3A_110, %ge3A_111 : i32
      %convert_element_type3A_113 = arith.extui %ge3A_112 : i1 to i32
      %cond3A_114 = arith.constant 0 : i32
      %cond3A_115 = arith.cmpi ne, %convert_element_type3A_113, %cond3A_114 : i32
      scf.if %cond3A_115 {
        %dma_wait3A_192 = arith.constant 0 : i32
        %dma_wait3A_193 = tpu.memref_slice %arg6[%dma_wait3A_192] : memref<10000xi32, #tpu.memory_space<vmem>> -> memref<80xi32, #tpu.memory_space<vmem>>
        %dma_wait3A_194 = arith.constant 0 : i32
        %dma_wait3A_195 = arith.constant 0 : i32
        %dma_wait3A_196 = tpu.memref_slice %arg13[%dma_wait3A_194, %dma_wait3A_195] : memref<10240x16xf32, #tpu.memory_space<vmem_shared>> -> memref<10240x16xf32, #tpu.memory_space<vmem_shared>>
        tpu.wait_indirect_dma semaphore(%arg24 : memref<!tpu.dma_semaphore, #tpu.memory_space<semaphore_mem>>) src(%arg11 : memref<80x16xf32, #tpu.memory_space<vmem>>) dst(%dma_wait3A_196 : memref<10240x16xf32, #tpu.memory_space<vmem_shared>>)
      } else {
      }
      %add3A_116 = arith.constant 2 : i32
      %add3A_117 = arith.addi %add3A_110, %add3A_116 : i32
      %lt3A_118 = arith.constant 125 : i32
      %lt3A_119 = arith.cmpi slt, %add3A_117, %lt3A_118 : i32
      %convert_element_type3A_120 = arith.extui %lt3A_119 : i1 to i32
      %cond3A_121 = arith.constant 0 : i32
      %cond3A_122 = arith.cmpi ne, %convert_element_type3A_120, %cond3A_121 : i32
      scf.if %cond3A_122 {
        %add3A_192 = arith.constant 2 : i32
        %add3A_193 = arith.addi %add3A_110, %add3A_192 : i32
        %mul3A_194 = arith.constant 80 : i32
        %mul3A_195 = arith.muli %add3A_193, %mul3A_194 : i32
        %dma_start3A_196 = tpu.memref_slice %arg5[%mul3A_195] : memref<10000xi32, #tpu.memory_space<vmem>> -> memref<80xi32, #tpu.memory_space<vmem>>
        %dma_start3A_197 = arith.constant 0 : i32
        %dma_start3A_198 = arith.constant 0 : i32
        %dma_start3A_199 = tpu.memref_slice %arg14[%dma_start3A_197, %dma_start3A_198] : memref<10000x16xf32, #tpu.memory_space<vmem_shared>> -> memref<10000x16xf32, #tpu.memory_space<vmem_shared>>
        tpu.enqueue_indirect_dma source(%dma_start3A_199 : memref<10000x16xf32, #tpu.memory_space<vmem_shared>>) target(%arg11 : memref<80x16xf32, #tpu.memory_space<vmem>>) offsets(%dma_start3A_196 : memref<80xi32, #tpu.memory_space<vmem>>) semaphore(%arg19 : memref<!tpu.dma_semaphore, #tpu.memory_space<semaphore_mem>>)
      } else {
      }
      %mul3A_123 = arith.constant 80 : i32
      %mul3A_124 = arith.muli %add3A_110, %mul3A_123 : i32
      %dma_wait3A_125 = tpu.memref_slice %arg5[%mul3A_124] : memref<10000xi32, #tpu.memory_space<vmem>> -> memref<80xi32, #tpu.memory_space<vmem>>
      %dma_wait3A_126 = arith.constant 0 : i32
      %dma_wait3A_127 = arith.constant 0 : i32
      %dma_wait3A_128 = tpu.memref_slice %arg14[%dma_wait3A_126, %dma_wait3A_127] : memref<10000x16xf32, #tpu.memory_space<vmem_shared>> -> memref<10000x16xf32, #tpu.memory_space<vmem_shared>>
      tpu.wait_indirect_dma semaphore(%arg17 : memref<!tpu.dma_semaphore, #tpu.memory_space<semaphore_mem>>) src(%dma_wait3A_128 : memref<10000x16xf32, #tpu.memory_space<vmem_shared>>) dst(%arg9 : memref<80x16xf32, #tpu.memory_space<vmem>>)
      %mul3A_129 = arith.constant 80 : i32
      %mul3A_130 = arith.muli %add3A_110, %mul3A_129 : i32
      %dma_start3A_131 = tpu.memref_slice %arg6[%mul3A_130] : memref<10000xi32, #tpu.memory_space<vmem>> -> memref<80xi32, #tpu.memory_space<vmem>>
      %dma_start3A_132 = arith.constant 0 : i32
      %dma_start3A_133 = arith.constant 0 : i32
      %dma_start3A_134 = tpu.memref_slice %arg13[%dma_start3A_132, %dma_start3A_133] : memref<10240x16xf32, #tpu.memory_space<vmem_shared>> -> memref<10240x16xf32, #tpu.memory_space<vmem_shared>>
      tpu.enqueue_indirect_dma source(%arg9 : memref<80x16xf32, #tpu.memory_space<vmem>>) target(%dma_start3A_134 : memref<10240x16xf32, #tpu.memory_space<vmem_shared>>) offsets(%dma_start3A_131 : memref<80xi32, #tpu.memory_space<vmem>>) semaphore(%arg22 : memref<!tpu.dma_semaphore, #tpu.memory_space<semaphore_mem>>) {add = true}
      %mul3A_135 = arith.constant 5 : i32
      %mul3A_136 = arith.muli %scan3A_53, %mul3A_135 : i32
      %add3A_137 = arith.constant 3 : i32
      %add3A_138 = arith.addi %mul3A_136, %add3A_137 : i32
      %ge3A_139 = arith.constant 3 : i32
      %ge3A_140 = arith.cmpi sge, %add3A_138, %ge3A_139 : i32
      %convert_element_type3A_141 = arith.extui %ge3A_140 : i1 to i32
      %cond3A_142 = arith.constant 0 : i32
      %cond3A_143 = arith.cmpi ne, %convert_element_type3A_141, %cond3A_142 : i32
      scf.if %cond3A_143 {
        %dma_wait3A_192 = arith.constant 0 : i32
        %dma_wait3A_193 = tpu.memref_slice %arg6[%dma_wait3A_192] : memref<10000xi32, #tpu.memory_space<vmem>> -> memref<80xi32, #tpu.memory_space<vmem>>
        %dma_wait3A_194 = arith.constant 0 : i32
        %dma_wait3A_195 = arith.constant 0 : i32
        %dma_wait3A_196 = tpu.memref_slice %arg13[%dma_wait3A_194, %dma_wait3A_195] : memref<10240x16xf32, #tpu.memory_space<vmem_shared>> -> memref<10240x16xf32, #tpu.memory_space<vmem_shared>>
        tpu.wait_indirect_dma semaphore(%arg20 : memref<!tpu.dma_semaphore, #tpu.memory_space<semaphore_mem>>) src(%arg7 : memref<80x16xf32, #tpu.memory_space<vmem>>) dst(%dma_wait3A_196 : memref<10240x16xf32, #tpu.memory_space<vmem_shared>>)
      } else {
      }
      %add3A_144 = arith.constant 2 : i32
      %add3A_145 = arith.addi %add3A_138, %add3A_144 : i32
      %lt3A_146 = arith.constant 125 : i32
      %lt3A_147 = arith.cmpi slt, %add3A_145, %lt3A_146 : i32
      %convert_element_type3A_148 = arith.extui %lt3A_147 : i1 to i32
      %cond3A_149 = arith.constant 0 : i32
      %cond3A_150 = arith.cmpi ne, %convert_element_type3A_148, %cond3A_149 : i32
      scf.if %cond3A_150 {
        %add3A_192 = arith.constant 2 : i32
        %add3A_193 = arith.addi %add3A_138, %add3A_192 : i32
        %mul3A_194 = arith.constant 80 : i32
        %mul3A_195 = arith.muli %add3A_193, %mul3A_194 : i32
        %dma_start3A_196 = tpu.memref_slice %arg5[%mul3A_195] : memref<10000xi32, #tpu.memory_space<vmem>> -> memref<80xi32, #tpu.memory_space<vmem>>
        %dma_start3A_197 = arith.constant 0 : i32
        %dma_start3A_198 = arith.constant 0 : i32
        %dma_start3A_199 = tpu.memref_slice %arg14[%dma_start3A_197, %dma_start3A_198] : memref<10000x16xf32, #tpu.memory_space<vmem_shared>> -> memref<10000x16xf32, #tpu.memory_space<vmem_shared>>
        tpu.enqueue_indirect_dma source(%dma_start3A_199 : memref<10000x16xf32, #tpu.memory_space<vmem_shared>>) target(%arg7 : memref<80x16xf32, #tpu.memory_space<vmem>>) offsets(%dma_start3A_196 : memref<80xi32, #tpu.memory_space<vmem>>) semaphore(%arg15 : memref<!tpu.dma_semaphore, #tpu.memory_space<semaphore_mem>>)
      } else {
      }
      %mul3A_151 = arith.constant 80 : i32
      %mul3A_152 = arith.muli %add3A_138, %mul3A_151 : i32
      %dma_wait3A_153 = tpu.memref_slice %arg5[%mul3A_152] : memref<10000xi32, #tpu.memory_space<vmem>> -> memref<80xi32, #tpu.memory_space<vmem>>
      %dma_wait3A_154 = arith.constant 0 : i32
      %dma_wait3A_155 = arith.constant 0 : i32
      %dma_wait3A_156 = tpu.memref_slice %arg14[%dma_wait3A_154, %dma_wait3A_155] : memref<10000x16xf32, #tpu.memory_space<vmem_shared>> -> memref<10000x16xf32, #tpu.memory_space<vmem_shared>>
      tpu.wait_indirect_dma semaphore(%arg18 : memref<!tpu.dma_semaphore, #tpu.memory_space<semaphore_mem>>) src(%dma_wait3A_156 : memref<10000x16xf32, #tpu.memory_space<vmem_shared>>) dst(%arg10 : memref<80x16xf32, #tpu.memory_space<vmem>>)
      %mul3A_157 = arith.constant 80 : i32
      %mul3A_158 = arith.muli %add3A_138, %mul3A_157 : i32
      %dma_start3A_159 = tpu.memref_slice %arg6[%mul3A_158] : memref<10000xi32, #tpu.memory_space<vmem>> -> memref<80xi32, #tpu.memory_space<vmem>>
      %dma_start3A_160 = arith.constant 0 : i32
      %dma_start3A_161 = arith.constant 0 : i32
      %dma_start3A_162 = tpu.memref_slice %arg13[%dma_start3A_160, %dma_start3A_161] : memref<10240x16xf32, #tpu.memory_space<vmem_shared>> -> memref<10240x16xf32, #tpu.memory_space<vmem_shared>>
      tpu.enqueue_indirect_dma source(%arg10 : memref<80x16xf32, #tpu.memory_space<vmem>>) target(%dma_start3A_162 : memref<10240x16xf32, #tpu.memory_space<vmem_shared>>) offsets(%dma_start3A_159 : memref<80xi32, #tpu.memory_space<vmem>>) semaphore(%arg23 : memref<!tpu.dma_semaphore, #tpu.memory_space<semaphore_mem>>) {add = true}
      %mul3A_163 = arith.constant 5 : i32
      %mul3A_164 = arith.muli %scan3A_53, %mul3A_163 : i32
      %add3A_165 = arith.constant 4 : i32
      %add3A_166 = arith.addi %mul3A_164, %add3A_165 : i32
      %ge3A_167 = arith.constant 3 : i32
      %ge3A_168 = arith.cmpi sge, %add3A_166, %ge3A_167 : i32
      %convert_element_type3A_169 = arith.extui %ge3A_168 : i1 to i32
      %cond3A_170 = arith.constant 0 : i32
      %cond3A_171 = arith.cmpi ne, %convert_element_type3A_169, %cond3A_170 : i32
      scf.if %cond3A_171 {
        %dma_wait3A_192 = arith.constant 0 : i32
        %dma_wait3A_193 = tpu.memref_slice %arg6[%dma_wait3A_192] : memref<10000xi32, #tpu.memory_space<vmem>> -> memref<80xi32, #tpu.memory_space<vmem>>
        %dma_wait3A_194 = arith.constant 0 : i32
        %dma_wait3A_195 = arith.constant 0 : i32
        %dma_wait3A_196 = tpu.memref_slice %arg13[%dma_wait3A_194, %dma_wait3A_195] : memref<10240x16xf32, #tpu.memory_space<vmem_shared>> -> memref<10240x16xf32, #tpu.memory_space<vmem_shared>>
        tpu.wait_indirect_dma semaphore(%arg21 : memref<!tpu.dma_semaphore, #tpu.memory_space<semaphore_mem>>) src(%arg8 : memref<80x16xf32, #tpu.memory_space<vmem>>) dst(%dma_wait3A_196 : memref<10240x16xf32, #tpu.memory_space<vmem_shared>>)
      } else {
      }
      %add3A_172 = arith.constant 2 : i32
      %add3A_173 = arith.addi %add3A_166, %add3A_172 : i32
      %lt3A_174 = arith.constant 125 : i32
      %lt3A_175 = arith.cmpi slt, %add3A_173, %lt3A_174 : i32
      %convert_element_type3A_176 = arith.extui %lt3A_175 : i1 to i32
      %cond3A_177 = arith.constant 0 : i32
      %cond3A_178 = arith.cmpi ne, %convert_element_type3A_176, %cond3A_177 : i32
      scf.if %cond3A_178 {
        %add3A_192 = arith.constant 2 : i32
        %add3A_193 = arith.addi %add3A_166, %add3A_192 : i32
        %mul3A_194 = arith.constant 80 : i32
        %mul3A_195 = arith.muli %add3A_193, %mul3A_194 : i32
        %dma_start3A_196 = tpu.memref_slice %arg5[%mul3A_195] : memref<10000xi32, #tpu.memory_space<vmem>> -> memref<80xi32, #tpu.memory_space<vmem>>
        %dma_start3A_197 = arith.constant 0 : i32
        %dma_start3A_198 = arith.constant 0 : i32
        %dma_start3A_199 = tpu.memref_slice %arg14[%dma_start3A_197, %dma_start3A_198] : memref<10000x16xf32, #tpu.memory_space<vmem_shared>> -> memref<10000x16xf32, #tpu.memory_space<vmem_shared>>
        tpu.enqueue_indirect_dma source(%dma_start3A_199 : memref<10000x16xf32, #tpu.memory_space<vmem_shared>>) target(%arg8 : memref<80x16xf32, #tpu.memory_space<vmem>>) offsets(%dma_start3A_196 : memref<80xi32, #tpu.memory_space<vmem>>) semaphore(%arg16 : memref<!tpu.dma_semaphore, #tpu.memory_space<semaphore_mem>>)
      } else {
      }
      %mul3A_179 = arith.constant 80 : i32
      %mul3A_180 = arith.muli %add3A_166, %mul3A_179 : i32
      %dma_wait3A_181 = tpu.memref_slice %arg5[%mul3A_180] : memref<10000xi32, #tpu.memory_space<vmem>> -> memref<80xi32, #tpu.memory_space<vmem>>
      %dma_wait3A_182 = arith.constant 0 : i32
      %dma_wait3A_183 = arith.constant 0 : i32
      %dma_wait3A_184 = tpu.memref_slice %arg14[%dma_wait3A_182, %dma_wait3A_183] : memref<10000x16xf32, #tpu.memory_space<vmem_shared>> -> memref<10000x16xf32, #tpu.memory_space<vmem_shared>>
      tpu.wait_indirect_dma semaphore(%arg19 : memref<!tpu.dma_semaphore, #tpu.memory_space<semaphore_mem>>) src(%dma_wait3A_184 : memref<10000x16xf32, #tpu.memory_space<vmem_shared>>) dst(%arg11 : memref<80x16xf32, #tpu.memory_space<vmem>>)
      %mul3A_185 = arith.constant 80 : i32
      %mul3A_186 = arith.muli %add3A_166, %mul3A_185 : i32
      %dma_start3A_187 = tpu.memref_slice %arg6[%mul3A_186] : memref<10000xi32, #tpu.memory_space<vmem>> -> memref<80xi32, #tpu.memory_space<vmem>>
      %dma_start3A_188 = arith.constant 0 : i32
      %dma_start3A_189 = arith.constant 0 : i32
      %dma_start3A_190 = tpu.memref_slice %arg13[%dma_start3A_188, %dma_start3A_189] : memref<10240x16xf32, #tpu.memory_space<vmem_shared>> -> memref<10240x16xf32, #tpu.memory_space<vmem_shared>>
      tpu.enqueue_indirect_dma source(%arg11 : memref<80x16xf32, #tpu.memory_space<vmem>>) target(%dma_start3A_190 : memref<10240x16xf32, #tpu.memory_space<vmem_shared>>) offsets(%dma_start3A_187 : memref<80xi32, #tpu.memory_space<vmem>>) semaphore(%arg24 : memref<!tpu.dma_semaphore, #tpu.memory_space<semaphore_mem>>) {add = true}
      %scan3A_191 = arith.constant 0 : i32
      scf.yield %scan3A_191 : i32
    }
    %scan3A_33 = arith.constant 25 : i32
    %dma_wait3A = arith.constant 0 : i32
    %dma_wait3A_34 = tpu.memref_slice %arg6[%dma_wait3A] : memref<10000xi32, #tpu.memory_space<vmem>> -> memref<80xi32, #tpu.memory_space<vmem>>
    %dma_wait3A_35 = arith.constant 0 : i32
    %dma_wait3A_36 = arith.constant 0 : i32
    %dma_wait3A_37 = tpu.memref_slice %arg13[%dma_wait3A_35, %dma_wait3A_36] : memref<10240x16xf32, #tpu.memory_space<vmem_shared>> -> memref<10240x16xf32, #tpu.memory_space<vmem_shared>>
    tpu.wait_indirect_dma semaphore(%arg22 : memref<!tpu.dma_semaphore, #tpu.memory_space<semaphore_mem>>) src(%arg9 : memref<80x16xf32, #tpu.memory_space<vmem>>) dst(%dma_wait3A_37 : memref<10240x16xf32, #tpu.memory_space<vmem_shared>>)
    %dma_wait3A_38 = arith.constant 0 : i32
    %dma_wait3A_39 = tpu.memref_slice %arg6[%dma_wait3A_38] : memref<10000xi32, #tpu.memory_space<vmem>> -> memref<80xi32, #tpu.memory_space<vmem>>
    %dma_wait3A_40 = arith.constant 0 : i32
    %dma_wait3A_41 = arith.constant 0 : i32
    %dma_wait3A_42 = tpu.memref_slice %arg13[%dma_wait3A_40, %dma_wait3A_41] : memref<10240x16xf32, #tpu.memory_space<vmem_shared>> -> memref<10240x16xf32, #tpu.memory_space<vmem_shared>>
    tpu.wait_indirect_dma semaphore(%arg23 : memref<!tpu.dma_semaphore, #tpu.memory_space<semaphore_mem>>) src(%arg10 : memref<80x16xf32, #tpu.memory_space<vmem>>) dst(%dma_wait3A_42 : memref<10240x16xf32, #tpu.memory_space<vmem_shared>>)
    %dma_wait3A_43 = arith.constant 0 : i32
    %dma_wait3A_44 = tpu.memref_slice %arg6[%dma_wait3A_43] : memref<10000xi32, #tpu.memory_space<vmem>> -> memref<80xi32, #tpu.memory_space<vmem>>
    %dma_wait3A_45 = arith.constant 0 : i32
    %dma_wait3A_46 = arith.constant 0 : i32
    %dma_wait3A_47 = tpu.memref_slice %arg13[%dma_wait3A_45, %dma_wait3A_46] : memref<10240x16xf32, #tpu.memory_space<vmem_shared>> -> memref<10240x16xf32, #tpu.memory_space<vmem_shared>>
    tpu.wait_indirect_dma semaphore(%arg24 : memref<!tpu.dma_semaphore, #tpu.memory_space<semaphore_mem>>) src(%arg11 : memref<80x16xf32, #tpu.memory_space<vmem>>) dst(%dma_wait3A_47 : memref<10240x16xf32, #tpu.memory_space<vmem_shared>>)
    %barrier3A_48 = arith.constant 0 : index
    tpu.barrier barrier_id(%barrier3A_48)
    %mul3A_49 = arith.constant 640 : i32
    %mul3A_50 = arith.muli %arg1, %mul3A_49 : i32
    %mul3A_51 = arith.constant 640 : i32
    %mul3A_52 = arith.muli %arg1, %mul3A_51 : i32
    "tpu.region"() ({
      %run_scoped3A_53 = tpu.sem_alloc : memref<!tpu.dma_semaphore, #tpu.memory_space<semaphore_mem>>
      %dma_start3A_54 = arith.constant 0 : i32
      %dma_start3A_55 = tpu.memref_slice %arg4[%arg0, %mul3A_52, %dma_start3A_54] : memref<2x10240x16xf32, #tpu.memory_space<hbm>> -> memref<1x640x16xf32, #tpu.memory_space<hbm>>
      %dma_start3A_56 = tpu.memref_squeeze %dma_start3A_55 : memref<1x640x16xf32, #tpu.memory_space<hbm>> -> memref<640x16xf32, #tpu.memory_space<hbm>>
      %dma_start3A_57 = arith.constant 0 : i32
      %dma_start3A_58 = tpu.memref_slice %arg13[%mul3A_50, %dma_start3A_57] : memref<10240x16xf32, #tpu.memory_space<vmem_shared>> -> memref<640x16xf32, #tpu.memory_space<vmem_shared>>
      tpu.enqueue_dma source(%dma_start3A_58 : memref<640x16xf32, #tpu.memory_space<vmem_shared>>) target(%dma_start3A_56 : memref<640x16xf32, #tpu.memory_space<hbm>>) target_semaphore(%run_scoped3A_53 : memref<!tpu.dma_semaphore, #tpu.memory_space<semaphore_mem>>)
      %dma_wait3A_59 = arith.constant 0 : i32
      %dma_wait3A_60 = tpu.memref_slice %arg4[%arg0, %mul3A_52, %dma_wait3A_59] : memref<2x10240x16xf32, #tpu.memory_space<hbm>> -> memref<1x640x16xf32, #tpu.memory_space<hbm>>
      %dma_wait3A_61 = tpu.memref_squeeze %dma_wait3A_60 : memref<1x640x16xf32, #tpu.memory_space<hbm>> -> memref<640x16xf32, #tpu.memory_space<hbm>>
      %dma_wait3A_62 = arith.constant 0 : i32
      %dma_wait3A_63 = tpu.memref_slice %arg13[%mul3A_50, %dma_wait3A_62] : memref<10240x16xf32, #tpu.memory_space<vmem_shared>> -> memref<640x16xf32, #tpu.memory_space<vmem_shared>>
      tpu.wait_dma2 semaphore(%run_scoped3A_53 : memref<!tpu.dma_semaphore, #tpu.memory_space<semaphore_mem>>) src(%dma_wait3A_63 : memref<640x16xf32, #tpu.memory_space<vmem_shared>>) dst(%dma_wait3A_61 : memref<640x16xf32, #tpu.memory_space<hbm>>)
      tpu.yield
    }) : () -> ()
    return
  }
}

#map = affine_map<(d0, d1) -> (0, 0)>
#map1 = affine_map<(d0, d1) -> (0, 0, 0)>
module attributes {stable_mosaic.version = 14 : i64} {
  func.func @_mp_kernel(%arg0: i32, %arg1: i32, %arg2: memref<10000x16xf32, #tpu.memory_space<hbm>>, %arg3: memref<2x320000xi32, #tpu.memory_space<hbm>>, %arg4: memref<2x10240x16xf32, #tpu.memory_space<hbm>>, %arg5: memref<10000xi32, #tpu.memory_space<vmem>>, %arg6: memref<10000xi32, #tpu.memory_space<vmem>>, %arg7: memref<80x16xf32, #tpu.memory_space<vmem>>, %arg8: memref<80x16xf32, #tpu.memory_space<vmem>>, %arg9: memref<80x16xf32, #tpu.memory_space<vmem>>, %arg10: memref<80x16xf32, #tpu.memory_space<vmem>>, %arg11: memref<80x16xf32, #tpu.memory_space<vmem>>, %arg12: memref<640x16xf32, #tpu.memory_space<vmem>>, %arg13: memref<10240x16xf32, #tpu.memory_space<vmem_shared>>, %arg14: memref<10000x16xf32, #tpu.memory_space<vmem_shared>>, %arg15: memref<!tpu.dma_semaphore, #tpu.memory_space<semaphore_mem>>, %arg16: memref<!tpu.dma_semaphore, #tpu.memory_space<semaphore_mem>>, %arg17: memref<!tpu.dma_semaphore, #tpu.memory_space<semaphore_mem>>, %arg18: memref<!tpu.dma_semaphore, #tpu.memory_space<semaphore_mem>>, %arg19: memref<!tpu.dma_semaphore, #tpu.memory_space<semaphore_mem>>, %arg20: memref<!tpu.dma_semaphore, #tpu.memory_space<semaphore_mem>>, %arg21: memref<!tpu.dma_semaphore, #tpu.memory_space<semaphore_mem>>, %arg22: memref<!tpu.dma_semaphore, #tpu.memory_space<semaphore_mem>>, %arg23: memref<!tpu.dma_semaphore, #tpu.memory_space<semaphore_mem>>, %arg24: memref<!tpu.dma_semaphore, #tpu.memory_space<semaphore_mem>>) attributes {dimension_semantics = [#tpu.dimension_semantics<core_parallel>, #tpu.dimension_semantics<subcore_parallel>], iteration_bounds = array<i64: 2, 16>, scalar_prefetch = 0 : i64, scratch_operands = 20 : i64, tpu.core_type = #tpu.core_type<sc_vector_subcore>, window_params = [{transform_indices = #map}, {transform_indices = #map}, {transform_indices = #map1}]} {
    %mul3A = arith.constant 16 : i32
    %mul3A_0 = arith.muli %arg0, %mul3A : i32
    %add3A = arith.addi %mul3A_0, %arg1 : i32
    %scan3A = arith.constant 0 : i32
    %scan3A_1 = arith.constant 0 : i32
    %scan3A_2 = arith.constant 640 : i32
    %scan3A_3 = arith.addi %scan3A_1, %scan3A_2 : i32
    %scan3A_4 = arith.constant 8 : i32
    %scan3A_5 = scf.for %scan3A_53 = %scan3A_1 to %scan3A_3 step %scan3A_4 iter_args(%scan3A_54 = %scan3A) -> (i32)  : i32 {
      %broadcast_in_dim3A = arith.constant 0.000000e+00 : f32
      %broadcast_in_dim3A_55 = vector.broadcast %broadcast_in_dim3A : f32 to vector<16xf32>
      %swap3A = arith.index_cast %scan3A_53 : i32 to index
      %swap3A_56 = arith.constant 0 : index
      %swap3A_57 = tpu.vector_load %arg12[%swap3A, %swap3A_56] {strides = array<i32>} : memref<640x16xf32, #tpu.memory_space<vmem>>, vector<1x16xf32>,
      %swap3A_58 = vector.shape_cast %swap3A_57 : vector<1x16xf32> to vector<16xf32>
      %swap3A_59 = vector.shape_cast %broadcast_in_dim3A_55 : vector<16xf32> to vector<1x16xf32>
      tpu.vector_store %arg12[%swap3A, %swap3A_56], %swap3A_59 {strides = array<i32>} : memref<640x16xf32, #tpu.memory_space<vmem>>, vector<1x16xf32>,
      %scan3A_60 = arith.constant 0 : i32
      %scan3A_61 = arith.constant 1 : i32
      %scan3A_62 = arith.addi %scan3A_53, %scan3A_61 : i32
      %broadcast_in_dim3A_63 = arith.constant 0.000000e+00 : f32
      %broadcast_in_dim3A_64 = vector.broadcast %broadcast_in_dim3A_63 : f32 to vector<16xf32>
      %swap3A_65 = arith.index_cast %scan3A_62 : i32 to index
      %swap3A_66 = arith.constant 0 : index
      %swap3A_67 = tpu.vector_load %arg12[%swap3A_65, %swap3A_66] {strides = array<i32>} : memref<640x16xf32, #tpu.memory_space<vmem>>, vector<1x16xf32>,
      %swap3A_68 = vector.shape_cast %swap3A_67 : vector<1x16xf32> to vector<16xf32>
      %swap3A_69 = vector.shape_cast %broadcast_in_dim3A_64 : vector<16xf32> to vector<1x16xf32>
      tpu.vector_store %arg12[%swap3A_65, %swap3A_66], %swap3A_69 {strides = array<i32>} : memref<640x16xf32, #tpu.memory_space<vmem>>, vector<1x16xf32>,
      %scan3A_70 = arith.constant 0 : i32
      %scan3A_71 = arith.constant 2 : i32
      %scan3A_72 = arith.addi %scan3A_53, %scan3A_71 : i32
      %broadcast_in_dim3A_73 = arith.constant 0.000000e+00 : f32
      %broadcast_in_dim3A_74 = vector.broadcast %broadcast_in_dim3A_73 : f32 to vector<16xf32>
      %swap3A_75 = arith.index_cast %scan3A_72 : i32 to index
      %swap3A_76 = arith.constant 0 : index
      %swap3A_77 = tpu.vector_load %arg12[%swap3A_75, %swap3A_76] {strides = array<i32>} : memref<640x16xf32, #tpu.memory_space<vmem>>, vector<1x16xf32>,
      %swap3A_78 = vector.shape_cast %swap3A_77 : vector<1x16xf32> to vector<16xf32>
      %swap3A_79 = vector.shape_cast %broadcast_in_dim3A_74 : vector<16xf32> to vector<1x16xf32>
      tpu.vector_store %arg12[%swap3A_75, %swap3A_76], %swap3A_79 {strides = array<i32>} : memref<640x16xf32, #tpu.memory_space<vmem>>, vector<1x16xf32>,
      %scan3A_80 = arith.constant 0 : i32
      %scan3A_81 = arith.constant 3 : i32
      %scan3A_82 = arith.addi %scan3A_53, %scan3A_81 : i32
      %broadcast_in_dim3A_83 = arith.constant 0.000000e+00 : f32
      %broadcast_in_dim3A_84 = vector.broadcast %broadcast_in_dim3A_83 : f32 to vector<16xf32>
      %swap3A_85 = arith.index_cast %scan3A_82 : i32 to index
      %swap3A_86 = arith.constant 0 : index
      %swap3A_87 = tpu.vector_load %arg12[%swap3A_85, %swap3A_86] {strides = array<i32>} : memref<640x16xf32, #tpu.memory_space<vmem>>, vector<1x16xf32>,
      %swap3A_88 = vector.shape_cast %swap3A_87 : vector<1x16xf32> to vector<16xf32>
      %swap3A_89 = vector.shape_cast %broadcast_in_dim3A_84 : vector<16xf32> to vector<1x16xf32>
      tpu.vector_store %arg12[%swap3A_85, %swap3A_86], %swap3A_89 {strides = array<i32>} : memref<640x16xf32, #tpu.memory_space<vmem>>, vector<1x16xf32>,
      %scan3A_90 = arith.constant 0 : i32
      %scan3A_91 = arith.constant 4 : i32
      %scan3A_92 = arith.addi %scan3A_53, %scan3A_91 : i32
      %broadcast_in_dim3A_93 = arith.constant 0.000000e+00 : f32
      %broadcast_in_dim3A_94 = vector.broadcast %broadcast_in_dim3A_93 : f32 to vector<16xf32>
      %swap3A_95 = arith.index_cast %scan3A_92 : i32 to index
      %swap3A_96 = arith.constant 0 : index
      %swap3A_97 = tpu.vector_load %arg12[%swap3A_95, %swap3A_96] {strides = array<i32>} : memref<640x16xf32, #tpu.memory_space<vmem>>, vector<1x16xf32>,
      %swap3A_98 = vector.shape_cast %swap3A_97 : vector<1x16xf32> to vector<16xf32>
      %swap3A_99 = vector.shape_cast %broadcast_in_dim3A_94 : vector<16xf32> to vector<1x16xf32>
      tpu.vector_store %arg12[%swap3A_95, %swap3A_96], %swap3A_99 {strides = array<i32>} : memref<640x16xf32, #tpu.memory_space<vmem>>, vector<1x16xf32>,
      %scan3A_100 = arith.constant 0 : i32
      %scan3A_101 = arith.constant 5 : i32
      %scan3A_102 = arith.addi %scan3A_53, %scan3A_101 : i32
      %broadcast_in_dim3A_103 = arith.constant 0.000000e+00 : f32
      %broadcast_in_dim3A_104 = vector.broadcast %broadcast_in_dim3A_103 : f32 to vector<16xf32>
      %swap3A_105 = arith.index_cast %scan3A_102 : i32 to index
      %swap3A_106 = arith.constant 0 : index
      %swap3A_107 = tpu.vector_load %arg12[%swap3A_105, %swap3A_106] {strides = array<i32>} : memref<640x16xf32, #tpu.memory_space<vmem>>, vector<1x16xf32>,
      %swap3A_108 = vector.shape_cast %swap3A_107 : vector<1x16xf32> to vector<16xf32>
      %swap3A_109 = vector.shape_cast %broadcast_in_dim3A_104 : vector<16xf32> to vector<1x16xf32>
      tpu.vector_store %arg12[%swap3A_105, %swap3A_106], %swap3A_109 {strides = array<i32>} : memref<640x16xf32, #tpu.memory_space<vmem>>, vector<1x16xf32>,
      %scan3A_110 = arith.constant 0 : i32
      %scan3A_111 = arith.constant 6 : i32
      %scan3A_112 = arith.addi %scan3A_53, %scan3A_111 : i32
      %broadcast_in_dim3A_113 = arith.constant 0.000000e+00 : f32
      %broadcast_in_dim3A_114 = vector.broadcast %broadcast_in_dim3A_113 : f32 to vector<16xf32>
      %swap3A_115 = arith.index_cast %scan3A_112 : i32 to index
      %swap3A_116 = arith.constant 0 : index
      %swap3A_117 = tpu.vector_load %arg12[%swap3A_115, %swap3A_116] {strides = array<i32>} : memref<640x16xf32, #tpu.memory_space<vmem>>, vector<1x16xf32>,
      %swap3A_118 = vector.shape_cast %swap3A_117 : vector<1x16xf32> to vector<16xf32>
      %swap3A_119 = vector.shape_cast %broadcast_in_dim3A_114 : vector<16xf32> to vector<1x16xf32>
      tpu.vector_store %arg12[%swap3A_115, %swap3A_116], %swap3A_119 {strides = array<i32>} : memref<640x16xf32, #tpu.memory_space<vmem>>, vector<1x16xf32>,
      %scan3A_120 = arith.constant 0 : i32
      %scan3A_121 = arith.constant 7 : i32
      %scan3A_122 = arith.addi %scan3A_53, %scan3A_121 : i32
      %broadcast_in_dim3A_123 = arith.constant 0.000000e+00 : f32
      %broadcast_in_dim3A_124 = vector.broadcast %broadcast_in_dim3A_123 : f32 to vector<16xf32>
      %swap3A_125 = arith.index_cast %scan3A_122 : i32 to index
      %swap3A_126 = arith.constant 0 : index
      %swap3A_127 = tpu.vector_load %arg12[%swap3A_125, %swap3A_126] {strides = array<i32>} : memref<640x16xf32, #tpu.memory_space<vmem>>, vector<1x16xf32>,
      %swap3A_128 = vector.shape_cast %swap3A_127 : vector<1x16xf32> to vector<16xf32>
      %swap3A_129 = vector.shape_cast %broadcast_in_dim3A_124 : vector<16xf32> to vector<1x16xf32>
      tpu.vector_store %arg12[%swap3A_125, %swap3A_126], %swap3A_129 {strides = array<i32>} : memref<640x16xf32, #tpu.memory_space<vmem>>, vector<1x16xf32>,
      %scan3A_130 = arith.constant 0 : i32
      scf.yield %scan3A_130 : i32
    }
    %scan3A_6 = arith.constant 640 : i32
    %mul3A_7 = arith.constant 640 : i32
    %mul3A_8 = arith.muli %arg1, %mul3A_7 : i32
    "tpu.region"() ({
      %run_scoped3A_53 = tpu.sem_alloc : memref<!tpu.dma_semaphore, #tpu.memory_space<semaphore_mem>>
      %dma_start3A_54 = arith.constant 0 : i32
      %dma_start3A_55 = tpu.memref_slice %arg13[%mul3A_8, %dma_start3A_54] : memref<10240x16xf32, #tpu.memory_space<vmem_shared>> -> memref<640x16xf32, #tpu.memory_space<vmem_shared>>
      %dma_start3A_56 = arith.constant 0 : i32
      %dma_start3A_57 = tpu.memref_slice %arg13[%mul3A_8, %dma_start3A_56] : memref<10240x16xf32, #tpu.memory_space<vmem_shared>> -> memref<640x16xf32, #tpu.memory_space<vmem_shared>>
      tpu.enqueue_dma source(%arg12 : memref<640x16xf32, #tpu.memory_space<vmem>>) target(%dma_start3A_57 : memref<640x16xf32, #tpu.memory_space<vmem_shared>>) target_semaphore(%run_scoped3A_53 : memref<!tpu.dma_semaphore, #tpu.memory_space<semaphore_mem>>)
      %dma_wait3A_58 = arith.constant 0 : i32
      %dma_wait3A_59 = tpu.memref_slice %arg13[%mul3A_8, %dma_wait3A_58] : memref<10240x16xf32, #tpu.memory_space<vmem_shared>> -> memref<640x16xf32, #tpu.memory_space<vmem_shared>>
      %dma_wait3A_60 = arith.constant 0 : i32
      %dma_wait3A_61 = tpu.memref_slice %arg13[%mul3A_8, %dma_wait3A_60] : memref<10240x16xf32, #tpu.memory_space<vmem_shared>> -> memref<640x16xf32, #tpu.memory_space<vmem_shared>>
      tpu.wait_dma2 semaphore(%run_scoped3A_53 : memref<!tpu.dma_semaphore, #tpu.memory_space<semaphore_mem>>) src(%arg12 : memref<640x16xf32, #tpu.memory_space<vmem>>) dst(%dma_wait3A_61 : memref<640x16xf32, #tpu.memory_space<vmem_shared>>)
      tpu.yield
    }) : () -> ()
    %mul3A_9 = arith.constant 625 : i32
    %mul3A_10 = arith.muli %arg1, %mul3A_9 : i32
    %mul3A_11 = arith.constant 625 : i32
    %mul3A_12 = arith.muli %arg1, %mul3A_11 : i32
    "tpu.region"() ({
      %run_scoped3A_53 = tpu.sem_alloc : memref<!tpu.dma_semaphore, #tpu.memory_space<semaphore_mem>>
      %dma_start3A_54 = arith.constant 0 : i32
      %dma_start3A_55 = tpu.memref_slice %arg14[%mul3A_12, %dma_start3A_54] : memref<10000x16xf32, #tpu.memory_space<vmem_shared>> -> memref<625x16xf32, #tpu.memory_space<vmem_shared>>
      %dma_start3A_56 = arith.constant 0 : i32
      %dma_start3A_57 = tpu.memref_slice %arg2[%mul3A_10, %dma_start3A_56] : memref<10000x16xf32, #tpu.memory_space<hbm>> -> memref<625x16xf32, #tpu.memory_space<hbm>>
      tpu.enqueue_dma source(%dma_start3A_57 : memref<625x16xf32, #tpu.memory_space<hbm>>) target(%dma_start3A_55 : memref<625x16xf32, #tpu.memory_space<vmem_shared>>) target_semaphore(%run_scoped3A_53 : memref<!tpu.dma_semaphore, #tpu.memory_space<semaphore_mem>>)
      %dma_wait3A_58 = arith.constant 0 : i32
      %dma_wait3A_59 = tpu.memref_slice %arg14[%mul3A_12, %dma_wait3A_58] : memref<10000x16xf32, #tpu.memory_space<vmem_shared>> -> memref<625x16xf32, #tpu.memory_space<vmem_shared>>
      %dma_wait3A_60 = arith.constant 0 : i32
      %dma_wait3A_61 = tpu.memref_slice %arg2[%mul3A_10, %dma_wait3A_60] : memref<10000x16xf32, #tpu.memory_space<hbm>> -> memref<625x16xf32, #tpu.memory_space<hbm>>
      tpu.wait_dma2 semaphore(%run_scoped3A_53 : memref<!tpu.dma_semaphore, #tpu.memory_space<semaphore_mem>>) src(%dma_wait3A_61 : memref<625x16xf32, #tpu.memory_space<hbm>>) dst(%dma_wait3A_59 : memref<625x16xf32, #tpu.memory_space<vmem_shared>>)
      tpu.yield
    }) : () -> ()
    %barrier3A = arith.constant 0 : index
    tpu.barrier barrier_id(%barrier3A)
    %mul3A_13 = arith.constant 10000 : i32
    %mul3A_14 = arith.muli %add3A, %mul3A_13 : i32
    %run_scoped3A = arith.constant 0 : i32
    "tpu.region"() ({
      %run_scoped3A_53 = tpu.sem_alloc : memref<!tpu.dma_semaphore, #tpu.memory_space<semaphore_mem>>
      %dma_start3A_54 = tpu.memref_slice %arg3[%run_scoped3A, %mul3A_14] : memref<2x320000xi32, #tpu.memory_space<hbm>> -> memref<1x10000xi32, #tpu.memory_space<hbm>>
      %dma_start3A_55 = tpu.memref_squeeze %dma_start3A_54 : memref<1x10000xi32, #tpu.memory_space<hbm>> -> memref<10000xi32, #tpu.memory_space<hbm>>
      %dma_start3A_56 = tpu.memref_slice %arg3[%run_scoped3A, %mul3A_14] : memref<2x320000xi32, #tpu.memory_space<hbm>> -> memref<1x10000xi32, #tpu.memory_space<hbm>>
      %dma_start3A_57 = tpu.memref_squeeze %dma_start3A_56 : memref<1x10000xi32, #tpu.memory_space<hbm>> -> memref<10000xi32, #tpu.memory_space<hbm>>
      tpu.enqueue_dma source(%dma_start3A_57 : memref<10000xi32, #tpu.memory_space<hbm>>) target(%arg5 : memref<10000xi32, #tpu.memory_space<vmem>>) target_semaphore(%run_scoped3A_53 : memref<!tpu.dma_semaphore, #tpu.memory_space<semaphore_mem>>)
      %dma_wait3A_58 = tpu.memref_slice %arg3[%run_scoped3A, %mul3A_14] : memref<2x320000xi32, #tpu.memory_space<hbm>> -> memref<1x10000xi32, #tpu.memory_space<hbm>>
      %dma_wait3A_59 = tpu.memref_squeeze %dma_wait3A_58 : memref<1x10000xi32, #tpu.memory_space<hbm>> -> memref<10000xi32, #tpu.memory_space<hbm>>
      %dma_wait3A_60 = tpu.memref_slice %arg3[%run_scoped3A, %mul3A_14] : memref<2x320000xi32, #tpu.memory_space<hbm>> -> memref<1x10000xi32, #tpu.memory_space<hbm>>
      %dma_wait3A_61 = tpu.memref_squeeze %dma_wait3A_60 : memref<1x10000xi32, #tpu.memory_space<hbm>> -> memref<10000xi32, #tpu.memory_space<hbm>>
      tpu.wait_dma2 semaphore(%run_scoped3A_53 : memref<!tpu.dma_semaphore, #tpu.memory_space<semaphore_mem>>) src(%dma_wait3A_61 : memref<10000xi32, #tpu.memory_space<hbm>>) dst(%arg5 : memref<10000xi32, #tpu.memory_space<vmem>>)
      tpu.yield
    }) : () -> ()
    %mul3A_15 = arith.constant 10000 : i32
    %mul3A_16 = arith.muli %add3A, %mul3A_15 : i32
    %run_scoped3A_17 = arith.constant 1 : i32
    "tpu.region"() ({
      %run_scoped3A_53 = tpu.sem_alloc : memref<!tpu.dma_semaphore, #tpu.memory_space<semaphore_mem>>
      %dma_start3A_54 = tpu.memref_slice %arg3[%run_scoped3A_17, %mul3A_16] : memref<2x320000xi32, #tpu.memory_space<hbm>> -> memref<1x10000xi32, #tpu.memory_space<hbm>>
      %dma_start3A_55 = tpu.memref_squeeze %dma_start3A_54 : memref<1x10000xi32, #tpu.memory_space<hbm>> -> memref<10000xi32, #tpu.memory_space<hbm>>
      %dma_start3A_56 = tpu.memref_slice %arg3[%run_scoped3A_17, %mul3A_16] : memref<2x320000xi32, #tpu.memory_space<hbm>> -> memref<1x10000xi32, #tpu.memory_space<hbm>>
      %dma_start3A_57 = tpu.memref_squeeze %dma_start3A_56 : memref<1x10000xi32, #tpu.memory_space<hbm>> -> memref<10000xi32, #tpu.memory_space<hbm>>
      tpu.enqueue_dma source(%dma_start3A_57 : memref<10000xi32, #tpu.memory_space<hbm>>) target(%arg6 : memref<10000xi32, #tpu.memory_space<vmem>>) target_semaphore(%run_scoped3A_53 : memref<!tpu.dma_semaphore, #tpu.memory_space<semaphore_mem>>)
      %dma_wait3A_58 = tpu.memref_slice %arg3[%run_scoped3A_17, %mul3A_16] : memref<2x320000xi32, #tpu.memory_space<hbm>> -> memref<1x10000xi32, #tpu.memory_space<hbm>>
      %dma_wait3A_59 = tpu.memref_squeeze %dma_wait3A_58 : memref<1x10000xi32, #tpu.memory_space<hbm>> -> memref<10000xi32, #tpu.memory_space<hbm>>
      %dma_wait3A_60 = tpu.memref_slice %arg3[%run_scoped3A_17, %mul3A_16] : memref<2x320000xi32, #tpu.memory_space<hbm>> -> memref<1x10000xi32, #tpu.memory_space<hbm>>
      %dma_wait3A_61 = tpu.memref_squeeze %dma_wait3A_60 : memref<1x10000xi32, #tpu.memory_space<hbm>> -> memref<10000xi32, #tpu.memory_space<hbm>>
      tpu.wait_dma2 semaphore(%run_scoped3A_53 : memref<!tpu.dma_semaphore, #tpu.memory_space<semaphore_mem>>) src(%dma_wait3A_61 : memref<10000xi32, #tpu.memory_space<hbm>>) dst(%arg6 : memref<10000xi32, #tpu.memory_space<vmem>>)
      tpu.yield
    }) : () -> ()
    %dma_start3A = arith.constant 0 : i32
    %dma_start3A_18 = tpu.memref_slice %arg5[%dma_start3A] : memref<10000xi32, #tpu.memory_space<vmem>> -> memref<80xi32, #tpu.memory_space<vmem>>
    %dma_start3A_19 = arith.constant 0 : i32
    %dma_start3A_20 = arith.constant 0 : i32
    %dma_start3A_21 = tpu.memref_slice %arg14[%dma_start3A_19, %dma_start3A_20] : memref<10000x16xf32, #tpu.memory_space<vmem_shared>> -> memref<10000x16xf32, #tpu.memory_space<vmem_shared>>
    tpu.enqueue_indirect_dma source(%dma_start3A_21 : memref<10000x16xf32, #tpu.memory_space<vmem_shared>>) target(%arg7 : memref<80x16xf32, #tpu.memory_space<vmem>>) offsets(%dma_start3A_18 : memref<80xi32, #tpu.memory_space<vmem>>) semaphore(%arg15 : memref<!tpu.dma_semaphore, #tpu.memory_space<semaphore_mem>>)
    %dma_start3A_22 = arith.constant 80 : i32
    %dma_start3A_23 = tpu.memref_slice %arg5[%dma_start3A_22] : memref<10000xi32, #tpu.memory_space<vmem>> -> memref<80xi32, #tpu.memory_space<vmem>>
    %dma_start3A_24 = arith.constant 0 : i32
    %dma_start3A_25 = arith.constant 0 : i32
    %dma_start3A_26 = tpu.memref_slice %arg14[%dma_start3A_24, %dma_start3A_25] : memref<10000x16xf32, #tpu.memory_space<vmem_shared>> -> memref<10000x16xf32, #tpu.memory_space<vmem_shared>>
    tpu.enqueue_indirect_dma source(%dma_start3A_26 : memref<10000x16xf32, #tpu.memory_space<vmem_shared>>) target(%arg8 : memref<80x16xf32, #tpu.memory_space<vmem>>) offsets(%dma_start3A_23 : memref<80xi32, #tpu.memory_space<vmem>>) semaphore(%arg16 : memref<!tpu.dma_semaphore, #tpu.memory_space<semaphore_mem>>)
    %scan3A_27 = arith.constant 0 : i32
    %scan3A_28 = arith.constant 0 : i32
    %scan3A_29 = arith.constant 25 : i32
    %scan3A_30 = arith.addi %scan3A_28, %scan3A_29 : i32
    %scan3A_31 = arith.constant 1 : i32
    %scan3A_32 = scf.for %scan3A_53 = %scan3A_28 to %scan3A_30 step %scan3A_31 iter_args(%scan3A_54 = %scan3A_27) -> (i32)  : i32 {
      %mul3A_55 = arith.constant 5 : i32
      %mul3A_56 = arith.muli %scan3A_53, %mul3A_55 : i32
      %add3A_57 = arith.constant 0 : i32
      %add3A_58 = arith.addi %mul3A_56, %add3A_57 : i32
      %ge3A = arith.constant 3 : i32
      %ge3A_59 = arith.cmpi sge, %add3A_58, %ge3A : i32
      %convert_element_type3A = arith.extui %ge3A_59 : i1 to i32
      %cond3A = arith.constant 0 : i32
      %cond3A_60 = arith.cmpi ne, %convert_element_type3A, %cond3A : i32
      scf.if %cond3A_60 {
        %dma_wait3A_192 = arith.constant 0 : i32
        %dma_wait3A_193 = tpu.memref_slice %arg6[%dma_wait3A_192] : memref<10000xi32, #tpu.memory_space<vmem>> -> memref<80xi32, #tpu.memory_space<vmem>>
        %dma_wait3A_194 = arith.constant 0 : i32
        %dma_wait3A_195 = arith.constant 0 : i32
        %dma_wait3A_196 = tpu.memref_slice %arg13[%dma_wait3A_194, %dma_wait3A_195] : memref<10240x16xf32, #tpu.memory_space<vmem_shared>> -> memref<10240x16xf32, #tpu.memory_space<vmem_shared>>
        tpu.wait_indirect_dma semaphore(%arg22 : memref<!tpu.dma_semaphore, #tpu.memory_space<semaphore_mem>>) src(%arg9 : memref<80x16xf32, #tpu.memory_space<vmem>>) dst(%dma_wait3A_196 : memref<10240x16xf32, #tpu.memory_space<vmem_shared>>)
      } else {
      }
      %add3A_61 = arith.constant 2 : i32
      %add3A_62 = arith.addi %add3A_58, %add3A_61 : i32
      %lt3A = arith.constant 125 : i32
      %lt3A_63 = arith.cmpi slt, %add3A_62, %lt3A : i32
      %convert_element_type3A_64 = arith.extui %lt3A_63 : i1 to i32
      %cond3A_65 = arith.constant 0 : i32
      %cond3A_66 = arith.cmpi ne, %convert_element_type3A_64, %cond3A_65 : i32
      scf.if %cond3A_66 {
        %add3A_192 = arith.constant 2 : i32
        %add3A_193 = arith.addi %add3A_58, %add3A_192 : i32
        %mul3A_194 = arith.constant 80 : i32
        %mul3A_195 = arith.muli %add3A_193, %mul3A_194 : i32
        %dma_start3A_196 = tpu.memref_slice %arg5[%mul3A_195] : memref<10000xi32, #tpu.memory_space<vmem>> -> memref<80xi32, #tpu.memory_space<vmem>>
        %dma_start3A_197 = arith.constant 0 : i32
        %dma_start3A_198 = arith.constant 0 : i32
        %dma_start3A_199 = tpu.memref_slice %arg14[%dma_start3A_197, %dma_start3A_198] : memref<10000x16xf32, #tpu.memory_space<vmem_shared>> -> memref<10000x16xf32, #tpu.memory_space<vmem_shared>>
        tpu.enqueue_indirect_dma source(%dma_start3A_199 : memref<10000x16xf32, #tpu.memory_space<vmem_shared>>) target(%arg9 : memref<80x16xf32, #tpu.memory_space<vmem>>) offsets(%dma_start3A_196 : memref<80xi32, #tpu.memory_space<vmem>>) semaphore(%arg17 : memref<!tpu.dma_semaphore, #tpu.memory_space<semaphore_mem>>)
      } else {
      }
      %mul3A_67 = arith.constant 80 : i32
      %mul3A_68 = arith.muli %add3A_58, %mul3A_67 : i32
      %dma_wait3A_69 = tpu.memref_slice %arg5[%mul3A_68] : memref<10000xi32, #tpu.memory_space<vmem>> -> memref<80xi32, #tpu.memory_space<vmem>>
      %dma_wait3A_70 = arith.constant 0 : i32
      %dma_wait3A_71 = arith.constant 0 : i32
      %dma_wait3A_72 = tpu.memref_slice %arg14[%dma_wait3A_70, %dma_wait3A_71] : memref<10000x16xf32, #tpu.memory_space<vmem_shared>> -> memref<10000x16xf32, #tpu.memory_space<vmem_shared>>
      tpu.wait_indirect_dma semaphore(%arg15 : memref<!tpu.dma_semaphore, #tpu.memory_space<semaphore_mem>>) src(%dma_wait3A_72 : memref<10000x16xf32, #tpu.memory_space<vmem_shared>>) dst(%arg7 : memref<80x16xf32, #tpu.memory_space<vmem>>)
      %mul3A_73 = arith.constant 80 : i32
      %mul3A_74 = arith.muli %add3A_58, %mul3A_73 : i32
      %dma_start3A_75 = tpu.memref_slice %arg6[%mul3A_74] : memref<10000xi32, #tpu.memory_space<vmem>> -> memref<80xi32, #tpu.memory_space<vmem>>
      %dma_start3A_76 = arith.constant 0 : i32
      %dma_start3A_77 = arith.constant 0 : i32
      %dma_start3A_78 = tpu.memref_slice %arg13[%dma_start3A_76, %dma_start3A_77] : memref<10240x16xf32, #tpu.memory_space<vmem_shared>> -> memref<10240x16xf32, #tpu.memory_space<vmem_shared>>
      tpu.enqueue_indirect_dma source(%arg7 : memref<80x16xf32, #tpu.memory_space<vmem>>) target(%dma_start3A_78 : memref<10240x16xf32, #tpu.memory_space<vmem_shared>>) offsets(%dma_start3A_75 : memref<80xi32, #tpu.memory_space<vmem>>) semaphore(%arg20 : memref<!tpu.dma_semaphore, #tpu.memory_space<semaphore_mem>>) {add = true}
      %mul3A_79 = arith.constant 5 : i32
      %mul3A_80 = arith.muli %scan3A_53, %mul3A_79 : i32
      %add3A_81 = arith.constant 1 : i32
      %add3A_82 = arith.addi %mul3A_80, %add3A_81 : i32
      %ge3A_83 = arith.constant 3 : i32
      %ge3A_84 = arith.cmpi sge, %add3A_82, %ge3A_83 : i32
      %convert_element_type3A_85 = arith.extui %ge3A_84 : i1 to i32
      %cond3A_86 = arith.constant 0 : i32
      %cond3A_87 = arith.cmpi ne, %convert_element_type3A_85, %cond3A_86 : i32
      scf.if %cond3A_87 {
        %dma_wait3A_192 = arith.constant 0 : i32
        %dma_wait3A_193 = tpu.memref_slice %arg6[%dma_wait3A_192] : memref<10000xi32, #tpu.memory_space<vmem>> -> memref<80xi32, #tpu.memory_space<vmem>>
        %dma_wait3A_194 = arith.constant 0 : i32
        %dma_wait3A_195 = arith.constant 0 : i32
        %dma_wait3A_196 = tpu.memref_slice %arg13[%dma_wait3A_194, %dma_wait3A_195] : memref<10240x16xf32, #tpu.memory_space<vmem_shared>> -> memref<10240x16xf32, #tpu.memory_space<vmem_shared>>
        tpu.wait_indirect_dma semaphore(%arg23 : memref<!tpu.dma_semaphore, #tpu.memory_space<semaphore_mem>>) src(%arg10 : memref<80x16xf32, #tpu.memory_space<vmem>>) dst(%dma_wait3A_196 : memref<10240x16xf32, #tpu.memory_space<vmem_shared>>)
      } else {
      }
      %add3A_88 = arith.constant 2 : i32
      %add3A_89 = arith.addi %add3A_82, %add3A_88 : i32
      %lt3A_90 = arith.constant 125 : i32
      %lt3A_91 = arith.cmpi slt, %add3A_89, %lt3A_90 : i32
      %convert_element_type3A_92 = arith.extui %lt3A_91 : i1 to i32
      %cond3A_93 = arith.constant 0 : i32
      %cond3A_94 = arith.cmpi ne, %convert_element_type3A_92, %cond3A_93 : i32
      scf.if %cond3A_94 {
        %add3A_192 = arith.constant 2 : i32
        %add3A_193 = arith.addi %add3A_82, %add3A_192 : i32
        %mul3A_194 = arith.constant 80 : i32
        %mul3A_195 = arith.muli %add3A_193, %mul3A_194 : i32
        %dma_start3A_196 = tpu.memref_slice %arg5[%mul3A_195] : memref<10000xi32, #tpu.memory_space<vmem>> -> memref<80xi32, #tpu.memory_space<vmem>>
        %dma_start3A_197 = arith.constant 0 : i32
        %dma_start3A_198 = arith.constant 0 : i32
        %dma_start3A_199 = tpu.memref_slice %arg14[%dma_start3A_197, %dma_start3A_198] : memref<10000x16xf32, #tpu.memory_space<vmem_shared>> -> memref<10000x16xf32, #tpu.memory_space<vmem_shared>>
        tpu.enqueue_indirect_dma source(%dma_start3A_199 : memref<10000x16xf32, #tpu.memory_space<vmem_shared>>) target(%arg10 : memref<80x16xf32, #tpu.memory_space<vmem>>) offsets(%dma_start3A_196 : memref<80xi32, #tpu.memory_space<vmem>>) semaphore(%arg18 : memref<!tpu.dma_semaphore, #tpu.memory_space<semaphore_mem>>)
      } else {
      }
      %mul3A_95 = arith.constant 80 : i32
      %mul3A_96 = arith.muli %add3A_82, %mul3A_95 : i32
      %dma_wait3A_97 = tpu.memref_slice %arg5[%mul3A_96] : memref<10000xi32, #tpu.memory_space<vmem>> -> memref<80xi32, #tpu.memory_space<vmem>>
      %dma_wait3A_98 = arith.constant 0 : i32
      %dma_wait3A_99 = arith.constant 0 : i32
      %dma_wait3A_100 = tpu.memref_slice %arg14[%dma_wait3A_98, %dma_wait3A_99] : memref<10000x16xf32, #tpu.memory_space<vmem_shared>> -> memref<10000x16xf32, #tpu.memory_space<vmem_shared>>
      tpu.wait_indirect_dma semaphore(%arg16 : memref<!tpu.dma_semaphore, #tpu.memory_space<semaphore_mem>>) src(%dma_wait3A_100 : memref<10000x16xf32, #tpu.memory_space<vmem_shared>>) dst(%arg8 : memref<80x16xf32, #tpu.memory_space<vmem>>)
      %mul3A_101 = arith.constant 80 : i32
      %mul3A_102 = arith.muli %add3A_82, %mul3A_101 : i32
      %dma_start3A_103 = tpu.memref_slice %arg6[%mul3A_102] : memref<10000xi32, #tpu.memory_space<vmem>> -> memref<80xi32, #tpu.memory_space<vmem>>
      %dma_start3A_104 = arith.constant 0 : i32
      %dma_start3A_105 = arith.constant 0 : i32
      %dma_start3A_106 = tpu.memref_slice %arg13[%dma_start3A_104, %dma_start3A_105] : memref<10240x16xf32, #tpu.memory_space<vmem_shared>> -> memref<10240x16xf32, #tpu.memory_space<vmem_shared>>
      tpu.enqueue_indirect_dma source(%arg8 : memref<80x16xf32, #tpu.memory_space<vmem>>) target(%dma_start3A_106 : memref<10240x16xf32, #tpu.memory_space<vmem_shared>>) offsets(%dma_start3A_103 : memref<80xi32, #tpu.memory_space<vmem>>) semaphore(%arg21 : memref<!tpu.dma_semaphore, #tpu.memory_space<semaphore_mem>>) {add = true}
      %mul3A_107 = arith.constant 5 : i32
      %mul3A_108 = arith.muli %scan3A_53, %mul3A_107 : i32
      %add3A_109 = arith.constant 2 : i32
      %add3A_110 = arith.addi %mul3A_108, %add3A_109 : i32
      %ge3A_111 = arith.constant 3 : i32
      %ge3A_112 = arith.cmpi sge, %add3A_110, %ge3A_111 : i32
      %convert_element_type3A_113 = arith.extui %ge3A_112 : i1 to i32
      %cond3A_114 = arith.constant 0 : i32
      %cond3A_115 = arith.cmpi ne, %convert_element_type3A_113, %cond3A_114 : i32
      scf.if %cond3A_115 {
        %dma_wait3A_192 = arith.constant 0 : i32
        %dma_wait3A_193 = tpu.memref_slice %arg6[%dma_wait3A_192] : memref<10000xi32, #tpu.memory_space<vmem>> -> memref<80xi32, #tpu.memory_space<vmem>>
        %dma_wait3A_194 = arith.constant 0 : i32
        %dma_wait3A_195 = arith.constant 0 : i32
        %dma_wait3A_196 = tpu.memref_slice %arg13[%dma_wait3A_194, %dma_wait3A_195] : memref<10240x16xf32, #tpu.memory_space<vmem_shared>> -> memref<10240x16xf32, #tpu.memory_space<vmem_shared>>
        tpu.wait_indirect_dma semaphore(%arg24 : memref<!tpu.dma_semaphore, #tpu.memory_space<semaphore_mem>>) src(%arg11 : memref<80x16xf32, #tpu.memory_space<vmem>>) dst(%dma_wait3A_196 : memref<10240x16xf32, #tpu.memory_space<vmem_shared>>)
      } else {
      }
      %add3A_116 = arith.constant 2 : i32
      %add3A_117 = arith.addi %add3A_110, %add3A_116 : i32
      %lt3A_118 = arith.constant 125 : i32
      %lt3A_119 = arith.cmpi slt, %add3A_117, %lt3A_118 : i32
      %convert_element_type3A_120 = arith.extui %lt3A_119 : i1 to i32
      %cond3A_121 = arith.constant 0 : i32
      %cond3A_122 = arith.cmpi ne, %convert_element_type3A_120, %cond3A_121 : i32
      scf.if %cond3A_122 {
        %add3A_192 = arith.constant 2 : i32
        %add3A_193 = arith.addi %add3A_110, %add3A_192 : i32
        %mul3A_194 = arith.constant 80 : i32
        %mul3A_195 = arith.muli %add3A_193, %mul3A_194 : i32
        %dma_start3A_196 = tpu.memref_slice %arg5[%mul3A_195] : memref<10000xi32, #tpu.memory_space<vmem>> -> memref<80xi32, #tpu.memory_space<vmem>>
        %dma_start3A_197 = arith.constant 0 : i32
        %dma_start3A_198 = arith.constant 0 : i32
        %dma_start3A_199 = tpu.memref_slice %arg14[%dma_start3A_197, %dma_start3A_198] : memref<10000x16xf32, #tpu.memory_space<vmem_shared>> -> memref<10000x16xf32, #tpu.memory_space<vmem_shared>>
        tpu.enqueue_indirect_dma source(%dma_start3A_199 : memref<10000x16xf32, #tpu.memory_space<vmem_shared>>) target(%arg11 : memref<80x16xf32, #tpu.memory_space<vmem>>) offsets(%dma_start3A_196 : memref<80xi32, #tpu.memory_space<vmem>>) semaphore(%arg19 : memref<!tpu.dma_semaphore, #tpu.memory_space<semaphore_mem>>)
      } else {
      }
      %mul3A_123 = arith.constant 80 : i32
      %mul3A_124 = arith.muli %add3A_110, %mul3A_123 : i32
      %dma_wait3A_125 = tpu.memref_slice %arg5[%mul3A_124] : memref<10000xi32, #tpu.memory_space<vmem>> -> memref<80xi32, #tpu.memory_space<vmem>>
      %dma_wait3A_126 = arith.constant 0 : i32
      %dma_wait3A_127 = arith.constant 0 : i32
      %dma_wait3A_128 = tpu.memref_slice %arg14[%dma_wait3A_126, %dma_wait3A_127] : memref<10000x16xf32, #tpu.memory_space<vmem_shared>> -> memref<10000x16xf32, #tpu.memory_space<vmem_shared>>
      tpu.wait_indirect_dma semaphore(%arg17 : memref<!tpu.dma_semaphore, #tpu.memory_space<semaphore_mem>>) src(%dma_wait3A_128 : memref<10000x16xf32, #tpu.memory_space<vmem_shared>>) dst(%arg9 : memref<80x16xf32, #tpu.memory_space<vmem>>)
      %mul3A_129 = arith.constant 80 : i32
      %mul3A_130 = arith.muli %add3A_110, %mul3A_129 : i32
      %dma_start3A_131 = tpu.memref_slice %arg6[%mul3A_130] : memref<10000xi32, #tpu.memory_space<vmem>> -> memref<80xi32, #tpu.memory_space<vmem>>
      %dma_start3A_132 = arith.constant 0 : i32
      %dma_start3A_133 = arith.constant 0 : i32
      %dma_start3A_134 = tpu.memref_slice %arg13[%dma_start3A_132, %dma_start3A_133] : memref<10240x16xf32, #tpu.memory_space<vmem_shared>> -> memref<10240x16xf32, #tpu.memory_space<vmem_shared>>
      tpu.enqueue_indirect_dma source(%arg9 : memref<80x16xf32, #tpu.memory_space<vmem>>) target(%dma_start3A_134 : memref<10240x16xf32, #tpu.memory_space<vmem_shared>>) offsets(%dma_start3A_131 : memref<80xi32, #tpu.memory_space<vmem>>) semaphore(%arg22 : memref<!tpu.dma_semaphore, #tpu.memory_space<semaphore_mem>>) {add = true}
      %mul3A_135 = arith.constant 5 : i32
      %mul3A_136 = arith.muli %scan3A_53, %mul3A_135 : i32
      %add3A_137 = arith.constant 3 : i32
      %add3A_138 = arith.addi %mul3A_136, %add3A_137 : i32
      %ge3A_139 = arith.constant 3 : i32
      %ge3A_140 = arith.cmpi sge, %add3A_138, %ge3A_139 : i32
      %convert_element_type3A_141 = arith.extui %ge3A_140 : i1 to i32
      %cond3A_142 = arith.constant 0 : i32
      %cond3A_143 = arith.cmpi ne, %convert_element_type3A_141, %cond3A_142 : i32
      scf.if %cond3A_143 {
        %dma_wait3A_192 = arith.constant 0 : i32
        %dma_wait3A_193 = tpu.memref_slice %arg6[%dma_wait3A_192] : memref<10000xi32, #tpu.memory_space<vmem>> -> memref<80xi32, #tpu.memory_space<vmem>>
        %dma_wait3A_194 = arith.constant 0 : i32
        %dma_wait3A_195 = arith.constant 0 : i32
        %dma_wait3A_196 = tpu.memref_slice %arg13[%dma_wait3A_194, %dma_wait3A_195] : memref<10240x16xf32, #tpu.memory_space<vmem_shared>> -> memref<10240x16xf32, #tpu.memory_space<vmem_shared>>
        tpu.wait_indirect_dma semaphore(%arg20 : memref<!tpu.dma_semaphore, #tpu.memory_space<semaphore_mem>>) src(%arg7 : memref<80x16xf32, #tpu.memory_space<vmem>>) dst(%dma_wait3A_196 : memref<10240x16xf32, #tpu.memory_space<vmem_shared>>)
      } else {
      }
      %add3A_144 = arith.constant 2 : i32
      %add3A_145 = arith.addi %add3A_138, %add3A_144 : i32
      %lt3A_146 = arith.constant 125 : i32
      %lt3A_147 = arith.cmpi slt, %add3A_145, %lt3A_146 : i32
      %convert_element_type3A_148 = arith.extui %lt3A_147 : i1 to i32
      %cond3A_149 = arith.constant 0 : i32
      %cond3A_150 = arith.cmpi ne, %convert_element_type3A_148, %cond3A_149 : i32
      scf.if %cond3A_150 {
        %add3A_192 = arith.constant 2 : i32
        %add3A_193 = arith.addi %add3A_138, %add3A_192 : i32
        %mul3A_194 = arith.constant 80 : i32
        %mul3A_195 = arith.muli %add3A_193, %mul3A_194 : i32
        %dma_start3A_196 = tpu.memref_slice %arg5[%mul3A_195] : memref<10000xi32, #tpu.memory_space<vmem>> -> memref<80xi32, #tpu.memory_space<vmem>>
        %dma_start3A_197 = arith.constant 0 : i32
        %dma_start3A_198 = arith.constant 0 : i32
        %dma_start3A_199 = tpu.memref_slice %arg14[%dma_start3A_197, %dma_start3A_198] : memref<10000x16xf32, #tpu.memory_space<vmem_shared>> -> memref<10000x16xf32, #tpu.memory_space<vmem_shared>>
        tpu.enqueue_indirect_dma source(%dma_start3A_199 : memref<10000x16xf32, #tpu.memory_space<vmem_shared>>) target(%arg7 : memref<80x16xf32, #tpu.memory_space<vmem>>) offsets(%dma_start3A_196 : memref<80xi32, #tpu.memory_space<vmem>>) semaphore(%arg15 : memref<!tpu.dma_semaphore, #tpu.memory_space<semaphore_mem>>)
      } else {
      }
      %mul3A_151 = arith.constant 80 : i32
      %mul3A_152 = arith.muli %add3A_138, %mul3A_151 : i32
      %dma_wait3A_153 = tpu.memref_slice %arg5[%mul3A_152] : memref<10000xi32, #tpu.memory_space<vmem>> -> memref<80xi32, #tpu.memory_space<vmem>>
      %dma_wait3A_154 = arith.constant 0 : i32
      %dma_wait3A_155 = arith.constant 0 : i32
      %dma_wait3A_156 = tpu.memref_slice %arg14[%dma_wait3A_154, %dma_wait3A_155] : memref<10000x16xf32, #tpu.memory_space<vmem_shared>> -> memref<10000x16xf32, #tpu.memory_space<vmem_shared>>
      tpu.wait_indirect_dma semaphore(%arg18 : memref<!tpu.dma_semaphore, #tpu.memory_space<semaphore_mem>>) src(%dma_wait3A_156 : memref<10000x16xf32, #tpu.memory_space<vmem_shared>>) dst(%arg10 : memref<80x16xf32, #tpu.memory_space<vmem>>)
      %mul3A_157 = arith.constant 80 : i32
      %mul3A_158 = arith.muli %add3A_138, %mul3A_157 : i32
      %dma_start3A_159 = tpu.memref_slice %arg6[%mul3A_158] : memref<10000xi32, #tpu.memory_space<vmem>> -> memref<80xi32, #tpu.memory_space<vmem>>
      %dma_start3A_160 = arith.constant 0 : i32
      %dma_start3A_161 = arith.constant 0 : i32
      %dma_start3A_162 = tpu.memref_slice %arg13[%dma_start3A_160, %dma_start3A_161] : memref<10240x16xf32, #tpu.memory_space<vmem_shared>> -> memref<10240x16xf32, #tpu.memory_space<vmem_shared>>
      tpu.enqueue_indirect_dma source(%arg10 : memref<80x16xf32, #tpu.memory_space<vmem>>) target(%dma_start3A_162 : memref<10240x16xf32, #tpu.memory_space<vmem_shared>>) offsets(%dma_start3A_159 : memref<80xi32, #tpu.memory_space<vmem>>) semaphore(%arg23 : memref<!tpu.dma_semaphore, #tpu.memory_space<semaphore_mem>>) {add = true}
      %mul3A_163 = arith.constant 5 : i32
      %mul3A_164 = arith.muli %scan3A_53, %mul3A_163 : i32
      %add3A_165 = arith.constant 4 : i32
      %add3A_166 = arith.addi %mul3A_164, %add3A_165 : i32
      %ge3A_167 = arith.constant 3 : i32
      %ge3A_168 = arith.cmpi sge, %add3A_166, %ge3A_167 : i32
      %convert_element_type3A_169 = arith.extui %ge3A_168 : i1 to i32
      %cond3A_170 = arith.constant 0 : i32
      %cond3A_171 = arith.cmpi ne, %convert_element_type3A_169, %cond3A_170 : i32
      scf.if %cond3A_171 {
        %dma_wait3A_192 = arith.constant 0 : i32
        %dma_wait3A_193 = tpu.memref_slice %arg6[%dma_wait3A_192] : memref<10000xi32, #tpu.memory_space<vmem>> -> memref<80xi32, #tpu.memory_space<vmem>>
        %dma_wait3A_194 = arith.constant 0 : i32
        %dma_wait3A_195 = arith.constant 0 : i32
        %dma_wait3A_196 = tpu.memref_slice %arg13[%dma_wait3A_194, %dma_wait3A_195] : memref<10240x16xf32, #tpu.memory_space<vmem_shared>> -> memref<10240x16xf32, #tpu.memory_space<vmem_shared>>
        tpu.wait_indirect_dma semaphore(%arg21 : memref<!tpu.dma_semaphore, #tpu.memory_space<semaphore_mem>>) src(%arg8 : memref<80x16xf32, #tpu.memory_space<vmem>>) dst(%dma_wait3A_196 : memref<10240x16xf32, #tpu.memory_space<vmem_shared>>)
      } else {
      }
      %add3A_172 = arith.constant 2 : i32
      %add3A_173 = arith.addi %add3A_166, %add3A_172 : i32
      %lt3A_174 = arith.constant 125 : i32
      %lt3A_175 = arith.cmpi slt, %add3A_173, %lt3A_174 : i32
      %convert_element_type3A_176 = arith.extui %lt3A_175 : i1 to i32
      %cond3A_177 = arith.constant 0 : i32
      %cond3A_178 = arith.cmpi ne, %convert_element_type3A_176, %cond3A_177 : i32
      scf.if %cond3A_178 {
        %add3A_192 = arith.constant 2 : i32
        %add3A_193 = arith.addi %add3A_166, %add3A_192 : i32
        %mul3A_194 = arith.constant 80 : i32
        %mul3A_195 = arith.muli %add3A_193, %mul3A_194 : i32
        %dma_start3A_196 = tpu.memref_slice %arg5[%mul3A_195] : memref<10000xi32, #tpu.memory_space<vmem>> -> memref<80xi32, #tpu.memory_space<vmem>>
        %dma_start3A_197 = arith.constant 0 : i32
        %dma_start3A_198 = arith.constant 0 : i32
        %dma_start3A_199 = tpu.memref_slice %arg14[%dma_start3A_197, %dma_start3A_198] : memref<10000x16xf32, #tpu.memory_space<vmem_shared>> -> memref<10000x16xf32, #tpu.memory_space<vmem_shared>>
        tpu.enqueue_indirect_dma source(%dma_start3A_199 : memref<10000x16xf32, #tpu.memory_space<vmem_shared>>) target(%arg8 : memref<80x16xf32, #tpu.memory_space<vmem>>) offsets(%dma_start3A_196 : memref<80xi32, #tpu.memory_space<vmem>>) semaphore(%arg16 : memref<!tpu.dma_semaphore, #tpu.memory_space<semaphore_mem>>)
      } else {
      }
      %mul3A_179 = arith.constant 80 : i32
      %mul3A_180 = arith.muli %add3A_166, %mul3A_179 : i32
      %dma_wait3A_181 = tpu.memref_slice %arg5[%mul3A_180] : memref<10000xi32, #tpu.memory_space<vmem>> -> memref<80xi32, #tpu.memory_space<vmem>>
      %dma_wait3A_182 = arith.constant 0 : i32
      %dma_wait3A_183 = arith.constant 0 : i32
      %dma_wait3A_184 = tpu.memref_slice %arg14[%dma_wait3A_182, %dma_wait3A_183] : memref<10000x16xf32, #tpu.memory_space<vmem_shared>> -> memref<10000x16xf32, #tpu.memory_space<vmem_shared>>
      tpu.wait_indirect_dma semaphore(%arg19 : memref<!tpu.dma_semaphore, #tpu.memory_space<semaphore_mem>>) src(%dma_wait3A_184 : memref<10000x16xf32, #tpu.memory_space<vmem_shared>>) dst(%arg11 : memref<80x16xf32, #tpu.memory_space<vmem>>)
      %mul3A_185 = arith.constant 80 : i32
      %mul3A_186 = arith.muli %add3A_166, %mul3A_185 : i32
      %dma_start3A_187 = tpu.memref_slice %arg6[%mul3A_186] : memref<10000xi32, #tpu.memory_space<vmem>> -> memref<80xi32, #tpu.memory_space<vmem>>
      %dma_start3A_188 = arith.constant 0 : i32
      %dma_start3A_189 = arith.constant 0 : i32
      %dma_start3A_190 = tpu.memref_slice %arg13[%dma_start3A_188, %dma_start3A_189] : memref<10240x16xf32, #tpu.memory_space<vmem_shared>> -> memref<10240x16xf32, #tpu.memory_space<vmem_shared>>
      tpu.enqueue_indirect_dma source(%arg11 : memref<80x16xf32, #tpu.memory_space<vmem>>) target(%dma_start3A_190 : memref<10240x16xf32, #tpu.memory_space<vmem_shared>>) offsets(%dma_start3A_187 : memref<80xi32, #tpu.memory_space<vmem>>) semaphore(%arg24 : memref<!tpu.dma_semaphore, #tpu.memory_space<semaphore_mem>>) {add = true}
      %scan3A_191 = arith.constant 0 : i32
      scf.yield %scan3A_191 : i32
    }
    %scan3A_33 = arith.constant 25 : i32
    %dma_wait3A = arith.constant 0 : i32
    %dma_wait3A_34 = tpu.memref_slice %arg6[%dma_wait3A] : memref<10000xi32, #tpu.memory_space<vmem>> -> memref<80xi32, #tpu.memory_space<vmem>>
    %dma_wait3A_35 = arith.constant 0 : i32
    %dma_wait3A_36 = arith.constant 0 : i32
    %dma_wait3A_37 = tpu.memref_slice %arg13[%dma_wait3A_35, %dma_wait3A_36] : memref<10240x16xf32, #tpu.memory_space<vmem_shared>> -> memref<10240x16xf32, #tpu.memory_space<vmem_shared>>
    tpu.wait_indirect_dma semaphore(%arg22 : memref<!tpu.dma_semaphore, #tpu.memory_space<semaphore_mem>>) src(%arg9 : memref<80x16xf32, #tpu.memory_space<vmem>>) dst(%dma_wait3A_37 : memref<10240x16xf32, #tpu.memory_space<vmem_shared>>)
    %dma_wait3A_38 = arith.constant 0 : i32
    %dma_wait3A_39 = tpu.memref_slice %arg6[%dma_wait3A_38] : memref<10000xi32, #tpu.memory_space<vmem>> -> memref<80xi32, #tpu.memory_space<vmem>>
    %dma_wait3A_40 = arith.constant 0 : i32
    %dma_wait3A_41 = arith.constant 0 : i32
    %dma_wait3A_42 = tpu.memref_slice %arg13[%dma_wait3A_40, %dma_wait3A_41] : memref<10240x16xf32, #tpu.memory_space<vmem_shared>> -> memref<10240x16xf32, #tpu.memory_space<vmem_shared>>
    tpu.wait_indirect_dma semaphore(%arg23 : memref<!tpu.dma_semaphore, #tpu.memory_space<semaphore_mem>>) src(%arg10 : memref<80x16xf32, #tpu.memory_space<vmem>>) dst(%dma_wait3A_42 : memref<10240x16xf32, #tpu.memory_space<vmem_shared>>)
    %dma_wait3A_43 = arith.constant 0 : i32
    %dma_wait3A_44 = tpu.memref_slice %arg6[%dma_wait3A_43] : memref<10000xi32, #tpu.memory_space<vmem>> -> memref<80xi32, #tpu.memory_space<vmem>>
    %dma_wait3A_45 = arith.constant 0 : i32
    %dma_wait3A_46 = arith.constant 0 : i32
    %dma_wait3A_47 = tpu.memref_slice %arg13[%dma_wait3A_45, %dma_wait3A_46] : memref<10240x16xf32, #tpu.memory_space<vmem_shared>> -> memref<10240x16xf32, #tpu.memory_space<vmem_shared>>
    tpu.wait_indirect_dma semaphore(%arg24 : memref<!tpu.dma_semaphore, #tpu.memory_space<semaphore_mem>>) src(%arg11 : memref<80x16xf32, #tpu.memory_space<vmem>>) dst(%dma_wait3A_47 : memref<10240x16xf32, #tpu.memory_space<vmem_shared>>)
    %barrier3A_48 = arith.constant 0 : index
    tpu.barrier barrier_id(%barrier3A_48)
    %mul3A_49 = arith.constant 640 : i32
    %mul3A_50 = arith.muli %arg1, %mul3A_49 : i32
    %mul3A_51 = arith.constant 640 : i32
    %mul3A_52 = arith.muli %arg1, %mul3A_51 : i32
    "tpu.region"() ({
      %run_scoped3A_53 = tpu.sem_alloc : memref<!tpu.dma_semaphore, #tpu.memory_space<semaphore_mem>>
      %dma_start3A_54 = arith.constant 0 : i32
      %dma_start3A_55 = tpu.memref_slice %arg4[%arg0, %mul3A_52, %dma_start3A_54] : memref<2x10240x16xf32, #tpu.memory_space<hbm>> -> memref<1x640x16xf32, #tpu.memory_space<hbm>>
      %dma_start3A_56 = tpu.memref_squeeze %dma_start3A_55 : memref<1x640x16xf32, #tpu.memory_space<hbm>> -> memref<640x16xf32, #tpu.memory_space<hbm>>
      %dma_start3A_57 = arith.constant 0 : i32
      %dma_start3A_58 = tpu.memref_slice %arg13[%mul3A_50, %dma_start3A_57] : memref<10240x16xf32, #tpu.memory_space<vmem_shared>> -> memref<640x16xf32, #tpu.memory_space<vmem_shared>>
      tpu.enqueue_dma source(%dma_start3A_58 : memref<640x16xf32, #tpu.memory_space<vmem_shared>>) target(%dma_start3A_56 : memref<640x16xf32, #tpu.memory_space<hbm>>) target_semaphore(%run_scoped3A_53 : memref<!tpu.dma_semaphore, #tpu.memory_space<semaphore_mem>>)
      %dma_wait3A_59 = arith.constant 0 : i32
      %dma_wait3A_60 = tpu.memref_slice %arg4[%arg0, %mul3A_52, %dma_wait3A_59] : memref<2x10240x16xf32, #tpu.memory_space<hbm>> -> memref<1x640x16xf32, #tpu.memory_space<hbm>>
      %dma_wait3A_61 = tpu.memref_squeeze %dma_wait3A_60 : memref<1x640x16xf32, #tpu.memory_space<hbm>> -> memref<640x16xf32, #tpu.memory_space<hbm>>
      %dma_wait3A_62 = arith.constant 0 : i32
      %dma_wait3A_63 = tpu.memref_slice %arg13[%mul3A_50, %dma_wait3A_62] : memref<10240x16xf32, #tpu.memory_space<vmem_shared>> -> memref<640x16xf32, #tpu.memory_space<vmem_shared>>
      tpu.wait_dma2 semaphore(%run_scoped3A_53 : memref<!tpu.dma_semaphore, #tpu.memory_space<semaphore_mem>>) src(%dma_wait3A_63 : memref<640x16xf32, #tpu.memory_space<vmem_shared>>) dst(%dma_wait3A_61 : memref<640x16xf32, #tpu.memory_space<hbm>>)
      tpu.yield
    }) : () -> ()
    return
  }
}

#map = affine_map<(d0, d1) -> (0, 0)>
#map1 = affine_map<(d0, d1) -> (0, 0, 0)>
module attributes {stable_mosaic.version = 14 : i64} {
  func.func @_deg_kernel(%arg0: i32, %arg1: i32, %arg2: memref<2x320000xi32, #tpu.memory_space<hbm>>, %arg3: memref<2x10240x16xf32, #tpu.memory_space<hbm>>, %arg4: memref<10000xi32, #tpu.memory_space<vmem>>, %arg5: memref<80x16xf32, #tpu.memory_space<vmem>>, %arg6: memref<640x16xf32, #tpu.memory_space<vmem>>, %arg7: memref<10240x16xf32, #tpu.memory_space<vmem_shared>>, %arg8: memref<!tpu.dma_semaphore, #tpu.memory_space<semaphore_mem>>) attributes {dimension_semantics = [#tpu.dimension_semantics<core_parallel>, #tpu.dimension_semantics<subcore_parallel>], iteration_bounds = array<i64: 2, 16>, scalar_prefetch = 0 : i64, scratch_operands = 5 : i64, tpu.core_type = #tpu.core_type<sc_vector_subcore>, window_params = [{transform_indices = #map}, {transform_indices = #map1}]} {
    %mul3A = arith.constant 16 : i32
    %mul3A_0 = arith.muli %arg0, %mul3A : i32
    %add3A = arith.addi %mul3A_0, %arg1 : i32
    %scan3A = arith.constant 0 : i32
    %scan3A_1 = arith.constant 0 : i32
    %scan3A_2 = arith.constant 640 : i32
    %scan3A_3 = arith.addi %scan3A_1, %scan3A_2 : i32
    %scan3A_4 = arith.constant 8 : i32
    %scan3A_5 = scf.for %scan3A_37 = %scan3A_1 to %scan3A_3 step %scan3A_4 iter_args(%scan3A_38 = %scan3A) -> (i32)  : i32 {
      %broadcast_in_dim3A = arith.constant 0.000000e+00 : f32
      %broadcast_in_dim3A_39 = vector.broadcast %broadcast_in_dim3A : f32 to vector<16xf32>
      %swap3A = arith.index_cast %scan3A_37 : i32 to index
      %swap3A_40 = arith.constant 0 : index
      %swap3A_41 = tpu.vector_load %arg6[%swap3A, %swap3A_40] {strides = array<i32>} : memref<640x16xf32, #tpu.memory_space<vmem>>, vector<1x16xf32>,
      %swap3A_42 = vector.shape_cast %swap3A_41 : vector<1x16xf32> to vector<16xf32>
      %swap3A_43 = vector.shape_cast %broadcast_in_dim3A_39 : vector<16xf32> to vector<1x16xf32>
      tpu.vector_store %arg6[%swap3A, %swap3A_40], %swap3A_43 {strides = array<i32>} : memref<640x16xf32, #tpu.memory_space<vmem>>, vector<1x16xf32>,
      %scan3A_44 = arith.constant 0 : i32
      %scan3A_45 = arith.constant 1 : i32
      %scan3A_46 = arith.addi %scan3A_37, %scan3A_45 : i32
      %broadcast_in_dim3A_47 = arith.constant 0.000000e+00 : f32
      %broadcast_in_dim3A_48 = vector.broadcast %broadcast_in_dim3A_47 : f32 to vector<16xf32>
      %swap3A_49 = arith.index_cast %scan3A_46 : i32 to index
      %swap3A_50 = arith.constant 0 : index
      %swap3A_51 = tpu.vector_load %arg6[%swap3A_49, %swap3A_50] {strides = array<i32>} : memref<640x16xf32, #tpu.memory_space<vmem>>, vector<1x16xf32>,
      %swap3A_52 = vector.shape_cast %swap3A_51 : vector<1x16xf32> to vector<16xf32>
      %swap3A_53 = vector.shape_cast %broadcast_in_dim3A_48 : vector<16xf32> to vector<1x16xf32>
      tpu.vector_store %arg6[%swap3A_49, %swap3A_50], %swap3A_53 {strides = array<i32>} : memref<640x16xf32, #tpu.memory_space<vmem>>, vector<1x16xf32>,
      %scan3A_54 = arith.constant 0 : i32
      %scan3A_55 = arith.constant 2 : i32
      %scan3A_56 = arith.addi %scan3A_37, %scan3A_55 : i32
      %broadcast_in_dim3A_57 = arith.constant 0.000000e+00 : f32
      %broadcast_in_dim3A_58 = vector.broadcast %broadcast_in_dim3A_57 : f32 to vector<16xf32>
      %swap3A_59 = arith.index_cast %scan3A_56 : i32 to index
      %swap3A_60 = arith.constant 0 : index
      %swap3A_61 = tpu.vector_load %arg6[%swap3A_59, %swap3A_60] {strides = array<i32>} : memref<640x16xf32, #tpu.memory_space<vmem>>, vector<1x16xf32>,
      %swap3A_62 = vector.shape_cast %swap3A_61 : vector<1x16xf32> to vector<16xf32>
      %swap3A_63 = vector.shape_cast %broadcast_in_dim3A_58 : vector<16xf32> to vector<1x16xf32>
      tpu.vector_store %arg6[%swap3A_59, %swap3A_60], %swap3A_63 {strides = array<i32>} : memref<640x16xf32, #tpu.memory_space<vmem>>, vector<1x16xf32>,
      %scan3A_64 = arith.constant 0 : i32
      %scan3A_65 = arith.constant 3 : i32
      %scan3A_66 = arith.addi %scan3A_37, %scan3A_65 : i32
      %broadcast_in_dim3A_67 = arith.constant 0.000000e+00 : f32
      %broadcast_in_dim3A_68 = vector.broadcast %broadcast_in_dim3A_67 : f32 to vector<16xf32>
      %swap3A_69 = arith.index_cast %scan3A_66 : i32 to index
      %swap3A_70 = arith.constant 0 : index
      %swap3A_71 = tpu.vector_load %arg6[%swap3A_69, %swap3A_70] {strides = array<i32>} : memref<640x16xf32, #tpu.memory_space<vmem>>, vector<1x16xf32>,
      %swap3A_72 = vector.shape_cast %swap3A_71 : vector<1x16xf32> to vector<16xf32>
      %swap3A_73 = vector.shape_cast %broadcast_in_dim3A_68 : vector<16xf32> to vector<1x16xf32>
      tpu.vector_store %arg6[%swap3A_69, %swap3A_70], %swap3A_73 {strides = array<i32>} : memref<640x16xf32, #tpu.memory_space<vmem>>, vector<1x16xf32>,
      %scan3A_74 = arith.constant 0 : i32
      %scan3A_75 = arith.constant 4 : i32
      %scan3A_76 = arith.addi %scan3A_37, %scan3A_75 : i32
      %broadcast_in_dim3A_77 = arith.constant 0.000000e+00 : f32
      %broadcast_in_dim3A_78 = vector.broadcast %broadcast_in_dim3A_77 : f32 to vector<16xf32>
      %swap3A_79 = arith.index_cast %scan3A_76 : i32 to index
      %swap3A_80 = arith.constant 0 : index
      %swap3A_81 = tpu.vector_load %arg6[%swap3A_79, %swap3A_80] {strides = array<i32>} : memref<640x16xf32, #tpu.memory_space<vmem>>, vector<1x16xf32>,
      %swap3A_82 = vector.shape_cast %swap3A_81 : vector<1x16xf32> to vector<16xf32>
      %swap3A_83 = vector.shape_cast %broadcast_in_dim3A_78 : vector<16xf32> to vector<1x16xf32>
      tpu.vector_store %arg6[%swap3A_79, %swap3A_80], %swap3A_83 {strides = array<i32>} : memref<640x16xf32, #tpu.memory_space<vmem>>, vector<1x16xf32>,
      %scan3A_84 = arith.constant 0 : i32
      %scan3A_85 = arith.constant 5 : i32
      %scan3A_86 = arith.addi %scan3A_37, %scan3A_85 : i32
      %broadcast_in_dim3A_87 = arith.constant 0.000000e+00 : f32
      %broadcast_in_dim3A_88 = vector.broadcast %broadcast_in_dim3A_87 : f32 to vector<16xf32>
      %swap3A_89 = arith.index_cast %scan3A_86 : i32 to index
      %swap3A_90 = arith.constant 0 : index
      %swap3A_91 = tpu.vector_load %arg6[%swap3A_89, %swap3A_90] {strides = array<i32>} : memref<640x16xf32, #tpu.memory_space<vmem>>, vector<1x16xf32>,
      %swap3A_92 = vector.shape_cast %swap3A_91 : vector<1x16xf32> to vector<16xf32>
      %swap3A_93 = vector.shape_cast %broadcast_in_dim3A_88 : vector<16xf32> to vector<1x16xf32>
      tpu.vector_store %arg6[%swap3A_89, %swap3A_90], %swap3A_93 {strides = array<i32>} : memref<640x16xf32, #tpu.memory_space<vmem>>, vector<1x16xf32>,
      %scan3A_94 = arith.constant 0 : i32
      %scan3A_95 = arith.constant 6 : i32
      %scan3A_96 = arith.addi %scan3A_37, %scan3A_95 : i32
      %broadcast_in_dim3A_97 = arith.constant 0.000000e+00 : f32
      %broadcast_in_dim3A_98 = vector.broadcast %broadcast_in_dim3A_97 : f32 to vector<16xf32>
      %swap3A_99 = arith.index_cast %scan3A_96 : i32 to index
      %swap3A_100 = arith.constant 0 : index
      %swap3A_101 = tpu.vector_load %arg6[%swap3A_99, %swap3A_100] {strides = array<i32>} : memref<640x16xf32, #tpu.memory_space<vmem>>, vector<1x16xf32>,
      %swap3A_102 = vector.shape_cast %swap3A_101 : vector<1x16xf32> to vector<16xf32>
      %swap3A_103 = vector.shape_cast %broadcast_in_dim3A_98 : vector<16xf32> to vector<1x16xf32>
      tpu.vector_store %arg6[%swap3A_99, %swap3A_100], %swap3A_103 {strides = array<i32>} : memref<640x16xf32, #tpu.memory_space<vmem>>, vector<1x16xf32>,
      %scan3A_104 = arith.constant 0 : i32
      %scan3A_105 = arith.constant 7 : i32
      %scan3A_106 = arith.addi %scan3A_37, %scan3A_105 : i32
      %broadcast_in_dim3A_107 = arith.constant 0.000000e+00 : f32
      %broadcast_in_dim3A_108 = vector.broadcast %broadcast_in_dim3A_107 : f32 to vector<16xf32>
      %swap3A_109 = arith.index_cast %scan3A_106 : i32 to index
      %swap3A_110 = arith.constant 0 : index
      %swap3A_111 = tpu.vector_load %arg6[%swap3A_109, %swap3A_110] {strides = array<i32>} : memref<640x16xf32, #tpu.memory_space<vmem>>, vector<1x16xf32>,
      %swap3A_112 = vector.shape_cast %swap3A_111 : vector<1x16xf32> to vector<16xf32>
      %swap3A_113 = vector.shape_cast %broadcast_in_dim3A_108 : vector<16xf32> to vector<1x16xf32>
      tpu.vector_store %arg6[%swap3A_109, %swap3A_110], %swap3A_113 {strides = array<i32>} : memref<640x16xf32, #tpu.memory_space<vmem>>, vector<1x16xf32>,
      %scan3A_114 = arith.constant 0 : i32
      scf.yield %scan3A_114 : i32
    }
    %scan3A_6 = arith.constant 640 : i32
    %scan3A_7 = arith.constant 0 : i32
    %scan3A_8 = arith.constant 0 : i32
    %scan3A_9 = arith.constant 80 : i32
    %scan3A_10 = arith.addi %scan3A_8, %scan3A_9 : i32
    %scan3A_11 = arith.constant 8 : i32
    %scan3A_12 = scf.for %scan3A_37 = %scan3A_8 to %scan3A_10 step %scan3A_11 iter_args(%scan3A_38 = %scan3A_7) -> (i32)  : i32 {
      %broadcast_in_dim3A = arith.constant 1.000000e+00 : f32
      %broadcast_in_dim3A_39 = vector.broadcast %broadcast_in_dim3A : f32 to vector<16xf32>
      %swap3A = arith.index_cast %scan3A_37 : i32 to index
      %swap3A_40 = arith.constant 0 : index
      %swap3A_41 = tpu.vector_load %arg5[%swap3A, %swap3A_40] {strides = array<i32>} : memref<80x16xf32, #tpu.memory_space<vmem>>, vector<1x16xf32>,
      %swap3A_42 = vector.shape_cast %swap3A_41 : vector<1x16xf32> to vector<16xf32>
      %swap3A_43 = vector.shape_cast %broadcast_in_dim3A_39 : vector<16xf32> to vector<1x16xf32>
      tpu.vector_store %arg5[%swap3A, %swap3A_40], %swap3A_43 {strides = array<i32>} : memref<80x16xf32, #tpu.memory_space<vmem>>, vector<1x16xf32>,
      %scan3A_44 = arith.constant 0 : i32
      %scan3A_45 = arith.constant 1 : i32
      %scan3A_46 = arith.addi %scan3A_37, %scan3A_45 : i32
      %broadcast_in_dim3A_47 = arith.constant 1.000000e+00 : f32
      %broadcast_in_dim3A_48 = vector.broadcast %broadcast_in_dim3A_47 : f32 to vector<16xf32>
      %swap3A_49 = arith.index_cast %scan3A_46 : i32 to index
      %swap3A_50 = arith.constant 0 : index
      %swap3A_51 = tpu.vector_load %arg5[%swap3A_49, %swap3A_50] {strides = array<i32>} : memref<80x16xf32, #tpu.memory_space<vmem>>, vector<1x16xf32>,
      %swap3A_52 = vector.shape_cast %swap3A_51 : vector<1x16xf32> to vector<16xf32>
      %swap3A_53 = vector.shape_cast %broadcast_in_dim3A_48 : vector<16xf32> to vector<1x16xf32>
      tpu.vector_store %arg5[%swap3A_49, %swap3A_50], %swap3A_53 {strides = array<i32>} : memref<80x16xf32, #tpu.memory_space<vmem>>, vector<1x16xf32>,
      %scan3A_54 = arith.constant 0 : i32
      %scan3A_55 = arith.constant 2 : i32
      %scan3A_56 = arith.addi %scan3A_37, %scan3A_55 : i32
      %broadcast_in_dim3A_57 = arith.constant 1.000000e+00 : f32
      %broadcast_in_dim3A_58 = vector.broadcast %broadcast_in_dim3A_57 : f32 to vector<16xf32>
      %swap3A_59 = arith.index_cast %scan3A_56 : i32 to index
      %swap3A_60 = arith.constant 0 : index
      %swap3A_61 = tpu.vector_load %arg5[%swap3A_59, %swap3A_60] {strides = array<i32>} : memref<80x16xf32, #tpu.memory_space<vmem>>, vector<1x16xf32>,
      %swap3A_62 = vector.shape_cast %swap3A_61 : vector<1x16xf32> to vector<16xf32>
      %swap3A_63 = vector.shape_cast %broadcast_in_dim3A_58 : vector<16xf32> to vector<1x16xf32>
      tpu.vector_store %arg5[%swap3A_59, %swap3A_60], %swap3A_63 {strides = array<i32>} : memref<80x16xf32, #tpu.memory_space<vmem>>, vector<1x16xf32>,
      %scan3A_64 = arith.constant 0 : i32
      %scan3A_65 = arith.constant 3 : i32
      %scan3A_66 = arith.addi %scan3A_37, %scan3A_65 : i32
      %broadcast_in_dim3A_67 = arith.constant 1.000000e+00 : f32
      %broadcast_in_dim3A_68 = vector.broadcast %broadcast_in_dim3A_67 : f32 to vector<16xf32>
      %swap3A_69 = arith.index_cast %scan3A_66 : i32 to index
      %swap3A_70 = arith.constant 0 : index
      %swap3A_71 = tpu.vector_load %arg5[%swap3A_69, %swap3A_70] {strides = array<i32>} : memref<80x16xf32, #tpu.memory_space<vmem>>, vector<1x16xf32>,
      %swap3A_72 = vector.shape_cast %swap3A_71 : vector<1x16xf32> to vector<16xf32>
      %swap3A_73 = vector.shape_cast %broadcast_in_dim3A_68 : vector<16xf32> to vector<1x16xf32>
      tpu.vector_store %arg5[%swap3A_69, %swap3A_70], %swap3A_73 {strides = array<i32>} : memref<80x16xf32, #tpu.memory_space<vmem>>, vector<1x16xf32>,
      %scan3A_74 = arith.constant 0 : i32
      %scan3A_75 = arith.constant 4 : i32
      %scan3A_76 = arith.addi %scan3A_37, %scan3A_75 : i32
      %broadcast_in_dim3A_77 = arith.constant 1.000000e+00 : f32
      %broadcast_in_dim3A_78 = vector.broadcast %broadcast_in_dim3A_77 : f32 to vector<16xf32>
      %swap3A_79 = arith.index_cast %scan3A_76 : i32 to index
      %swap3A_80 = arith.constant 0 : index
      %swap3A_81 = tpu.vector_load %arg5[%swap3A_79, %swap3A_80] {strides = array<i32>} : memref<80x16xf32, #tpu.memory_space<vmem>>, vector<1x16xf32>,
      %swap3A_82 = vector.shape_cast %swap3A_81 : vector<1x16xf32> to vector<16xf32>
      %swap3A_83 = vector.shape_cast %broadcast_in_dim3A_78 : vector<16xf32> to vector<1x16xf32>
      tpu.vector_store %arg5[%swap3A_79, %swap3A_80], %swap3A_83 {strides = array<i32>} : memref<80x16xf32, #tpu.memory_space<vmem>>, vector<1x16xf32>,
      %scan3A_84 = arith.constant 0 : i32
      %scan3A_85 = arith.constant 5 : i32
      %scan3A_86 = arith.addi %scan3A_37, %scan3A_85 : i32
      %broadcast_in_dim3A_87 = arith.constant 1.000000e+00 : f32
      %broadcast_in_dim3A_88 = vector.broadcast %broadcast_in_dim3A_87 : f32 to vector<16xf32>
      %swap3A_89 = arith.index_cast %scan3A_86 : i32 to index
      %swap3A_90 = arith.constant 0 : index
      %swap3A_91 = tpu.vector_load %arg5[%swap3A_89, %swap3A_90] {strides = array<i32>} : memref<80x16xf32, #tpu.memory_space<vmem>>, vector<1x16xf32>,
      %swap3A_92 = vector.shape_cast %swap3A_91 : vector<1x16xf32> to vector<16xf32>
      %swap3A_93 = vector.shape_cast %broadcast_in_dim3A_88 : vector<16xf32> to vector<1x16xf32>
      tpu.vector_store %arg5[%swap3A_89, %swap3A_90], %swap3A_93 {strides = array<i32>} : memref<80x16xf32, #tpu.memory_space<vmem>>, vector<1x16xf32>,
      %scan3A_94 = arith.constant 0 : i32
      %scan3A_95 = arith.constant 6 : i32
      %scan3A_96 = arith.addi %scan3A_37, %scan3A_95 : i32
      %broadcast_in_dim3A_97 = arith.constant 1.000000e+00 : f32
      %broadcast_in_dim3A_98 = vector.broadcast %broadcast_in_dim3A_97 : f32 to vector<16xf32>
      %swap3A_99 = arith.index_cast %scan3A_96 : i32 to index
      %swap3A_100 = arith.constant 0 : index
      %swap3A_101 = tpu.vector_load %arg5[%swap3A_99, %swap3A_100] {strides = array<i32>} : memref<80x16xf32, #tpu.memory_space<vmem>>, vector<1x16xf32>,
      %swap3A_102 = vector.shape_cast %swap3A_101 : vector<1x16xf32> to vector<16xf32>
      %swap3A_103 = vector.shape_cast %broadcast_in_dim3A_98 : vector<16xf32> to vector<1x16xf32>
      tpu.vector_store %arg5[%swap3A_99, %swap3A_100], %swap3A_103 {strides = array<i32>} : memref<80x16xf32, #tpu.memory_space<vmem>>, vector<1x16xf32>,
      %scan3A_104 = arith.constant 0 : i32
      %scan3A_105 = arith.constant 7 : i32
      %scan3A_106 = arith.addi %scan3A_37, %scan3A_105 : i32
      %broadcast_in_dim3A_107 = arith.constant 1.000000e+00 : f32
      %broadcast_in_dim3A_108 = vector.broadcast %broadcast_in_dim3A_107 : f32 to vector<16xf32>
      %swap3A_109 = arith.index_cast %scan3A_106 : i32 to index
      %swap3A_110 = arith.constant 0 : index
      %swap3A_111 = tpu.vector_load %arg5[%swap3A_109, %swap3A_110] {strides = array<i32>} : memref<80x16xf32, #tpu.memory_space<vmem>>, vector<1x16xf32>,
      %swap3A_112 = vector.shape_cast %swap3A_111 : vector<1x16xf32> to vector<16xf32>
      %swap3A_113 = vector.shape_cast %broadcast_in_dim3A_108 : vector<16xf32> to vector<1x16xf32>
      tpu.vector_store %arg5[%swap3A_109, %swap3A_110], %swap3A_113 {strides = array<i32>} : memref<80x16xf32, #tpu.memory_space<vmem>>, vector<1x16xf32>,
      %scan3A_114 = arith.constant 0 : i32
      scf.yield %scan3A_114 : i32
    }
    %scan3A_13 = arith.constant 80 : i32
    %mul3A_14 = arith.constant 640 : i32
    %mul3A_15 = arith.muli %arg1, %mul3A_14 : i32
    "tpu.region"() ({
      %run_scoped3A_37 = tpu.sem_alloc : memref<!tpu.dma_semaphore, #tpu.memory_space<semaphore_mem>>
      %dma_start3A = arith.constant 0 : i32
      %dma_start3A_38 = tpu.memref_slice %arg7[%mul3A_15, %dma_start3A] : memref<10240x16xf32, #tpu.memory_space<vmem_shared>> -> memref<640x16xf32, #tpu.memory_space<vmem_shared>>
      %dma_start3A_39 = arith.constant 0 : i32
      %dma_start3A_40 = tpu.memref_slice %arg7[%mul3A_15, %dma_start3A_39] : memref<10240x16xf32, #tpu.memory_space<vmem_shared>> -> memref<640x16xf32, #tpu.memory_space<vmem_shared>>
      tpu.enqueue_dma source(%arg6 : memref<640x16xf32, #tpu.memory_space<vmem>>) target(%dma_start3A_40 : memref<640x16xf32, #tpu.memory_space<vmem_shared>>) target_semaphore(%run_scoped3A_37 : memref<!tpu.dma_semaphore, #tpu.memory_space<semaphore_mem>>)
      %dma_wait3A = arith.constant 0 : i32
      %dma_wait3A_41 = tpu.memref_slice %arg7[%mul3A_15, %dma_wait3A] : memref<10240x16xf32, #tpu.memory_space<vmem_shared>> -> memref<640x16xf32, #tpu.memory_space<vmem_shared>>
      %dma_wait3A_42 = arith.constant 0 : i32
      %dma_wait3A_43 = tpu.memref_slice %arg7[%mul3A_15, %dma_wait3A_42] : memref<10240x16xf32, #tpu.memory_space<vmem_shared>> -> memref<640x16xf32, #tpu.memory_space<vmem_shared>>
      tpu.wait_dma2 semaphore(%run_scoped3A_37 : memref<!tpu.dma_semaphore, #tpu.memory_space<semaphore_mem>>) src(%arg6 : memref<640x16xf32, #tpu.memory_space<vmem>>) dst(%dma_wait3A_43 : memref<640x16xf32, #tpu.memory_space<vmem_shared>>)
      tpu.yield
    }) : () -> ()
    %barrier3A = arith.constant 0 : index
    tpu.barrier barrier_id(%barrier3A)
    %mul3A_16 = arith.constant 10000 : i32
    %mul3A_17 = arith.muli %add3A, %mul3A_16 : i32
    %run_scoped3A = arith.constant 1 : i32
    "tpu.region"() ({
      %run_scoped3A_37 = tpu.sem_alloc : memref<!tpu.dma_semaphore, #tpu.memory_space<semaphore_mem>>
      %dma_start3A = tpu.memref_slice %arg2[%run_scoped3A, %mul3A_17] : memref<2x320000xi32, #tpu.memory_space<hbm>> -> memref<1x10000xi32, #tpu.memory_space<hbm>>
      %dma_start3A_38 = tpu.memref_squeeze %dma_start3A : memref<1x10000xi32, #tpu.memory_space<hbm>> -> memref<10000xi32, #tpu.memory_space<hbm>>
      %dma_start3A_39 = tpu.memref_slice %arg2[%run_scoped3A, %mul3A_17] : memref<2x320000xi32, #tpu.memory_space<hbm>> -> memref<1x10000xi32, #tpu.memory_space<hbm>>
      %dma_start3A_40 = tpu.memref_squeeze %dma_start3A_39 : memref<1x10000xi32, #tpu.memory_space<hbm>> -> memref<10000xi32, #tpu.memory_space<hbm>>
      tpu.enqueue_dma source(%dma_start3A_40 : memref<10000xi32, #tpu.memory_space<hbm>>) target(%arg4 : memref<10000xi32, #tpu.memory_space<vmem>>) target_semaphore(%run_scoped3A_37 : memref<!tpu.dma_semaphore, #tpu.memory_space<semaphore_mem>>)
      %dma_wait3A = tpu.memref_slice %arg2[%run_scoped3A, %mul3A_17] : memref<2x320000xi32, #tpu.memory_space<hbm>> -> memref<1x10000xi32, #tpu.memory_space<hbm>>
      %dma_wait3A_41 = tpu.memref_squeeze %dma_wait3A : memref<1x10000xi32, #tpu.memory_space<hbm>> -> memref<10000xi32, #tpu.memory_space<hbm>>
      %dma_wait3A_42 = tpu.memref_slice %arg2[%run_scoped3A, %mul3A_17] : memref<2x320000xi32, #tpu.memory_space<hbm>> -> memref<1x10000xi32, #tpu.memory_space<hbm>>
      %dma_wait3A_43 = tpu.memref_squeeze %dma_wait3A_42 : memref<1x10000xi32, #tpu.memory_space<hbm>> -> memref<10000xi32, #tpu.memory_space<hbm>>
      tpu.wait_dma2 semaphore(%run_scoped3A_37 : memref<!tpu.dma_semaphore, #tpu.memory_space<semaphore_mem>>) src(%dma_wait3A_43 : memref<10000xi32, #tpu.memory_space<hbm>>) dst(%arg4 : memref<10000xi32, #tpu.memory_space<vmem>>)
      tpu.yield
    }) : () -> ()
    %scan3A_18 = arith.constant 0 : i32
    %scan3A_19 = arith.constant 0 : i32
    %scan3A_20 = arith.constant 125 : i32
    %scan3A_21 = arith.addi %scan3A_19, %scan3A_20 : i32
    %scan3A_22 = arith.constant 1 : i32
    %scan3A_23 = scf.for %scan3A_37 = %scan3A_19 to %scan3A_21 step %scan3A_22 iter_args(%scan3A_38 = %scan3A_18) -> (i32)  : i32 {
      %mul3A_39 = arith.constant 80 : i32
      %mul3A_40 = arith.muli %scan3A_37, %mul3A_39 : i32
      %dma_start3A = tpu.memref_slice %arg4[%mul3A_40] : memref<10000xi32, #tpu.memory_space<vmem>> -> memref<80xi32, #tpu.memory_space<vmem>>
      %dma_start3A_41 = arith.constant 0 : i32
      %dma_start3A_42 = arith.constant 0 : i32
      %dma_start3A_43 = tpu.memref_slice %arg7[%dma_start3A_41, %dma_start3A_42] : memref<10240x16xf32, #tpu.memory_space<vmem_shared>> -> memref<10240x16xf32, #tpu.memory_space<vmem_shared>>
      tpu.enqueue_indirect_dma source(%arg5 : memref<80x16xf32, #tpu.memory_space<vmem>>) target(%dma_start3A_43 : memref<10240x16xf32, #tpu.memory_space<vmem_shared>>) offsets(%dma_start3A : memref<80xi32, #tpu.memory_space<vmem>>) semaphore(%arg8 : memref<!tpu.dma_semaphore, #tpu.memory_space<semaphore_mem>>) {add = true}
      %scan3A_44 = arith.constant 0 : i32
      scf.yield %scan3A_44 : i32
    }
    %scan3A_24 = arith.constant 125 : i32
    %scan3A_25 = arith.constant 0 : i32
    %scan3A_26 = arith.constant 0 : i32
    %scan3A_27 = arith.constant 125 : i32
    %scan3A_28 = arith.addi %scan3A_26, %scan3A_27 : i32
    %scan3A_29 = arith.constant 1 : i32
    %scan3A_30 = scf.for %scan3A_37 = %scan3A_26 to %scan3A_28 step %scan3A_29 iter_args(%scan3A_38 = %scan3A_25) -> (i32)  : i32 {
      %dma_wait3A = arith.constant 0 : i32
      %dma_wait3A_39 = tpu.memref_slice %arg4[%dma_wait3A] : memref<10000xi32, #tpu.memory_space<vmem>> -> memref<80xi32, #tpu.memory_space<vmem>>
      %dma_wait3A_40 = arith.constant 0 : i32
      %dma_wait3A_41 = arith.constant 0 : i32
      %dma_wait3A_42 = tpu.memref_slice %arg7[%dma_wait3A_40, %dma_wait3A_41] : memref<10240x16xf32, #tpu.memory_space<vmem_shared>> -> memref<10240x16xf32, #tpu.memory_space<vmem_shared>>
      tpu.wait_indirect_dma semaphore(%arg8 : memref<!tpu.dma_semaphore, #tpu.memory_space<semaphore_mem>>) src(%arg5 : memref<80x16xf32, #tpu.memory_space<vmem>>) dst(%dma_wait3A_42 : memref<10240x16xf32, #tpu.memory_space<vmem_shared>>)
      %scan3A_43 = arith.constant 0 : i32
      scf.yield %scan3A_43 : i32
    }
    %scan3A_31 = arith.constant 125 : i32
    %barrier3A_32 = arith.constant 0 : index
    tpu.barrier barrier_id(%barrier3A_32)
    %mul3A_33 = arith.constant 640 : i32
    %mul3A_34 = arith.muli %arg1, %mul3A_33 : i32
    %mul3A_35 = arith.constant 640 : i32
    %mul3A_36 = arith.muli %arg1, %mul3A_35 : i32
    "tpu.region"() ({
      %run_scoped3A_37 = tpu.sem_alloc : memref<!tpu.dma_semaphore, #tpu.memory_space<semaphore_mem>>
      %dma_start3A = arith.constant 0 : i32
      %dma_start3A_38 = tpu.memref_slice %arg3[%arg0, %mul3A_36, %dma_start3A] : memref<2x10240x16xf32, #tpu.memory_space<hbm>> -> memref<1x640x16xf32, #tpu.memory_space<hbm>>
      %dma_start3A_39 = tpu.memref_squeeze %dma_start3A_38 : memref<1x640x16xf32, #tpu.memory_space<hbm>> -> memref<640x16xf32, #tpu.memory_space<hbm>>
      %dma_start3A_40 = arith.constant 0 : i32
      %dma_start3A_41 = tpu.memref_slice %arg7[%mul3A_34, %dma_start3A_40] : memref<10240x16xf32, #tpu.memory_space<vmem_shared>> -> memref<640x16xf32, #tpu.memory_space<vmem_shared>>
      tpu.enqueue_dma source(%dma_start3A_41 : memref<640x16xf32, #tpu.memory_space<vmem_shared>>) target(%dma_start3A_39 : memref<640x16xf32, #tpu.memory_space<hbm>>) target_semaphore(%run_scoped3A_37 : memref<!tpu.dma_semaphore, #tpu.memory_space<semaphore_mem>>)
      %dma_wait3A = arith.constant 0 : i32
      %dma_wait3A_42 = tpu.memref_slice %arg3[%arg0, %mul3A_36, %dma_wait3A] : memref<2x10240x16xf32, #tpu.memory_space<hbm>> -> memref<1x640x16xf32, #tpu.memory_space<hbm>>
      %dma_wait3A_43 = tpu.memref_squeeze %dma_wait3A_42 : memref<1x640x16xf32, #tpu.memory_space<hbm>> -> memref<640x16xf32, #tpu.memory_space<hbm>>
      %dma_wait3A_44 = arith.constant 0 : i32
      %dma_wait3A_45 = tpu.memref_slice %arg7[%mul3A_34, %dma_wait3A_44] : memref<10240x16xf32, #tpu.memory_space<vmem_shared>> -> memref<640x16xf32, #tpu.memory_space<vmem_shared>>
      tpu.wait_dma2 semaphore(%run_scoped3A_37 : memref<!tpu.dma_semaphore, #tpu.memory_space<semaphore_mem>>) src(%dma_wait3A_45 : memref<640x16xf32, #tpu.memory_space<vmem_shared>>) dst(%dma_wait3A_43 : memref<640x16xf32, #tpu.memory_space<hbm>>)
      tpu.yield
    }) : () -> ()
    return
  }
}

module attributes {stable_mosaic.version = 14 : i64} {
  func.func @_tc_mm1_body(%arg0: memref<1250x1024xf32, #tpu.memory_space<vmem>>, %arg1: memref<1024x128xf32, #tpu.memory_space<vmem>>, %arg2: memref<1250x128xf32, #tpu.memory_space<vmem>>) attributes {dimension_semantics = [], scalar_prefetch = 0 : i64, scratch_operands = 0 : i64, tpu.core_type = #tpu.core_type<tc>} {
    %get3A = arith.constant 0 : index
    %get3A_0 = arith.constant 0 : index
    %get3A_1 = vector.load %arg0[%get3A, %get3A_0] : memref<1250x1024xf32, #tpu.memory_space<vmem>>, vector<1250x1024xf32>
    %get3A_2 = arith.constant 0 : index
    %get3A_3 = arith.constant 0 : index
    %get3A_4 = vector.load %arg1[%get3A_2, %get3A_3] : memref<1024x128xf32, #tpu.memory_space<vmem>>, vector<1024x128xf32>
    %dot_general3A = arith.constant dense<0.000000e+00> : vector<1250x128xf32>
    %dot_general3A_5 = tpu.matmul %get3A_1, %get3A_4, %dot_general3A {dimension_numbers = #tpu.dot_dimension_numbers<[1], [0], [0], [1], [0, 0, 1, 1], [], []>, transpose_lhs_hint = false} : vector<1250x1024xf32>, vector<1024x128xf32>, vector<1250x128xf32> -> vector<1250x128xf32>
    %swap3A = arith.constant 0 : index
    %swap3A_6 = arith.constant 0 : index
    %swap3A_7 = vector.load %arg2[%swap3A, %swap3A_6] : memref<1250x128xf32, #tpu.memory_space<vmem>>, vector<1250x128xf32>
    tpu.vector_store %arg2[%swap3A, %swap3A_6], %dot_general3A_5 {strides = array<i32>} : memref<1250x128xf32, #tpu.memory_space<vmem>>, vector<1250x128xf32>,
    return
  }
}

module attributes {stable_mosaic.version = 14 : i64} {
  func.func @_tc_scale_body(%arg0: memref<1250x128xf32, #tpu.memory_space<vmem>>, %arg1: memref<2x1280x128xf32, #tpu.memory_space<vmem>>, %arg2: memref<1250x128xf32, #tpu.memory_space<vmem>>, %arg3: memref<1250x128xf32, #tpu.memory_space<vmem>>) attributes {dimension_semantics = [], scalar_prefetch = 0 : i64, scratch_operands = 0 : i64, tpu.core_type = #tpu.core_type<tc>} {
    %get3A = arith.constant 0 : index
    %get3A_0 = arith.constant 0 : index
    %get3A_1 = arith.constant 0 : index
    %get3A_2 = vector.load %arg1[%get3A, %get3A_0, %get3A_1] : memref<2x1280x128xf32, #tpu.memory_space<vmem>>, vector<1x1250x128xf32>
    %get3A_3 = vector.shape_cast %get3A_2 : vector<1x1250x128xf32> to vector<1250x128xf32>
    %get3A_4 = arith.constant 1 : index
    %get3A_5 = arith.constant 0 : index
    %get3A_6 = arith.constant 0 : index
    %get3A_7 = vector.load %arg1[%get3A_4, %get3A_5, %get3A_6] : memref<2x1280x128xf32, #tpu.memory_space<vmem>>, vector<1x1250x128xf32>
    %get3A_8 = vector.shape_cast %get3A_7 : vector<1x1250x128xf32> to vector<1250x128xf32>
    %add3A = arith.addf %get3A_3, %get3A_8 : vector<1250x128xf32>
    %add3A_9 = arith.constant 1.000000e+00 : f32
    %add3A_10 = vector.broadcast %add3A_9 : f32 to vector<1250x128xf32>
    %add3A_11 = arith.addf %add3A, %add3A_10 : vector<1250x128xf32>
    %rsqrt3A = math.rsqrt %add3A_11 : vector<1250x128xf32>
    %swap3A = arith.constant 0 : index
    %swap3A_12 = arith.constant 0 : index
    %swap3A_13 = vector.load %arg3[%swap3A, %swap3A_12] : memref<1250x128xf32, #tpu.memory_space<vmem>>, vector<1250x128xf32>
    tpu.vector_store %arg3[%swap3A, %swap3A_12], %rsqrt3A {strides = array<i32>} : memref<1250x128xf32, #tpu.memory_space<vmem>>, vector<1250x128xf32>,
    %get3A_14 = arith.constant 0 : index
    %get3A_15 = arith.constant 0 : index
    %get3A_16 = vector.load %arg0[%get3A_14, %get3A_15] : memref<1250x128xf32, #tpu.memory_space<vmem>>, vector<1250x128xf32>
    %mul3A = arith.mulf %rsqrt3A, %get3A_16 : vector<1250x128xf32>
    %swap3A_17 = arith.constant 0 : index
    %swap3A_18 = arith.constant 0 : index
    %swap3A_19 = vector.load %arg2[%swap3A_17, %swap3A_18] : memref<1250x128xf32, #tpu.memory_space<vmem>>, vector<1250x128xf32>
    tpu.vector_store %arg2[%swap3A_17, %swap3A_18], %mul3A {strides = array<i32>} : memref<1250x128xf32, #tpu.memory_space<vmem>>, vector<1250x128xf32>,
    return
  }
}

module attributes {stable_mosaic.version = 14 : i64} {
  func.func @_tc_mid_body(%arg0: memref<2x1280x128xf32, #tpu.memory_space<vmem>>, %arg1: memref<1250x128xf32, #tpu.memory_space<vmem>>, %arg2: memref<1250x128xf32, #tpu.memory_space<vmem>>, %arg3: memref<128x128xf32, #tpu.memory_space<vmem>>, %arg4: memref<1x128xf32, #tpu.memory_space<vmem>>, %arg5: memref<1250x128xf32, #tpu.memory_space<vmem>>) attributes {dimension_semantics = [], scalar_prefetch = 0 : i64, scratch_operands = 0 : i64, tpu.core_type = #tpu.core_type<tc>} {
    %get3A = arith.constant 0 : index
    %get3A_0 = arith.constant 0 : index
    %get3A_1 = arith.constant 0 : index
    %get3A_2 = vector.load %arg0[%get3A, %get3A_0, %get3A_1] : memref<2x1280x128xf32, #tpu.memory_space<vmem>>, vector<1x1250x128xf32>
    %get3A_3 = vector.shape_cast %get3A_2 : vector<1x1250x128xf32> to vector<1250x128xf32>
    %get3A_4 = arith.constant 1 : index
    %get3A_5 = arith.constant 0 : index
    %get3A_6 = arith.constant 0 : index
    %get3A_7 = vector.load %arg0[%get3A_4, %get3A_5, %get3A_6] : memref<2x1280x128xf32, #tpu.memory_space<vmem>>, vector<1x1250x128xf32>
    %get3A_8 = vector.shape_cast %get3A_7 : vector<1x1250x128xf32> to vector<1250x128xf32>
    %add3A = arith.addf %get3A_3, %get3A_8 : vector<1250x128xf32>
    %get3A_9 = arith.constant 0 : index
    %get3A_10 = arith.constant 0 : index
    %get3A_11 = vector.load %arg1[%get3A_9, %get3A_10] : memref<1250x128xf32, #tpu.memory_space<vmem>>, vector<1250x128xf32>
    %add3A_12 = arith.addf %add3A, %get3A_11 : vector<1250x128xf32>
    %get3A_13 = arith.constant 0 : index
    %get3A_14 = arith.constant 0 : index
    %get3A_15 = vector.load %arg2[%get3A_13, %get3A_14] : memref<1250x128xf32, #tpu.memory_space<vmem>>, vector<1250x128xf32>
    %mul3A = arith.mulf %get3A_15, %add3A_12 : vector<1250x128xf32>
    %get3A_16 = arith.constant 0 : index
    %get3A_17 = arith.constant 0 : index
    %get3A_18 = vector.load %arg4[%get3A_16, %get3A_17] : memref<1x128xf32, #tpu.memory_space<vmem>>, vector<1x128xf32>
    %add3A_19 = vector.broadcast %get3A_18 : vector<1x128xf32> to vector<1250x128xf32>
    %add3A_20 = arith.addf %mul3A, %add3A_19 : vector<1250x128xf32>
    %gt3A = arith.constant 0.000000e+00 : f32
    %gt3A_21 = vector.broadcast %gt3A : f32 to vector<1250x128xf32>
    %gt3A_22 = arith.cmpf ogt, %add3A_20, %gt3A_21 : vector<1250x128xf32>
    %min3A = arith.constant 0.000000e+00 : f32
    %min3A_23 = vector.broadcast %min3A : f32 to vector<1250x128xf32>
    %min3A_24 = arith.minimumf %add3A_20, %min3A_23 : vector<1250x128xf32>
    %exp3A = math.exp %min3A_24 : vector<1250x128xf32>
    %sub3A = arith.constant 1.000000e+00 : f32
    %sub3A_25 = vector.broadcast %sub3A : f32 to vector<1250x128xf32>
    %sub3A_26 = arith.subf %exp3A, %sub3A_25 : vector<1250x128xf32>
    %select_n3A = arith.select %gt3A_22, %add3A_20, %sub3A_26 : vector<1250x128xi1>, vector<1250x128xf32>
    %get3A_27 = arith.constant 0 : index
    %get3A_28 = arith.constant 0 : index
    %get3A_29 = vector.load %arg3[%get3A_27, %get3A_28] : memref<128x128xf32, #tpu.memory_space<vmem>>, vector<128x128xf32>
    %dot_general3A = arith.constant dense<0.000000e+00> : vector<1250x128xf32>
    %dot_general3A_30 = tpu.matmul %select_n3A, %get3A_29, %dot_general3A {dimension_numbers = #tpu.dot_dimension_numbers<[1], [0], [0], [1], [0, 0, 1, 1], [], []>, transpose_lhs_hint = false} : vector<1250x128xf32>, vector<128x128xf32>, vector<1250x128xf32> -> vector<1250x128xf32>
    %mul3A_31 = arith.mulf %get3A_15, %dot_general3A_30 : vector<1250x128xf32>
    %swap3A = arith.constant 0 : index
    %swap3A_32 = arith.constant 0 : index
    %swap3A_33 = vector.load %arg5[%swap3A, %swap3A_32] : memref<1250x128xf32, #tpu.memory_space<vmem>>, vector<1250x128xf32>
    tpu.vector_store %arg5[%swap3A, %swap3A_32], %mul3A_31 {strides = array<i32>} : memref<1250x128xf32, #tpu.memory_space<vmem>>, vector<1250x128xf32>,
    return
  }
}

module attributes {stable_mosaic.version = 14 : i64} {
  func.func @_tc_final_body(%arg0: memref<2x1280x128xf32, #tpu.memory_space<vmem>>, %arg1: memref<1250x128xf32, #tpu.memory_space<vmem>>, %arg2: memref<1250x128xf32, #tpu.memory_space<vmem>>, %arg3: memref<128x8xf32, #tpu.memory_space<vmem>>, %arg4: memref<1x128xf32, #tpu.memory_space<vmem>>, %arg5: memref<1x1xf32, #tpu.memory_space<vmem>>, %arg6: memref<1250x8xf32, #tpu.memory_space<vmem>>) attributes {dimension_semantics = [], scalar_prefetch = 0 : i64, scratch_operands = 0 : i64, tpu.core_type = #tpu.core_type<tc>} {
    %get3A = arith.constant 0 : index
    %get3A_0 = arith.constant 0 : index
    %get3A_1 = arith.constant 0 : index
    %get3A_2 = vector.load %arg0[%get3A, %get3A_0, %get3A_1] : memref<2x1280x128xf32, #tpu.memory_space<vmem>>, vector<1x1250x128xf32>
    %get3A_3 = vector.shape_cast %get3A_2 : vector<1x1250x128xf32> to vector<1250x128xf32>
    %get3A_4 = arith.constant 1 : index
    %get3A_5 = arith.constant 0 : index
    %get3A_6 = arith.constant 0 : index
    %get3A_7 = vector.load %arg0[%get3A_4, %get3A_5, %get3A_6] : memref<2x1280x128xf32, #tpu.memory_space<vmem>>, vector<1x1250x128xf32>
    %get3A_8 = vector.shape_cast %get3A_7 : vector<1x1250x128xf32> to vector<1250x128xf32>
    %add3A = arith.addf %get3A_3, %get3A_8 : vector<1250x128xf32>
    %get3A_9 = arith.constant 0 : index
    %get3A_10 = arith.constant 0 : index
    %get3A_11 = vector.load %arg1[%get3A_9, %get3A_10] : memref<1250x128xf32, #tpu.memory_space<vmem>>, vector<1250x128xf32>
    %add3A_12 = arith.addf %add3A, %get3A_11 : vector<1250x128xf32>
    %get3A_13 = arith.constant 0 : index
    %get3A_14 = arith.constant 0 : index
    %get3A_15 = vector.load %arg2[%get3A_13, %get3A_14] : memref<1250x128xf32, #tpu.memory_space<vmem>>, vector<1250x128xf32>
    %mul3A = arith.mulf %get3A_15, %add3A_12 : vector<1250x128xf32>
    %get3A_16 = arith.constant 0 : index
    %get3A_17 = arith.constant 0 : index
    %get3A_18 = vector.load %arg4[%get3A_16, %get3A_17] : memref<1x128xf32, #tpu.memory_space<vmem>>, vector<1x128xf32>
    %add3A_19 = vector.broadcast %get3A_18 : vector<1x128xf32> to vector<1250x128xf32>
    %add3A_20 = arith.addf %mul3A, %add3A_19 : vector<1250x128xf32>
    %get3A_21 = arith.constant 0 : index
    %get3A_22 = arith.constant 0 : index
    %get3A_23 = vector.load %arg3[%get3A_21, %get3A_22] : memref<128x8xf32, #tpu.memory_space<vmem>>, vector<128x8xf32>
    %dot_general3A = arith.constant dense<0.000000e+00> : vector<1250x8xf32>
    %dot_general3A_24 = tpu.matmul %add3A_20, %get3A_23, %dot_general3A {dimension_numbers = #tpu.dot_dimension_numbers<[1], [0], [0], [1], [0, 0, 1, 1], [], []>, transpose_lhs_hint = false} : vector<1250x128xf32>, vector<128x8xf32>, vector<1250x8xf32> -> vector<1250x8xf32>
    %get3A_25 = arith.constant 0 : index
    %get3A_26 = arith.constant 0 : index
    %get3A_27 = vector.load %arg5[%get3A_25, %get3A_26] : memref<1x1xf32, #tpu.memory_space<vmem>>, vector<1x1xf32>
    %add3A_28 = vector.broadcast %get3A_27 : vector<1x1xf32> to vector<1250x8xf32>
    %add3A_29 = arith.addf %dot_general3A_24, %add3A_28 : vector<1250x8xf32>
    %swap3A = arith.constant 0 : index
    %swap3A_30 = arith.constant 0 : index
    %swap3A_31 = vector.load %arg6[%swap3A, %swap3A_30] : memref<1250x8xf32, #tpu.memory_space<vmem>>, vector<1250x8xf32>
    tpu.vector_store %arg6[%swap3A, %swap3A_30], %add3A_29 {strides = array<i32>} : memref<1250x8xf32, #tpu.memory_space<vmem>>, vector<1250x8xf32>,
    return
  }
}

</mosaic_0001>

<sc_bundles>
// kernel: kernel.12.cloned.1.call-start
scs
__scs_entry_jumppad:
0x0: {  	(pc) =	sbr.rel $0x88, $3  }
0x1: {  	(tag) =	ssettag $0x0;
	lr =	simm.s32 $0x1  }
0x2: {  	[smem:$0x3F99] =	sst lr;
	_ =	strace $0xD0000000  }
0x3: {  	_ = 	snop  }
0x4: {  	_ = 	snop  }
0x5: {  	_ = 	snop  }
0x6: {  	_ = 	snop  }
0x7: {  	_ = 	snop  }
__scs_overlays_trampoline_lowered:
0x8: {  	[smem:$0x3FA8] =	sst s0  }
0x9: {  	[smem:$0x3FA9] =	sst s1  }
0xa: {  	[smem:$0x3FAA] =	sst s2  }
0xb: {  	[smem:$0x3FAB] =	sst s3  }
0xc: {  	[smem:$0x3FAC] =	sst s4  }
0xd: {  	[smem:$0x3FAD] =	sst s5  }
0xe: {  	[smem:$0x3FAE] =	sst s6  }
0xf: {  	[smem:$0x3FAF] =	sst s7  }
0x10: {  	[smem:$0x3FB0] =	sst s8  }
0x11: {  	[smem:$0x3FB1] =	sst s9;
	s0 =	simm.s32 @!p0 $0x0  }
0x12: {  	s1 =	sld [smem:$0x3F97];
	s0 =	simm.s32 @p0 $0x1  }
0x13: {  	[smem:$0x3FB2] =	sst s0;
	s0 =	simm.s32 @!p1 $0x0  }
0x14: {  	s2 =	sld [smem:$0x3F96];
	s0 =	simm.s32 @p1 $0x1  }
0x15: {  	[smem:$0x3FB3] =	sst s0;
	s0 =	simm.s32 @!p2 $0x0  }
0x16: {  	s3 =	sld [smem:$0x3FDB];
	s0 =	simm.s32 @p2 $0x1  }
0x17: {  	s4 =	simm.s32 $0x1BF5;
	[smem:$0x3FB5] =	sst s0  }
0x18: {  	s0 =	sld [smem:$0x3F98];
	_ =	swait.ge [sflag:s4], $0x0  }
0x19: {  	s7 =	sld [smem:$0x3F99]  }
0x1a: {  	s8 =	sadd.s32 $0xFFFFE003, lr  }
0x1b: {  	s9 =	sadd.s32 $0xFFFFFEF7, lr;
	s5 =	simm.s32 $0xFFFFFFFF;
	p2 =	slt.u32 s8, $0xFFFFF086  }
0x1c: {  	p1 =	slt.u32 s9, $0xF7A;
	s5 =	simm.s32 @!p2 $0x0  }
0x1d: {  	s5 =	simm.s32 @p1 $0x1;
	p0 =	seq.s32 s7, s2  }
0x1e: {  	s7 =	smul.u32 @!p0 $0xF7A, s2;
	p2 =	seq.s32 @!p0 s5, $0x0  }
0x1f: {  	s9 =	smul.u32 $0xF7A, s1;
	s8 =	simm.s32 @!p0 $0x1BF5;
	p2 =	por !p2, p0  }
0x20: {  	[sflag:s8] =	ssyncset.s32 @!p0 $0xFFFFF086;
	s6 =	sadd.s32 @!p0 s3, s7;
	s7 =	simm.s32 @!p0 $0x108  }
0x21: {  	s3 =	sadd.s32 s3, s9;
	s6 =	sadd.s32 @!p0 $0x88, s6;
	s7 =	simm.s32 @p2 $0x1082  }
0x22: {  	[simem:s7], [sflag:s8] =	dma.local @!p0 [hbm:s6], $0xF7A  }
0x23: {  	s9 =	sor.u32 $0xD0000000, s2;
	s6 =	simm.s32 $0x108;
	_ =	swait.ge @!p0 [sflag:s8], $0x0  }
0x24: {  	s3 =	sadd.s32 $0x88, s3;
	s6 =	simm.s32 @!p1 $0x1082;
	[sflag:s4] =	ssyncset.s32 $0xFFFFF086  }
0x25: {  	[simem:s6], [sflag:s4] =	dma.local [hbm:s3], $0xF7A  }
0x26: {  	[smem:$0x3F99] =	sst s1;
	(tag) =	ssettag s2;
	_ =	strace s9  }
0x27: {  	s1 =	sld [smem:$0x3FA9]  }
0x28: {  	s2 =	sld [smem:$0x3FAA]  }
0x29: {  	s4 =	sld [smem:$0x3FAC]  }
0x2a: {  	p0 =	seq.s32 s5, $0x0;
	s5 =	sld [smem:$0x3FAD]  }
0x2b: {  	s6 =	sld [smem:$0x3FAE]  }
0x2c: {  	s7 =	sld [smem:$0x3FAF]  }
0x2d: {  	s3 =	simm.s32 $0x108;
	s8 =	sld [smem:$0x3FB0]  }
0x2e: {  	s3 =	simm.s32 @!p0 $0x1082;
	s9 =	sld [smem:$0x3FB1]  }
0x2f: {  	lr =	sadd.s32 s0, s3;
	s0 =	sld [smem:$0x3FA8]  }
0x30: {  	s3 =	sld [smem:$0x3FAB]  }
0x31: {  	[smem:$0x3FB4] =	sst s10  }
0x32: {  	s10 =	sld [smem:$0x3FB2];
	_ =	sdelay $0x3  }
0x33: {  	p0 =	seq.s32 s10, $0x1;
	s10 =	sld [smem:$0x3FB4];
	_ =	sdelay $0x3  }
0x34: {  	[smem:$0x3FB4] =	sst s10  }
0x35: {  	s10 =	sld [smem:$0x3FB3];
	_ =	sdelay $0x3  }
0x36: {  	p1 =	seq.s32 s10, $0x1;
	s10 =	sld [smem:$0x3FB4];
	_ =	sdelay $0x3  }
0x37: {  	[smem:$0x3FB4] =	sst s10  }
0x38: {  	s10 =	sld [smem:$0x3FB5]  }
0x39: {  	_ = 	snop;
	(pc) =	sbr.ind lr, $3  }
0x3a: {  	_ = 	snop  }
0x3b: {  	_ = 	snop  }
0x3c: {  	p2 =	seq.s32 s10, $0x1;
	s10 =	sld [smem:$0x3FB4]  }
0x3d: {  	_ =	shalt  }
0x3e: {  	_ =	shalt  }
0x3f: {  	_ =	shalt  }
0x40: {  	_ =	shalt  }
0x41: {  	_ =	shalt  }
0x42: {  	_ =	shalt  }
0x43: {  	_ =	shalt  }
0x44: {  	_ =	shalt  }
0x45: {  	_ =	shalt  }
0x46: {  	_ =	shalt  }
0x47: {  	_ =	shalt  }
0x48: {  	_ =	shalt  }
0x49: {  	_ =	shalt  }
0x4a: {  	_ =	shalt  }
0x4b: {  	_ =	shalt  }
0x4c: {  	_ =	shalt  }
0x4d: {  	_ =	shalt  }
0x4e: {  	_ =	shalt  }
0x4f: {  	_ =	shalt  }
0x50: {  	_ =	shalt  }
0x51: {  	_ =	shalt  }
0x52: {  	_ =	shalt  }
0x53: {  	_ =	shalt  }
0x54: {  	_ =	shalt  }
0x55: {  	_ =	shalt  }
0x56: {  	_ =	shalt  }
0x57: {  	_ =	shalt  }
0x58: {  	_ =	shalt  }
0x59: {  	_ =	shalt  }
0x5a: {  	_ =	shalt  }
0x5b: {  	_ =	shalt  }
0x5c: {  	_ =	shalt  }
0x5d: {  	_ =	shalt  }
0x5e: {  	_ =	shalt  }
0x5f: {  	_ =	shalt  }
0x60: {  	_ =	shalt  }
0x61: {  	_ =	shalt  }
0x62: {  	_ =	shalt  }
0x63: {  	_ =	shalt  }
0x64: {  	_ =	shalt  }
0x65: {  	_ =	shalt  }
0x66: {  	_ =	shalt  }
0x67: {  	_ =	shalt  }
0x68: {  	_ =	shalt  }
0x69: {  	_ =	shalt  }
0x6a: {  	_ =	shalt  }
0x6b: {  	_ =	shalt  }
0x6c: {  	_ =	shalt  }
0x6d: {  	_ =	shalt  }
0x6e: {  	_ =	shalt  }
0x6f: {  	_ =	shalt  }
0x70: {  	_ =	shalt  }
0x71: {  	_ =	shalt  }
0x72: {  	_ =	shalt  }
0x73: {  	_ =	shalt  }
0x74: {  	_ =	shalt  }
0x75: {  	_ =	shalt  }
0x76: {  	_ =	shalt  }
0x77: {  	_ =	shalt  }
0x78: {  	_ =	shalt  }
0x79: {  	_ =	shalt  }
0x7a: {  	_ =	shalt  }
0x7b: {  	_ =	shalt  }
0x7c: {  	_ =	shalt  }
0x7d: {  	_ =	shalt  }
0x7e: {  	_ =	shalt  }
0x7f: {  	_ =	shalt  }
0x80: {  	_ =	shalt  }
0x81: {  	_ =	shalt  }
0x82: {  	_ =	shalt  }
0x83: {  	_ =	shalt  }
0x84: {  	_ =	shalt  }
0x85: {  	_ =	shalt  }
0x86: {  	_ =	shalt  }
0x87: {  	_ =	shalt  }
.Lfunc_end0:
.L_simem_size_0:
called_computation.1_lowered:
.L_overlay_start_0:
0x88: {  	s2 =	sld [smem:$0x3FD9]  }
0x89: {  	s3 =	sld [smem:$0x3FFE];
	_ =	sdelay $0x1  }
0x8a: {  	s1 =	srdreg.scid  }
0x8b: {  	s0 =	sand.u32 $0x1, s1  }
0x8c: {  	s16 =	sshll.u32 s0, $0xA;
	s2 =	sadd.s32 s3, s2  }
0x8d: {  	s2 =	sadd.s32 s2, s16  }
0x8e: {  	[smem:$0x3FC0] =	sst s2  }
0x8f: {  	_ = 	snop  }
0x90: {  	(tm) =	ssettm $0x1  }
0x91: {  	s17 =	sld [smem:$0x3FFB];
	_ =	sdelay $0x3  }
0x92: {  	_ =	strace s17  }
0x93: {  	s2 =	sld [smem:$0x3FFC];
	_ =	sdelay $0x3  }
0x94: {  	_ =	strace s2  }
0x95: {  	s2 =	sld [smem:$0x3FFD];
	_ =	sdelay $0x3  }
0x96: {  	_ =	strace s2  }
0x97: {  	_ =	strace $0x8FFFFFFF  }
0x98: {  	s18 =	sld [smem:$0x3FDB];
	_ =	sdelay $0x1  }
0x99: {  	s19 =	simm.s32 $_scs_section_size  }
0x9a: {  	s4 =	simm.s32 $_size__tile_overlayer_lowered;
	s5 =	simm.s32 $_tile_overlayer_lowered  }
0x9b: {  	s22 =	simm.s32 $0x1BFF;
	s21 =	sshll.u32 s5, $0x1;
	s2 =	sadd.s32 s19, s18  }
0x9c: {  	s6 =	simm.s32 $0x0;
	s20 =	sshll.u32 s4, $0x1;
	s4 =	sadd.s32 s21, s2  }
0x9d: {  	[timem:s6], [sflag:s22] =	dma.local [hbm:s4], s20  }
0x9e: {  	_ =	swait.ge [sflag:s22], s20  }
0x9f: {  	s3 =	ssub.s32 $0x0, s20;
	[sflag:s22] =	ssyncset.done $0x0  }
0xa0: {  	[sflag:s22] =	ssyncadd.s32 s3;
	_ =	sdelay $0x1  }
0xa1: {  	s23 =	simm.s32 $0x1B8B  }
0xa2: {  	_ =	swait.ge [sflag:s23], $0x1  }
0xa3: {  	[sflag:s23] =	ssyncset.done $0x0  }
0xa4: {  	s25 =	simm.s32 $0x1B8E;
	s24 =	sld [smem:$0x3FFE];
	[sflag:s23] =	ssyncadd.s32 $0xFFFFFFFF  }
0xa5: {  	s26 =	simm.s32 $execute0_lowered;
	[smem:$0x3FD2] =	sst s25  }
0xa6: {  	s4 =	sshll.u32 s26, $0x1;
	_ =	strace $0x80000049;
	[dreg:$0x1] =	wrdreg $0xFFFFFFFF  }
0xa7: {  	s28 =	simm.s32 $_size_execute0_lowered;
	s2 =	sadd.s32 s2, s4;
	[dreg:$0x0] =	wrdreg $0x0  }
0xa8: {  	s4 =	sshll.u32 s28, $0x1;
	[dreg:$0x2] =	wrdreg s2  }
0xa9: {  	[dreg:$0x3] =	wrdreg s4  }
0xaa: {  	[dreg:$0x4] =	wrdreg $0xC0  }
0xab: {  	_ =	task [dreg:s6], $0x5FFFF  }
0xac: {  	[dreg:$0x1] =	wrdreg $0xFFFFFFFF  }
0xad: {  	[dreg:$0x0] =	wrdreg $0x60  }
0xae: {  	[dreg:$0x2] =	wrdreg s24  }
0xaf: {  	[dreg:$0x3] =	wrdreg $0x8F200  }
0xb0: {  	[dreg:$0x4] =	wrdreg $0xB7200  }
0xb1: {  	[dreg:$0x5] =	wrdreg $0x9  }
0xb2: {  	_ =	task.clear_ibuf [dreg:s6], $0x6FFFF;
	_ =	strace $0x90000049  }
0xb3: {  	s29 =	simm.s32 $0x9;
	_ =	strace $0x8000004B  }
0xb4: {  	_ =	swait.ge [sflag:s29], $0x1  }
0xb5: {  	[sflag:s29] =	ssyncadd.s32 $0xFFFFFFFF  }
0xb6: {  	_ =	strace $0x9000004B  }
0xb7: {  	_ =	sfence  }
0xb8: {  	s30 =	sld [smem:$0x0];
	_ =	sdelay $0x2  }
0xb9: {  	s31 =	sshll.u32 s1, $0xD;
	s1 =	sshrl.u32 s1, $0x2  }
0xba: {  	s3 =	sand.u32 $0x4000, s31;
	s1 =	sadd.s32 s1, s30  }
0xbb: {  	s0 =	sor.u32 s3, s0;
	s1 =	sshll.u32 s1, $0x11  }
0xbc: {  	s0 =	sor.u32 s1, s0  }
0xbd: {  	s0 =	sadd.s32 $0x8F2B, s0  }
0xbe: {  	[sflag:s0] =	ssyncadd.remote.s32 $0x1  }
0xbf: {  	_ =	sfence.sel $0xFFFF  }
0xc0: {  	[dreg:$0x0] =	wrdreg $0xFFFFFFFF;
	(pc) =	sbr.abs _section_cstart, $3  }
0xc1: {  	[dreg:$0x1] =	wrdreg $0xFFFFFFFF  }
0xc2: {  	_ =	task.clear_ibuf [dreg:s6], $0x2FFFF;
	_ =	strace $0x9FFFFFFF  }
0xc3: {  	(tm) =	ssettm $0x7FFFFFFF  }
tec
execute0_lowered:
.L_overlay_start_1:
0x0: {  	(tag) =	ssettag $0x1  }
0x1: {  	s0 =	rddreg [dreg:$0x0]  }
0x2: {  	s2 =	rddreg [dreg:$0x1];
	s12 =	stileid.u32  }
0x3: {  	s1 =	srdreg.scid;
	s3 =	rddreg [dreg:$0x2];
	s4 =	simm.s32 $0x0  }
0x4: {  	s15 =	simm.s32 $0x2710;
	s16 =	simm.s32 $0x50;
	s17 =	simm.s32 $0x4E20  }
0x5: {  	s18 =	simm.s32 $0x5320;
	s20 =	simm.s32 $0x5820;
	s21 =	simm.s32 $0x1  }
0x6: {  	s23 =	simm.s32 $0x5D20;
	s28 =	simm.s32 $0x6220;
	s29 =	simm.s32 $0x3  }
0x7: {  	s31 =	simm.s32 $0x6;
	s19 =	simm.s32 $0x7;
	s6 =	smul.u32 $0x2710, s12  }
0x8: {  	s30 =	simm.s32 $0x8;
	s1 =	sand.u32 $0x1, s1;
	s7 =	smul.u32 $0x2800, s12  }
0x9: {  	[smem:$0x7FF] =	sst s4;
	s26 =	sshll.u32 s12, $0x6;
	s5 =	sshll.u32 s1, $0x4  }
0xa: {  	s8 =	smul.u32 $0x28000, s1;
	_ =	strace $0x8000004A;
	s1 =	ssub.s32 $0x2, s1  }
0xb: {  	s13 =	sor.u32 $0x1C0B, s26;
	s5 =	sor.u32 s12, s5;
	s9 =	sshrl.u32 s6, $0x3  }
0xc: {  	s24 =	sshrl.u32 s1, $0x1;
	s11 =	sadd.s32 s6, s3;
	s12 =	simm.s32 $0xB  }
0xd: {  	s5 =	smul.u32 $0x2710, s5;
	s9 =	sadd.s32 s9, s0;
	s8 =	sadd.s32 s7, s8  }
0xe: {  	s1 =	ssub.s32 s1, s24;
	s14 =	sshrl.u32 s11, $0x3;
	s24 =	simm.s32 $0x2  }
0xf: {  	s11 =	simm.s32 $0xA;
	s8 =	sshrl.u32 s8, $0x3;
	s25 =	sadd.s32 $0x16800, s9  }
0x10: {  	s5 =	sshrl.u32 s5, $0x3;
	[dreg:$0x4] =	wrdreg s25;
	s25 =	simm.s32 $0x5  }
0x11: {  	s10 =	sadd.s32 s5, s0;
	s0 =	sadd.s32 s8, s0;
	s5 =	sadd.s32 s7, s2  }
0x12: {  	s7 =	sadd.s32 $0x2E00, s10;
	s8 =	sadd.s32 $0xCA40, s10;
	s9 =	sadd.s32 $0x1B800, s0  }
0x13: {  	v0 =	vimm.f32 $0.0e+00;
	s10 =	smax.u32 s1, $0x1;
	s0 =	simm.s32 $0x4;
	s1 =	simm.s32 $0x9  }
.LBB2_1:
0x14: {  	s22 =	simm.s32 $0x6760  }
0x15: {  	[tilespmem:s22+$0xFFFFFFC0] =	vst v0  }
0x16: {  	[tilespmem:s22+$0x30] =	vst v0  }
0x17: {  	[tilespmem:s22+$0x20] =	vst v0  }
0x18: {  	[tilespmem:s22+$0x10] =	vst v0  }
0x19: {  	[tilespmem:s22+$0x0] =	vst v0  }
0x1a: {  	[tilespmem:s22+$0xFFFFFFF0] =	vst v0  }
0x1b: {  	s26 =	simm.s32 $0x0;
	[tilespmem:s22+$0xFFFFFFE0] =	vst v0  }
.LBB2_2:
0x1c: {  	s26 =	sadd.s32 $0x8, s26;
	[tilespmem:s22+$0xFFFFFFD0] =	vst v0;
	s22 =	sadd.s32 $0x80, s22  }
0x1d: {  	[tilespmem:s22+$0xFFFFFFC0] =	vst v0;
	p0 =	slt.u32 s26, $0x278  }
0x1e: {  	[tilespmem:s22+$0x30] =	vst v0  }
.Ltmp0:
0x1f: {  	[tilespmem:s22+$0x20] =	vst v0;
	(pc) =	sbr.rel @p0 .LBB2_2-.Ltmp0, $4  }
0x20: {  	[tilespmem:s22+$0x10] =	vst v0  }
0x21: {  	[tilespmem:s22+$0x0] =	vst v0  }
0x22: {  	[tilespmem:s22+$0xFFFFFFF0] =	vst v0  }
0x23: {  	[tilespmem:s22+$0xFFFFFFE0] =	vst v0  }
0x24: {  	[tilespmem:s22+$0xFFFFFFD0] =	vst v0;
	s6 =	simm.s32 $0x6720  }
0x25: {  	[spmem:s5] =	stream.linear.scatter [tilespmem:s6], [sflag:$0xB], $0x2800, $0x38;
	[tilespmem:$0xDE30] =	vst v63  }
0x26: {  	_ =	swait.ge [sflag:s12], $0x2800  }
0x27: {  	[sflag:s12] =	ssyncset.done $0x0  }
0x28: {  	s26 =	rddreg [dreg:$0x4];
	[sflag:s12] =	ssyncadd.s32 $0xFFFFD800  }
0x29: {  	[spmem:s14], [sflag:s13] =	dma.local [hbm:s26], $0x4E2  }
0x2a: {  	_ =	swait.ge [sflag:s12], $0x4E2  }
0x2b: {  	[sflag:s12] =	ssyncset.done $0x0  }
0x2c: {  	[sflag:s12] =	ssyncadd.s32 $0xFFFFFB1E  }
0x2d: {  	s6 =	simm.s32 $0x0;
	[bflag:$0x0] =	sbarrier.arrive $0xFFFF  }
0x2e: {  	[tilespmem:s6], [sflag:$0xB] =	stream.linear.gather [hbm4b:s7+s6], $0x2710, $0x38;
	[tilespmem:$0xDE30] =	vst v63  }
0x2f: {  	_ =	swait.ge [sflag:s12], $0x2710  }
0x30: {  	[sflag:s12] =	ssyncset.done $0x0  }
0x31: {  	[sflag:s12] =	ssyncadd.s32 $0xFFFFD8F0  }
0x32: {  	[tilespmem:s15], [sflag:$0xB] =	stream.linear.gather [hbm4b:s8+s6], $0x2710, $0x38;
	[tilespmem:$0xDE30] =	vst v63  }
0x33: {  	_ =	swait.ge [sflag:s12], $0x2710  }
0x34: {  	[sflag:s12] =	ssyncset.done $0x0  }
0x35: {  	[sflag:s12] =	ssyncadd.s32 $0xFFFFD8F0  }
0x36: {  	[tilespmem:s17], [sflag:$0x1] =	stream.indirect.gather [spmem:s3], $0x10, s6, s16, $0xb8;
	[tilespmem:$0xDE30] =	vst v63  }
0x37: {  	_ = 	snop  }
0x38: {  	[tilespmem:s18], [sflag:$0x2] =	stream.indirect.gather [spmem:s3], $0x10, s16, s16, $0xb8;
	[tilespmem:$0xDE30] =	vst v63  }
0x39: {  	s22 =	simm.s32 $0xA0  }
0x3a: {  	[tilespmem:s20], [sflag:$0x3] =	stream.indirect.gather [spmem:s3], $0x10, s22, s16, $0xb8;
	[tilespmem:$0xDE30] =	vst v63  }
0x3b: {  	_ =	swait.ge [sflag:s21], $0x500  }
0x3c: {  	[sflag:s21] =	ssyncset.done $0x0  }
0x3d: {  	[sflag:s21] =	ssyncadd.s32 $0xFFFFFB00  }
0x3e: {  	[spmem:s2] =	stream.indirect.scatter.add.f32 [tilespmem:s17], [sflag:$0x6], $0x10, s15, s16, $0xb8;
	[tilespmem:$0xDE30] =	vst v63  }
0x3f: {  	s26 =	simm.s32 $0xF0  }
0x40: {  	[tilespmem:s23], [sflag:$0x4] =	stream.indirect.gather [spmem:s3], $0x10, s26, s16, $0xb8;
	[tilespmem:$0xDE30] =	vst v63  }
0x41: {  	_ =	swait.ge [sflag:s24], $0x500  }
0x42: {  	[sflag:s24] =	ssyncset.done $0x0  }
0x43: {  	s22 =	simm.s32 $0x2760;
	[sflag:s24] =	ssyncadd.s32 $0xFFFFFB00  }
0x44: {  	[spmem:s2] =	stream.indirect.scatter.add.f32 [tilespmem:s18], [sflag:$0x7], $0x10, s22, s16, $0xb8;
	[tilespmem:$0xDE30] =	vst v63  }
0x45: {  	s26 =	simm.s32 $0x140  }
0x46: {  	[tilespmem:s28], [sflag:$0x5] =	stream.indirect.gather [spmem:s3], $0x10, s26, s16, $0xb8;
	[tilespmem:$0xDE30] =	vst v63  }
0x47: {  	_ =	swait.ge [sflag:s29], $0x500  }
0x48: {  	[sflag:s29] =	ssyncset.done $0x0  }
0x49: {  	s22 =	simm.s32 $0x27B0;
	[sflag:s29] =	ssyncadd.s32 $0xFFFFFB00  }
0x4a: {  	[spmem:s2] =	stream.indirect.scatter.add.f32 [tilespmem:s20], [sflag:$0x8], $0x10, s22, s16, $0xb8;
	[tilespmem:$0xDE30] =	vst v63  }
0x4b: {  	_ =	swait.ge [sflag:s31], $0x500  }
0x4c: {  	[sflag:s31] =	ssyncset.done $0x0  }
0x4d: {  	s26 =	simm.s32 $0x190;
	[sflag:s31] =	ssyncadd.s32 $0xFFFFFB00  }
0x4e: {  	[tilespmem:s17], [sflag:$0x1] =	stream.indirect.gather [spmem:s3], $0x10, s26, s16, $0xb8;
	[tilespmem:$0xDE30] =	vst v63  }
0x4f: {  	_ =	swait.ge [sflag:s0], $0x500  }
0x50: {  	[sflag:s0] =	ssyncset.done $0x0  }
0x51: {  	s22 =	simm.s32 $0x2800;
	[sflag:s0] =	ssyncadd.s32 $0xFFFFFB00  }
0x52: {  	[spmem:s2] =	stream.indirect.scatter.add.f32 [tilespmem:s23], [sflag:$0x9], $0x10, s22, s16, $0xb8;
	[tilespmem:$0xDE30] =	vst v63  }
0x53: {  	_ =	swait.ge [sflag:s19], $0x500  }
0x54: {  	[sflag:s19] =	ssyncset.done $0x0  }
0x55: {  	s26 =	simm.s32 $0x1E0;
	[sflag:s19] =	ssyncadd.s32 $0xFFFFFB00  }
0x56: {  	[tilespmem:s18], [sflag:$0x2] =	stream.indirect.gather [spmem:s3], $0x10, s26, s16, $0xb8;
	[tilespmem:$0xDE30] =	vst v63  }
0x57: {  	_ =	swait.ge [sflag:s25], $0x500  }
0x58: {  	[sflag:s25] =	ssyncset.done $0x0  }
0x59: {  	s22 =	simm.s32 $0x2850;
	[sflag:s25] =	ssyncadd.s32 $0xFFFFFB00  }
0x5a: {  	[spmem:s2] =	stream.indirect.scatter.add.f32 [tilespmem:s28], [sflag:$0xA], $0x10, s22, s16, $0xb8;
	[tilespmem:$0xDE30] =	vst v63  }
0x5b: {  	_ =	swait.ge [sflag:s30], $0x500  }
0x5c: {  	[sflag:s30] =	ssyncset.done $0x0  }
0x5d: {  	s26 =	simm.s32 $0x230;
	[sflag:s30] =	ssyncadd.s32 $0xFFFFFB00  }
0x5e: {  	[tilespmem:s20], [sflag:$0x3] =	stream.indirect.gather [spmem:s3], $0x10, s26, s16, $0xb8;
	[tilespmem:$0xDE30] =	vst v63  }
0x5f: {  	_ =	swait.ge [sflag:s21], $0x500  }
0x60: {  	[sflag:s21] =	ssyncset.done $0x0  }
0x61: {  	s6 =	simm.s32 $0x28A0;
	[sflag:s21] =	ssyncadd.s32 $0xFFFFFB00  }
0x62: {  	[spmem:s2] =	stream.indirect.scatter.add.f32 [tilespmem:s17], [sflag:$0x6], $0x10, s6, s16, $0xb8;
	[tilespmem:$0xDE30] =	vst v63  }
0x63: {  	_ =	swait.ge [sflag:s1], $0x500  }
0x64: {  	[sflag:s1] =	ssyncset.done $0x0  }
0x65: {  	s26 =	simm.s32 $0x280;
	[sflag:s1] =	ssyncadd.s32 $0xFFFFFB00  }
0x66: {  	[tilespmem:s23], [sflag:$0x4] =	stream.indirect.gather [spmem:s3], $0x10, s26, s16, $0xb8;
	[tilespmem:$0xDE30] =	vst v63  }
0x67: {  	_ =	swait.ge [sflag:s24], $0x500  }
0x68: {  	[sflag:s24] =	ssyncset.done $0x0  }
0x69: {  	s6 =	simm.s32 $0x28F0;
	[sflag:s24] =	ssyncadd.s32 $0xFFFFFB00  }
0x6a: {  	[spmem:s2] =	stream.indirect.scatter.add.f32 [tilespmem:s18], [sflag:$0x7], $0x10, s6, s16, $0xb8;
	[tilespmem:$0xDE30] =	vst v63  }
0x6b: {  	_ =	swait.ge [sflag:s11], $0x500  }
0x6c: {  	[sflag:s11] =	ssyncset.done $0x0  }
0x6d: {  	s26 =	simm.s32 $0x2D0;
	[sflag:s11] =	ssyncadd.s32 $0xFFFFFB00  }
0x6e: {  	[tilespmem:s28], [sflag:$0x5] =	stream.indirect.gather [spmem:s3], $0x10, s26, s16, $0xb8;
	[tilespmem:$0xDE30] =	vst v63  }
0x6f: {  	_ =	swait.ge [sflag:s29], $0x500  }
0x70: {  	[sflag:s29] =	ssyncset.done $0x0  }
0x71: {  	s6 =	simm.s32 $0x2940;
	[sflag:s29] =	ssyncadd.s32 $0xFFFFFB00  }
0x72: {  	[spmem:s2] =	stream.indirect.scatter.add.f32 [tilespmem:s20], [sflag:$0x8], $0x10, s6, s16, $0xb8;
	[tilespmem:$0xDE30] =	vst v63  }
0x73: {  	_ =	swait.ge [sflag:s31], $0x500  }
0x74: {  	[sflag:s31] =	ssyncset.done $0x0  }
0x75: {  	s26 =	simm.s32 $0x320;
	[sflag:s31] =	ssyncadd.s32 $0xFFFFFB00  }
0x76: {  	[tilespmem:s17], [sflag:$0x1] =	stream.indirect.gather [spmem:s3], $0x10, s26, s16, $0xb8;
	[tilespmem:$0xDE30] =	vst v63  }
0x77: {  	_ =	swait.ge [sflag:s0], $0x500  }
0x78: {  	[sflag:s0] =	ssyncset.done $0x0  }
0x79: {  	s6 =	simm.s32 $0x2990;
	[sflag:s0] =	ssyncadd.s32 $0xFFFFFB00  }
0x7a: {  	[spmem:s2] =	stream.indirect.scatter.add.f32 [tilespmem:s23], [sflag:$0x9], $0x10, s6, s16, $0xb8;
	[tilespmem:$0xDE30] =	vst v63  }
0x7b: {  	_ =	swait.ge [sflag:s19], $0x500  }
0x7c: {  	[sflag:s19] =	ssyncset.done $0x0  }
0x7d: {  	s26 =	simm.s32 $0x370;
	[sflag:s19] =	ssyncadd.s32 $0xFFFFFB00  }
0x7e: {  	[tilespmem:s18], [sflag:$0x2] =	stream.indirect.gather [spmem:s3], $0x10, s26, s16, $0xb8;
	[tilespmem:$0xDE30] =	vst v63  }
0x7f: {  	_ =	swait.ge [sflag:s25], $0x500  }
0x80: {  	[sflag:s25] =	ssyncset.done $0x0  }
0x81: {  	s22 =	simm.s32 $0x640;
	s26 =	simm.s32 $0x29E0;
	[sflag:s25] =	ssyncadd.s32 $0xFFFFFB00  }
.LBB2_4:
0x82: {  	[spmem:s2] =	stream.indirect.scatter.add.f32 [tilespmem:s28], [sflag:$0xA], $0x10, s26, s16, $0xb8;
	[tilespmem:$0xDE30] =	vst v63  }
0x83: {  	s26 =	smov.u32 s22;
	s22 =	sadd.s32 $0x640, s22;
	_ =	swait.ge [sflag:s30], $0x500  }
0x84: {  	s26 =	sshra.s32 s26, $0x2;
	p0 =	sne.s32 s22, $0x8FC0;
	[sflag:s30] =	ssyncset.done $0x0  }
0x85: {  	s6 =	sadd.s32 $0x230, s26;
	[sflag:s30] =	ssyncadd.s32 $0xFFFFFB00  }
0x86: {  	[tilespmem:s20], [sflag:$0x3] =	stream.indirect.gather [spmem:s3], $0x10, s6, s16, $0xb8;
	[tilespmem:$0xDE30] =	vst v63  }
0x87: {  	_ =	swait.ge [sflag:s21], $0x500  }
0x88: {  	[sflag:s21] =	ssyncset.done $0x0  }
0x89: {  	s6 =	sadd.s32 $0x28A0, s26;
	[sflag:s21] =	ssyncadd.s32 $0xFFFFFB00  }
0x8a: {  	[spmem:s2] =	stream.indirect.scatter.add.f32 [tilespmem:s17], [sflag:$0x6], $0x10, s6, s16, $0xb8;
	[tilespmem:$0xDE30] =	vst v63  }
0x8b: {  	_ =	swait.ge [sflag:s1], $0x500  }
0x8c: {  	[sflag:s1] =	ssyncset.done $0x0  }
0x8d: {  	s6 =	sadd.s32 $0x280, s26;
	[sflag:s1] =	ssyncadd.s32 $0xFFFFFB00  }
0x8e: {  	[tilespmem:s23], [sflag:$0x4] =	stream.indirect.gather [spmem:s3], $0x10, s6, s16, $0xb8;
	[tilespmem:$0xDE30] =	vst v63  }
0x8f: {  	_ =	swait.ge [sflag:s24], $0x500  }
0x90: {  	[sflag:s24] =	ssyncset.done $0x0  }
0x91: {  	s6 =	sadd.s32 $0x28F0, s26;
	[sflag:s24] =	ssyncadd.s32 $0xFFFFFB00  }
0x92: {  	[spmem:s2] =	stream.indirect.scatter.add.f32 [tilespmem:s18], [sflag:$0x7], $0x10, s6, s16, $0xb8;
	[tilespmem:$0xDE30] =	vst v63  }
0x93: {  	_ =	swait.ge [sflag:s11], $0x500  }
0x94: {  	[sflag:s11] =	ssyncset.done $0x0  }
0x95: {  	s6 =	sadd.s32 $0x2D0, s26;
	[sflag:s11] =	ssyncadd.s32 $0xFFFFFB00  }
0x96: {  	[tilespmem:s28], [sflag:$0x5] =	stream.indirect.gather [spmem:s3], $0x10, s6, s16, $0xb8;
	[tilespmem:$0xDE30] =	vst v63  }
0x97: {  	_ =	swait.ge [sflag:s29], $0x500  }
0x98: {  	[sflag:s29] =	ssyncset.done $0x0  }
0x99: {  	s6 =	sadd.s32 $0x2940, s26;
	[sflag:s29] =	ssyncadd.s32 $0xFFFFFB00  }
0x9a: {  	[spmem:s2] =	stream.indirect.scatter.add.f32 [tilespmem:s20], [sflag:$0x8], $0x10, s6, s16, $0xb8;
	[tilespmem:$0xDE30] =	vst v63  }
0x9b: {  	_ =	swait.ge [sflag:s31], $0x500  }
0x9c: {  	[sflag:s31] =	ssyncset.done $0x0  }
0x9d: {  	s6 =	sadd.s32 $0x320, s26;
	[sflag:s31] =	ssyncadd.s32 $0xFFFFFB00  }
0x9e: {  	[tilespmem:s17], [sflag:$0x1] =	stream.indirect.gather [spmem:s3], $0x10, s6, s16, $0xb8;
	[tilespmem:$0xDE30] =	vst v63  }
0x9f: {  	_ =	swait.ge [sflag:s0], $0x500  }
0xa0: {  	[sflag:s0] =	ssyncset.done $0x0  }
0xa1: {  	s6 =	sadd.s32 $0x2990, s26;
	[sflag:s0] =	ssyncadd.s32 $0xFFFFFB00  }
0xa2: {  	[spmem:s2] =	stream.indirect.scatter.add.f32 [tilespmem:s23], [sflag:$0x9], $0x10, s6, s16, $0xb8;
	[tilespmem:$0xDE30] =	vst v63  }
0xa3: {  	_ =	swait.ge [sflag:s19], $0x500  }
0xa4: {  	[sflag:s19] =	ssyncset.done $0x0  }
.Ltmp1:
0xa5: {  	s6 =	sadd.s32 $0x370, s26;
	[sflag:s19] =	ssyncadd.s32 $0xFFFFFB00;
	(pc) =	sbr.rel @p0 .LBB2_4-.Ltmp1, $4  }
0xa6: {  	[tilespmem:s18], [sflag:$0x2] =	stream.indirect.gather [spmem:s3], $0x10, s6, s16, $0xb8;
	[tilespmem:$0xDE30] =	vst v63  }
0xa7: {  	_ =	swait.ge [sflag:s25], $0x500  }
0xa8: {  	[sflag:s25] =	ssyncset.done $0x0  }
0xa9: {  	s26 =	sadd.s32 $0x29E0, s26;
	[sflag:s25] =	ssyncadd.s32 $0xFFFFFB00  }
0xaa: {  	[spmem:s2] =	stream.indirect.scatter.add.f32 [tilespmem:s28], [sflag:$0xA], $0x10, s26, s16, $0xb8;
	[tilespmem:$0xDE30] =	vst v63  }
0xab: {  	_ =	swait.ge [sflag:s30], $0x500  }
0xac: {  	s6 =	sshra.s32 s22, $0x2;
	[sflag:s30] =	ssyncset.done $0x0  }
0xad: {  	s22 =	sadd.s32 $0x230, s6;
	[sflag:s30] =	ssyncadd.s32 $0xFFFFFB00  }
0xae: {  	[tilespmem:s20], [sflag:$0x3] =	stream.indirect.gather [spmem:s3], $0x10, s22, s16, $0xb8;
	[tilespmem:$0xDE30] =	vst v63  }
0xaf: {  	_ =	swait.ge [sflag:s21], $0x500  }
0xb0: {  	[sflag:s21] =	ssyncset.done $0x0  }
0xb1: {  	s26 =	sadd.s32 $0x28A0, s6;
	[sflag:s21] =	ssyncadd.s32 $0xFFFFFB00  }
0xb2: {  	[spmem:s2] =	stream.indirect.scatter.add.f32 [tilespmem:s17], [sflag:$0x6], $0x10, s26, s16, $0xb8;
	[tilespmem:$0xDE30] =	vst v63  }
0xb3: {  	_ =	swait.ge [sflag:s1], $0x500  }
0xb4: {  	[sflag:s1] =	ssyncset.done $0x0  }
0xb5: {  	s26 =	sadd.s32 $0x280, s6;
	[sflag:s1] =	ssyncadd.s32 $0xFFFFFB00  }
0xb6: {  	[tilespmem:s23], [sflag:$0x4] =	stream.indirect.gather [spmem:s3], $0x10, s26, s16, $0xb8;
	[tilespmem:$0xDE30] =	vst v63  }
0xb7: {  	_ =	swait.ge [sflag:s24], $0x500  }
0xb8: {  	[sflag:s24] =	ssyncset.done $0x0  }
0xb9: {  	s26 =	sadd.s32 $0x28F0, s6;
	[sflag:s24] =	ssyncadd.s32 $0xFFFFFB00  }
0xba: {  	[spmem:s2] =	stream.indirect.scatter.add.f32 [tilespmem:s18], [sflag:$0x7], $0x10, s26, s16, $0xb8;
	[tilespmem:$0xDE30] =	vst v63  }
0xbb: {  	_ =	swait.ge [sflag:s11], $0x500  }
0xbc: {  	[sflag:s11] =	ssyncset.done $0x0  }
0xbd: {  	s26 =	sadd.s32 $0x2D0, s6;
	[sflag:s11] =	ssyncadd.s32 $0xFFFFFB00  }
0xbe: {  	[tilespmem:s28], [sflag:$0x5] =	stream.indirect.gather [spmem:s3], $0x10, s26, s16, $0xb8;
	[tilespmem:$0xDE30] =	vst v63  }
0xbf: {  	_ =	swait.ge [sflag:s29], $0x500  }
0xc0: {  	[sflag:s29] =	ssyncset.done $0x0  }
0xc1: {  	s26 =	sadd.s32 $0x2940, s6;
	[sflag:s29] =	ssyncadd.s32 $0xFFFFFB00  }
0xc2: {  	[spmem:s2] =	stream.indirect.scatter.add.f32 [tilespmem:s20], [sflag:$0x8], $0x10, s26, s16, $0xb8;
	[tilespmem:$0xDE30] =	vst v63  }
0xc3: {  	_ =	swait.ge [sflag:s31], $0x500  }
0xc4: {  	[sflag:s31] =	ssyncset.done $0x0  }
0xc5: {  	[sflag:s31] =	ssyncadd.s32 $0xFFFFFB00  }
0xc6: {  	_ =	swait.ge [sflag:s0], $0x500  }
0xc7: {  	[sflag:s0] =	ssyncset.done $0x0  }
0xc8: {  	s26 =	sadd.s32 $0x2990, s6;
	[sflag:s0] =	ssyncadd.s32 $0xFFFFFB00  }
0xc9: {  	[spmem:s2] =	stream.indirect.scatter.add.f32 [tilespmem:s23], [sflag:$0x9], $0x10, s26, s16, $0xb8;
	[tilespmem:$0xDE30] =	vst v63  }
0xca: {  	_ =	swait.ge [sflag:s19], $0x500  }
0xcb: {  	[sflag:s19] =	ssyncset.done $0x0  }
0xcc: {  	[sflag:s19] =	ssyncadd.s32 $0xFFFFFB00  }
0xcd: {  	_ =	swait.ge [sflag:s25], $0x500  }
0xce: {  	[sflag:s25] =	ssyncset.done $0x0  }
0xcf: {  	s6 =	sadd.s32 $0x29E0, s6;
	[sflag:s25] =	ssyncadd.s32 $0xFFFFFB00  }
0xd0: {  	[spmem:s2] =	stream.indirect.scatter.add.f32 [tilespmem:s28], [sflag:$0xA], $0x10, s6, s16, $0xb8;
	[tilespmem:$0xDE30] =	vst v63  }
0xd1: {  	_ =	swait.ge [sflag:s30], $0x500  }
0xd2: {  	[sflag:s30] =	ssyncset.done $0x0  }
0xd3: {  	[sflag:s30] =	ssyncadd.s32 $0xFFFFFB00  }
0xd4: {  	_ =	swait.ge [sflag:s1], $0x500  }
0xd5: {  	[sflag:s1] =	ssyncset.done $0x0  }
0xd6: {  	[sflag:s1] =	ssyncadd.s32 $0xFFFFFB00  }
0xd7: {  	_ =	swait.ge [sflag:s11], $0x500  }
0xd8: {  	s4 =	sadd.s32 $0x1, s4;
	[sflag:s11] =	ssyncset.done $0x0  }
0xd9: {  	p0 =	sne.s32 s4, s10;
	[sflag:s11] =	ssyncadd.s32 $0xFFFFFB00  }
.Ltmp2:
0xda: {  	s26 =	sshrl.u32 s5, $0x3;
	[bflag:$0x0] =	sbarrier.arrive $0xFFFF;
	(pc) =	sbr.rel @p0 .LBB2_1-.Ltmp2, $4  }
0xdb: {  	[hbm:s9], [sflag:s13] =	dma.local [spmem:s26], $0x500  }
0xdc: {  	_ =	swait.ge [sflag:s12], $0x500  }
0xdd: {  	[sflag:s12] =	ssyncset.done $0x0  }
0xde: {  	[sflag:s12] =	ssyncadd.s32 $0xFFFFFB00  }
0xdf: {  	_ =	sfence.sel $0x180000  }
0xe0: {  	[bflag:$0x0] =	sbarrier.arrive $0xFFFF  }
0xe1: {  	_ =	strace $0x9000004A  }
0xe2: {  	s0 =	stileid.u32;
	[bflag:$0x2] =	sbarrier.arrive $0xFFFF  }
0xe3: {  	p0 =	sne.s32 s0, $0x0;
	s0 =	rddreg [dreg:$0x3]  }
0xe4: {  	s0 =	sadd.s32 @!p0 $0x100000, s0  }
0xe5: {  	[sflag:s0] =	ssyncadd.tile.s32 @!p0 $0x1;
	_ =	shalt  }
.Lfunc_end2:
_tile_overlayer_lowered:
.L_overlay_start_2:
0xe6: {  	(tag) =	ssettag $0x2  }
0xe7: {  	s0 =	rddreg [dreg:$0x0];
	s2 =	stileid.u32  }
0xe8: {  	s1 =	rddreg [dreg:$0x1];
	p0 =	sne.s32 s2, $0x0  }
0xe9: {  	s3 =	rddreg [dreg:$0x2];
	[bflag:$0x3] =	sbarrier.arrive $0xFFFF;
	s2 =	simm.s32 @!p0 $0x1C0B  }
0xea: {  	[timem:s3], [sflag:s2] =	dma.local @!p0 [hbm:s0], s1  }
0xeb: {  	s0 =	simm.s32 @!p0 $0xB  }
0xec: {  	_ =	swait.ge @!p0 [sflag:s0], s1  }
0xed: {  	s1 =	ssub.s32 @!p0 $0x0, s1;
	[sflag:s0] =	ssyncset.done @!p0 $0x0  }
0xee: {  	[sflag:s0] =	ssyncadd.s32 @!p0 s1  }
0xef: {  	[bflag:$0x3] =	sbarrier.arrive $0xFFFF  }
0xf0: {  	_ =	shalt  }

// kernel: kernel.15.cloned.1.call-start
scs
__scs_entry_jumppad:
0x0: {  	(pc) =	sbr.rel $0x88, $3  }
0x1: {  	(tag) =	ssettag $0x0;
	lr =	simm.s32 $0x1  }
0x2: {  	[smem:$0x3F99] =	sst lr;
	_ =	strace $0xD0000000  }
0x3: {  	_ = 	snop  }
0x4: {  	_ = 	snop  }
0x5: {  	_ = 	snop  }
0x6: {  	_ = 	snop  }
0x7: {  	_ = 	snop  }
__scs_overlays_trampoline_lowered:
0x8: {  	[smem:$0x3FA8] =	sst s0  }
0x9: {  	[smem:$0x3FA9] =	sst s1  }
0xa: {  	[smem:$0x3FAA] =	sst s2  }
0xb: {  	[smem:$0x3FAB] =	sst s3  }
0xc: {  	[smem:$0x3FAC] =	sst s4  }
0xd: {  	[smem:$0x3FAD] =	sst s5  }
0xe: {  	[smem:$0x3FAE] =	sst s6  }
0xf: {  	[smem:$0x3FAF] =	sst s7  }
0x10: {  	[smem:$0x3FB0] =	sst s8  }
0x11: {  	[smem:$0x3FB1] =	sst s9;
	s0 =	simm.s32 @!p0 $0x0  }
0x12: {  	s1 =	sld [smem:$0x3F97];
	s0 =	simm.s32 @p0 $0x1  }
0x13: {  	[smem:$0x3FB2] =	sst s0;
	s0 =	simm.s32 @!p1 $0x0  }
0x14: {  	s2 =	sld [smem:$0x3F96];
	s0 =	simm.s32 @p1 $0x1  }
0x15: {  	[smem:$0x3FB3] =	sst s0;
	s0 =	simm.s32 @!p2 $0x0  }
0x16: {  	s3 =	sld [smem:$0x3FDB];
	s0 =	simm.s32 @p2 $0x1  }
0x17: {  	s4 =	simm.s32 $0x1BF5;
	[smem:$0x3FB5] =	sst s0  }
0x18: {  	s0 =	sld [smem:$0x3F98];
	_ =	swait.ge [sflag:s4], $0x0  }
0x19: {  	s7 =	sld [smem:$0x3F99]  }
0x1a: {  	s8 =	sadd.s32 $0xFFFFE003, lr  }
0x1b: {  	s9 =	sadd.s32 $0xFFFFFEF7, lr;
	s5 =	simm.s32 $0xFFFFFFFF;
	p2 =	slt.u32 s8, $0xFFFFF086  }
0x1c: {  	p1 =	slt.u32 s9, $0xF7A;
	s5 =	simm.s32 @!p2 $0x0  }
0x1d: {  	s5 =	simm.s32 @p1 $0x1;
	p0 =	seq.s32 s7, s2  }
0x1e: {  	s7 =	smul.u32 @!p0 $0xF7A, s2;
	p2 =	seq.s32 @!p0 s5, $0x0  }
0x1f: {  	s9 =	smul.u32 $0xF7A, s1;
	s8 =	simm.s32 @!p0 $0x1BF5;
	p2 =	por !p2, p0  }
0x20: {  	[sflag:s8] =	ssyncset.s32 @!p0 $0xFFFFF086;
	s6 =	sadd.s32 @!p0 s3, s7;
	s7 =	simm.s32 @!p0 $0x108  }
0x21: {  	s3 =	sadd.s32 s3, s9;
	s6 =	sadd.s32 @!p0 $0x88, s6;
	s7 =	simm.s32 @p2 $0x1082  }
0x22: {  	[simem:s7], [sflag:s8] =	dma.local @!p0 [hbm:s6], $0xF7A  }
0x23: {  	s9 =	sor.u32 $0xD0000000, s2;
	s6 =	simm.s32 $0x108;
	_ =	swait.ge @!p0 [sflag:s8], $0x0  }
0x24: {  	s3 =	sadd.s32 $0x88, s3;
	s6 =	simm.s32 @!p1 $0x1082;
	[sflag:s4] =	ssyncset.s32 $0xFFFFF086  }
0x25: {  	[simem:s6], [sflag:s4] =	dma.local [hbm:s3], $0xF7A  }
0x26: {  	[smem:$0x3F99] =	sst s1;
	(tag) =	ssettag s2;
	_ =	strace s9  }
0x27: {  	s1 =	sld [smem:$0x3FA9]  }
0x28: {  	s2 =	sld [smem:$0x3FAA]  }
0x29: {  	s4 =	sld [smem:$0x3FAC]  }
0x2a: {  	p0 =	seq.s32 s5, $0x0;
	s5 =	sld [smem:$0x3FAD]  }
0x2b: {  	s6 =	sld [smem:$0x3FAE]  }
0x2c: {  	s7 =	sld [smem:$0x3FAF]  }
0x2d: {  	s3 =	simm.s32 $0x108;
	s8 =	sld [smem:$0x3FB0]  }
0x2e: {  	s3 =	simm.s32 @!p0 $0x1082;
	s9 =	sld [smem:$0x3FB1]  }
0x2f: {  	lr =	sadd.s32 s0, s3;
	s0 =	sld [smem:$0x3FA8]  }
0x30: {  	s3 =	sld [smem:$0x3FAB]  }
0x31: {  	[smem:$0x3FB4] =	sst s10  }
0x32: {  	s10 =	sld [smem:$0x3FB2];
	_ =	sdelay $0x3  }
0x33: {  	p0 =	seq.s32 s10, $0x1;
	s10 =	sld [smem:$0x3FB4];
	_ =	sdelay $0x3  }
0x34: {  	[smem:$0x3FB4] =	sst s10  }
0x35: {  	s10 =	sld [smem:$0x3FB3];
	_ =	sdelay $0x3  }
0x36: {  	p1 =	seq.s32 s10, $0x1;
	s10 =	sld [smem:$0x3FB4];
	_ =	sdelay $0x3  }
0x37: {  	[smem:$0x3FB4] =	sst s10  }
0x38: {  	s10 =	sld [smem:$0x3FB5]  }
0x39: {  	_ = 	snop;
	(pc) =	sbr.ind lr, $3  }
0x3a: {  	_ = 	snop  }
0x3b: {  	_ = 	snop  }
0x3c: {  	p2 =	seq.s32 s10, $0x1;
	s10 =	sld [smem:$0x3FB4]  }
0x3d: {  	_ =	shalt  }
0x3e: {  	_ =	shalt  }
0x3f: {  	_ =	shalt  }
0x40: {  	_ =	shalt  }
0x41: {  	_ =	shalt  }
0x42: {  	_ =	shalt  }
0x43: {  	_ =	shalt  }
0x44: {  	_ =	shalt  }
0x45: {  	_ =	shalt  }
0x46: {  	_ =	shalt  }
0x47: {  	_ =	shalt  }
0x48: {  	_ =	shalt  }
0x49: {  	_ =	shalt  }
0x4a: {  	_ =	shalt  }
0x4b: {  	_ =	shalt  }
0x4c: {  	_ =	shalt  }
0x4d: {  	_ =	shalt  }
0x4e: {  	_ =	shalt  }
0x4f: {  	_ =	shalt  }
0x50: {  	_ =	shalt  }
0x51: {  	_ =	shalt  }
0x52: {  	_ =	shalt  }
0x53: {  	_ =	shalt  }
0x54: {  	_ =	shalt  }
0x55: {  	_ =	shalt  }
0x56: {  	_ =	shalt  }
0x57: {  	_ =	shalt  }
0x58: {  	_ =	shalt  }
0x59: {  	_ =	shalt  }
0x5a: {  	_ =	shalt  }
0x5b: {  	_ =	shalt  }
0x5c: {  	_ =	shalt  }
0x5d: {  	_ =	shalt  }
0x5e: {  	_ =	shalt  }
0x5f: {  	_ =	shalt  }
0x60: {  	_ =	shalt  }
0x61: {  	_ =	shalt  }
0x62: {  	_ =	shalt  }
0x63: {  	_ =	shalt  }
0x64: {  	_ =	shalt  }
0x65: {  	_ =	shalt  }
0x66: {  	_ =	shalt  }
0x67: {  	_ =	shalt  }
0x68: {  	_ =	shalt  }
0x69: {  	_ =	shalt  }
0x6a: {  	_ =	shalt  }
0x6b: {  	_ =	shalt  }
0x6c: {  	_ =	shalt  }
0x6d: {  	_ =	shalt  }
0x6e: {  	_ =	shalt  }
0x6f: {  	_ =	shalt  }
0x70: {  	_ =	shalt  }
0x71: {  	_ =	shalt  }
0x72: {  	_ =	shalt  }
0x73: {  	_ =	shalt  }
0x74: {  	_ =	shalt  }
0x75: {  	_ =	shalt  }
0x76: {  	_ =	shalt  }
0x77: {  	_ =	shalt  }
0x78: {  	_ =	shalt  }
0x79: {  	_ =	shalt  }
0x7a: {  	_ =	shalt  }
0x7b: {  	_ =	shalt  }
0x7c: {  	_ =	shalt  }
0x7d: {  	_ =	shalt  }
0x7e: {  	_ =	shalt  }
0x7f: {  	_ =	shalt  }
0x80: {  	_ =	shalt  }
0x81: {  	_ =	shalt  }
0x82: {  	_ =	shalt  }
0x83: {  	_ =	shalt  }
0x84: {  	_ =	shalt  }
0x85: {  	_ =	shalt  }
0x86: {  	_ =	shalt  }
0x87: {  	_ =	shalt  }
.Lfunc_end0:
.L_simem_size_0:
called_computation.2_lowered:
.L_overlay_start_0:
0x88: {  	s2 =	sld [smem:$0x3FD9]  }
0x89: {  	s3 =	sld [smem:$0x3FFE];
	_ =	sdelay $0x1  }
0x8a: {  	s1 =	srdreg.scid  }
0x8b: {  	s0 =	sand.u32 $0x1, s1  }
0x8c: {  	s16 =	sshll.u32 s0, $0xA;
	s2 =	sadd.s32 s3, s2  }
0x8d: {  	s2 =	sadd.s32 s2, s16  }
0x8e: {  	[smem:$0x3FC0] =	sst s2  }
0x8f: {  	_ = 	snop  }
0x90: {  	(tm) =	ssettm $0x1  }
0x91: {  	s17 =	sld [smem:$0x3FFB];
	_ =	sdelay $0x3  }
0x92: {  	_ =	strace s17  }
0x93: {  	s2 =	sld [smem:$0x3FFC];
	_ =	sdelay $0x3  }
0x94: {  	_ =	strace s2  }
0x95: {  	s2 =	sld [smem:$0x3FFD];
	_ =	sdelay $0x3  }
0x96: {  	_ =	strace s2  }
0x97: {  	_ =	strace $0x8FFFFFFF  }
0x98: {  	s18 =	sld [smem:$0x3FDB];
	_ =	sdelay $0x1  }
0x99: {  	s19 =	simm.s32 $_scs_section_size  }
0x9a: {  	s4 =	simm.s32 $_size__tile_overlayer_lowered;
	s5 =	simm.s32 $_tile_overlayer_lowered  }
0x9b: {  	s22 =	simm.s32 $0x1BFF;
	s21 =	sshll.u32 s5, $0x1;
	s2 =	sadd.s32 s19, s18  }
0x9c: {  	s6 =	simm.s32 $0x0;
	s20 =	sshll.u32 s4, $0x1;
	s4 =	sadd.s32 s21, s2  }
0x9d: {  	[timem:s6], [sflag:s22] =	dma.local [hbm:s4], s20  }
0x9e: {  	_ =	swait.ge [sflag:s22], s20  }
0x9f: {  	s3 =	ssub.s32 $0x0, s20;
	[sflag:s22] =	ssyncset.done $0x0  }
0xa0: {  	[sflag:s22] =	ssyncadd.s32 s3;
	_ =	sdelay $0x1  }
0xa1: {  	s23 =	simm.s32 $0x1B8B  }
0xa2: {  	_ =	swait.ge [sflag:s23], $0x1  }
0xa3: {  	[sflag:s23] =	ssyncset.done $0x0  }
0xa4: {  	s25 =	simm.s32 $0x1B8E;
	s24 =	sld [smem:$0x3FFE];
	[sflag:s23] =	ssyncadd.s32 $0xFFFFFFFF  }
0xa5: {  	s26 =	simm.s32 $execute0_lowered;
	[smem:$0x3FD2] =	sst s25  }
0xa6: {  	s4 =	sshll.u32 s26, $0x1;
	_ =	strace $0x8000004C;
	[dreg:$0x1] =	wrdreg $0xFFFFFFFF  }
0xa7: {  	s28 =	simm.s32 $_size_execute0_lowered;
	s2 =	sadd.s32 s2, s4;
	[dreg:$0x0] =	wrdreg $0x0  }
0xa8: {  	s4 =	sshll.u32 s28, $0x1;
	[dreg:$0x2] =	wrdreg s2  }
0xa9: {  	[dreg:$0x3] =	wrdreg s4  }
0xaa: {  	[dreg:$0x4] =	wrdreg $0xC0  }
0xab: {  	_ =	task [dreg:s6], $0x5FFFF  }
0xac: {  	[dreg:$0x1] =	wrdreg $0xFFFFFFFF  }
0xad: {  	[dreg:$0x0] =	wrdreg $0x60  }
0xae: {  	[dreg:$0x2] =	wrdreg s24  }
0xaf: {  	[dreg:$0x3] =	wrdreg $0x8F200  }
0xb0: {  	[dreg:$0x4] =	wrdreg $0xB7200  }
0xb1: {  	[dreg:$0x5] =	wrdreg $0x9  }
0xb2: {  	_ =	task.clear_ibuf [dreg:s6], $0x6FFFF;
	_ =	strace $0x9000004C  }
0xb3: {  	s29 =	simm.s32 $0x9;
	_ =	strace $0x8000004E  }
0xb4: {  	_ =	swait.ge [sflag:s29], $0x1  }
0xb5: {  	[sflag:s29] =	ssyncadd.s32 $0xFFFFFFFF  }
0xb6: {  	_ =	strace $0x9000004E  }
0xb7: {  	_ =	sfence  }
0xb8: {  	s30 =	sld [smem:$0x0];
	_ =	sdelay $0x2  }
0xb9: {  	s31 =	sshll.u32 s1, $0xD;
	s1 =	sshrl.u32 s1, $0x2  }
0xba: {  	s3 =	sand.u32 $0x4000, s31;
	s1 =	sadd.s32 s1, s30  }
0xbb: {  	s0 =	sor.u32 s3, s0;
	s1 =	sshll.u32 s1, $0x11  }
0xbc: {  	s0 =	sor.u32 s1, s0  }
0xbd: {  	s0 =	sadd.s32 $0x8F2B, s0  }
0xbe: {  	[sflag:s0] =	ssyncadd.remote.s32 $0x1  }
0xbf: {  	_ =	sfence.sel $0xFFFF  }
0xc0: {  	[dreg:$0x0] =	wrdreg $0xFFFFFFFF;
	(pc) =	sbr.abs _section_cstart, $3  }
0xc1: {  	[dreg:$0x1] =	wrdreg $0xFFFFFFFF  }
0xc2: {  	_ =	task.clear_ibuf [dreg:s6], $0x2FFFF;
	_ =	strace $0x9FFFFFFF  }
0xc3: {  	(tm) =	ssettm $0x7FFFFFFF  }
tec
execute0_lowered:
.L_overlay_start_1:
0x0: {  	(tag) =	ssettag $0x1  }
0x1: {  	s0 =	rddreg [dreg:$0x0]  }
0x2: {  	s2 =	rddreg [dreg:$0x1];
	s12 =	stileid.u32  }
0x3: {  	s1 =	srdreg.scid;
	s3 =	rddreg [dreg:$0x2];
	s4 =	simm.s32 $0x0  }
0x4: {  	s15 =	simm.s32 $0x2710;
	s16 =	simm.s32 $0x50;
	s17 =	simm.s32 $0x4E20  }
0x5: {  	s18 =	simm.s32 $0x5320;
	s20 =	simm.s32 $0x5820;
	s21 =	simm.s32 $0x1  }
0x6: {  	s23 =	simm.s32 $0x5D20;
	s28 =	simm.s32 $0x6220;
	s29 =	simm.s32 $0x3  }
0x7: {  	s31 =	simm.s32 $0x6;
	s19 =	simm.s32 $0x7;
	s6 =	smul.u32 $0x2710, s12  }
0x8: {  	s30 =	simm.s32 $0x8;
	s1 =	sand.u32 $0x1, s1;
	s7 =	smul.u32 $0x2800, s12  }
0x9: {  	[smem:$0x7FF] =	sst s4;
	s26 =	sshll.u32 s12, $0x6;
	s5 =	sshll.u32 s1, $0x4  }
0xa: {  	s8 =	smul.u32 $0x28000, s1;
	_ =	strace $0x8000004D;
	s1 =	ssub.s32 $0x2, s1  }
0xb: {  	s13 =	sor.u32 $0x1C0B, s26;
	s5 =	sor.u32 s12, s5;
	s9 =	sshrl.u32 s6, $0x3  }
0xc: {  	s24 =	sshrl.u32 s1, $0x1;
	s11 =	sadd.s32 s6, s3;
	s12 =	simm.s32 $0xB  }
0xd: {  	s5 =	smul.u32 $0x2710, s5;
	s9 =	sadd.s32 s9, s0;
	s8 =	sadd.s32 s7, s8  }
0xe: {  	s1 =	ssub.s32 s1, s24;
	s14 =	sshrl.u32 s11, $0x3;
	s24 =	simm.s32 $0x2  }
0xf: {  	s11 =	simm.s32 $0xA;
	s8 =	sshrl.u32 s8, $0x3;
	s25 =	sadd.s32 $0x16800, s9  }
0x10: {  	s5 =	sshrl.u32 s5, $0x3;
	[dreg:$0x4] =	wrdreg s25;
	s25 =	simm.s32 $0x5  }
0x11: {  	s10 =	sadd.s32 s5, s0;
	s0 =	sadd.s32 s8, s0;
	s5 =	sadd.s32 s7, s2  }
0x12: {  	s7 =	sadd.s32 $0x2E00, s10;
	s8 =	sadd.s32 $0xCA40, s10;
	s9 =	sadd.s32 $0x1B800, s0  }
0x13: {  	v0 =	vimm.f32 $0.0e+00;
	s10 =	smax.u32 s1, $0x1;
	s0 =	simm.s32 $0x4;
	s1 =	simm.s32 $0x9  }
.LBB2_1:
0x14: {  	s22 =	simm.s32 $0x6760  }
0x15: {  	[tilespmem:s22+$0xFFFFFFC0] =	vst v0  }
0x16: {  	[tilespmem:s22+$0x30] =	vst v0  }
0x17: {  	[tilespmem:s22+$0x20] =	vst v0  }
0x18: {  	[tilespmem:s22+$0x10] =	vst v0  }
0x19: {  	[tilespmem:s22+$0x0] =	vst v0  }
0x1a: {  	[tilespmem:s22+$0xFFFFFFF0] =	vst v0  }
0x1b: {  	s26 =	simm.s32 $0x0;
	[tilespmem:s22+$0xFFFFFFE0] =	vst v0  }
.LBB2_2:
0x1c: {  	s26 =	sadd.s32 $0x8, s26;
	[tilespmem:s22+$0xFFFFFFD0] =	vst v0;
	s22 =	sadd.s32 $0x80, s22  }
0x1d: {  	[tilespmem:s22+$0xFFFFFFC0] =	vst v0;
	p0 =	slt.u32 s26, $0x278  }
0x1e: {  	[tilespmem:s22+$0x30] =	vst v0  }
.Ltmp0:
0x1f: {  	[tilespmem:s22+$0x20] =	vst v0;
	(pc) =	sbr.rel @p0 .LBB2_2-.Ltmp0, $4  }
0x20: {  	[tilespmem:s22+$0x10] =	vst v0  }
0x21: {  	[tilespmem:s22+$0x0] =	vst v0  }
0x22: {  	[tilespmem:s22+$0xFFFFFFF0] =	vst v0  }
0x23: {  	[tilespmem:s22+$0xFFFFFFE0] =	vst v0  }
0x24: {  	[tilespmem:s22+$0xFFFFFFD0] =	vst v0;
	s6 =	simm.s32 $0x6720  }
0x25: {  	[spmem:s5] =	stream.linear.scatter [tilespmem:s6], [sflag:$0xB], $0x2800, $0x38;
	[tilespmem:$0xDE30] =	vst v63  }
0x26: {  	_ =	swait.ge [sflag:s12], $0x2800  }
0x27: {  	[sflag:s12] =	ssyncset.done $0x0  }
0x28: {  	s26 =	rddreg [dreg:$0x4];
	[sflag:s12] =	ssyncadd.s32 $0xFFFFD800  }
0x29: {  	[spmem:s14], [sflag:s13] =	dma.local [hbm:s26], $0x4E2  }
0x2a: {  	_ =	swait.ge [sflag:s12], $0x4E2  }
0x2b: {  	[sflag:s12] =	ssyncset.done $0x0  }
0x2c: {  	[sflag:s12] =	ssyncadd.s32 $0xFFFFFB1E  }
0x2d: {  	s6 =	simm.s32 $0x0;
	[bflag:$0x0] =	sbarrier.arrive $0xFFFF  }
0x2e: {  	[tilespmem:s6], [sflag:$0xB] =	stream.linear.gather [hbm4b:s7+s6], $0x2710, $0x38;
	[tilespmem:$0xDE30] =	vst v63  }
0x2f: {  	_ =	swait.ge [sflag:s12], $0x2710  }
0x30: {  	[sflag:s12] =	ssyncset.done $0x0  }
0x31: {  	[sflag:s12] =	ssyncadd.s32 $0xFFFFD8F0  }
0x32: {  	[tilespmem:s15], [sflag:$0xB] =	stream.linear.gather [hbm4b:s8+s6], $0x2710, $0x38;
	[tilespmem:$0xDE30] =	vst v63  }
0x33: {  	_ =	swait.ge [sflag:s12], $0x2710  }
0x34: {  	[sflag:s12] =	ssyncset.done $0x0  }
0x35: {  	[sflag:s12] =	ssyncadd.s32 $0xFFFFD8F0  }
0x36: {  	[tilespmem:s17], [sflag:$0x1] =	stream.indirect.gather [spmem:s3], $0x10, s6, s16, $0xb8;
	[tilespmem:$0xDE30] =	vst v63  }
0x37: {  	_ = 	snop  }
0x38: {  	[tilespmem:s18], [sflag:$0x2] =	stream.indirect.gather [spmem:s3], $0x10, s16, s16, $0xb8;
	[tilespmem:$0xDE30] =	vst v63  }
0x39: {  	s22 =	simm.s32 $0xA0  }
0x3a: {  	[tilespmem:s20], [sflag:$0x3] =	stream.indirect.gather [spmem:s3], $0x10, s22, s16, $0xb8;
	[tilespmem:$0xDE30] =	vst v63  }
0x3b: {  	_ =	swait.ge [sflag:s21], $0x500  }
0x3c: {  	[sflag:s21] =	ssyncset.done $0x0  }
0x3d: {  	[sflag:s21] =	ssyncadd.s32 $0xFFFFFB00  }
0x3e: {  	[spmem:s2] =	stream.indirect.scatter.add.f32 [tilespmem:s17], [sflag:$0x6], $0x10, s15, s16, $0xb8;
	[tilespmem:$0xDE30] =	vst v63  }
0x3f: {  	s26 =	simm.s32 $0xF0  }
0x40: {  	[tilespmem:s23], [sflag:$0x4] =	stream.indirect.gather [spmem:s3], $0x10, s26, s16, $0xb8;
	[tilespmem:$0xDE30] =	vst v63  }
0x41: {  	_ =	swait.ge [sflag:s24], $0x500  }
0x42: {  	[sflag:s24] =	ssyncset.done $0x0  }
0x43: {  	s22 =	simm.s32 $0x2760;
	[sflag:s24] =	ssyncadd.s32 $0xFFFFFB00  }
0x44: {  	[spmem:s2] =	stream.indirect.scatter.add.f32 [tilespmem:s18], [sflag:$0x7], $0x10, s22, s16, $0xb8;
	[tilespmem:$0xDE30] =	vst v63  }
0x45: {  	s26 =	simm.s32 $0x140  }
0x46: {  	[tilespmem:s28], [sflag:$0x5] =	stream.indirect.gather [spmem:s3], $0x10, s26, s16, $0xb8;
	[tilespmem:$0xDE30] =	vst v63  }
0x47: {  	_ =	swait.ge [sflag:s29], $0x500  }
0x48: {  	[sflag:s29] =	ssyncset.done $0x0  }
0x49: {  	s22 =	simm.s32 $0x27B0;
	[sflag:s29] =	ssyncadd.s32 $0xFFFFFB00  }
0x4a: {  	[spmem:s2] =	stream.indirect.scatter.add.f32 [tilespmem:s20], [sflag:$0x8], $0x10, s22, s16, $0xb8;
	[tilespmem:$0xDE30] =	vst v63  }
0x4b: {  	_ =	swait.ge [sflag:s31], $0x500  }
0x4c: {  	[sflag:s31] =	ssyncset.done $0x0  }
0x4d: {  	s26 =	simm.s32 $0x190;
	[sflag:s31] =	ssyncadd.s32 $0xFFFFFB00  }
0x4e: {  	[tilespmem:s17], [sflag:$0x1] =	stream.indirect.gather [spmem:s3], $0x10, s26, s16, $0xb8;
	[tilespmem:$0xDE30] =	vst v63  }
0x4f: {  	_ =	swait.ge [sflag:s0], $0x500  }
0x50: {  	[sflag:s0] =	ssyncset.done $0x0  }
0x51: {  	s22 =	simm.s32 $0x2800;
	[sflag:s0] =	ssyncadd.s32 $0xFFFFFB00  }
0x52: {  	[spmem:s2] =	stream.indirect.scatter.add.f32 [tilespmem:s23], [sflag:$0x9], $0x10, s22, s16, $0xb8;
	[tilespmem:$0xDE30] =	vst v63  }
0x53: {  	_ =	swait.ge [sflag:s19], $0x500  }
0x54: {  	[sflag:s19] =	ssyncset.done $0x0  }
0x55: {  	s26 =	simm.s32 $0x1E0;
	[sflag:s19] =	ssyncadd.s32 $0xFFFFFB00  }
0x56: {  	[tilespmem:s18], [sflag:$0x2] =	stream.indirect.gather [spmem:s3], $0x10, s26, s16, $0xb8;
	[tilespmem:$0xDE30] =	vst v63  }
0x57: {  	_ =	swait.ge [sflag:s25], $0x500  }
0x58: {  	[sflag:s25] =	ssyncset.done $0x0  }
0x59: {  	s22 =	simm.s32 $0x2850;
	[sflag:s25] =	ssyncadd.s32 $0xFFFFFB00  }
0x5a: {  	[spmem:s2] =	stream.indirect.scatter.add.f32 [tilespmem:s28], [sflag:$0xA], $0x10, s22, s16, $0xb8;
	[tilespmem:$0xDE30] =	vst v63  }
0x5b: {  	_ =	swait.ge [sflag:s30], $0x500  }
0x5c: {  	[sflag:s30] =	ssyncset.done $0x0  }
0x5d: {  	s26 =	simm.s32 $0x230;
	[sflag:s30] =	ssyncadd.s32 $0xFFFFFB00  }
0x5e: {  	[tilespmem:s20], [sflag:$0x3] =	stream.indirect.gather [spmem:s3], $0x10, s26, s16, $0xb8;
	[tilespmem:$0xDE30] =	vst v63  }
0x5f: {  	_ =	swait.ge [sflag:s21], $0x500  }
0x60: {  	[sflag:s21] =	ssyncset.done $0x0  }
0x61: {  	s6 =	simm.s32 $0x28A0;
	[sflag:s21] =	ssyncadd.s32 $0xFFFFFB00  }
0x62: {  	[spmem:s2] =	stream.indirect.scatter.add.f32 [tilespmem:s17], [sflag:$0x6], $0x10, s6, s16, $0xb8;
	[tilespmem:$0xDE30] =	vst v63  }
0x63: {  	_ =	swait.ge [sflag:s1], $0x500  }
0x64: {  	[sflag:s1] =	ssyncset.done $0x0  }
0x65: {  	s26 =	simm.s32 $0x280;
	[sflag:s1] =	ssyncadd.s32 $0xFFFFFB00  }
0x66: {  	[tilespmem:s23], [sflag:$0x4] =	stream.indirect.gather [spmem:s3], $0x10, s26, s16, $0xb8;
	[tilespmem:$0xDE30] =	vst v63  }
0x67: {  	_ =	swait.ge [sflag:s24], $0x500  }
0x68: {  	[sflag:s24] =	ssyncset.done $0x0  }
0x69: {  	s6 =	simm.s32 $0x28F0;
	[sflag:s24] =	ssyncadd.s32 $0xFFFFFB00  }
0x6a: {  	[spmem:s2] =	stream.indirect.scatter.add.f32 [tilespmem:s18], [sflag:$0x7], $0x10, s6, s16, $0xb8;
	[tilespmem:$0xDE30] =	vst v63  }
0x6b: {  	_ =	swait.ge [sflag:s11], $0x500  }
0x6c: {  	[sflag:s11] =	ssyncset.done $0x0  }
0x6d: {  	s26 =	simm.s32 $0x2D0;
	[sflag:s11] =	ssyncadd.s32 $0xFFFFFB00  }
0x6e: {  	[tilespmem:s28], [sflag:$0x5] =	stream.indirect.gather [spmem:s3], $0x10, s26, s16, $0xb8;
	[tilespmem:$0xDE30] =	vst v63  }
0x6f: {  	_ =	swait.ge [sflag:s29], $0x500  }
0x70: {  	[sflag:s29] =	ssyncset.done $0x0  }
0x71: {  	s6 =	simm.s32 $0x2940;
	[sflag:s29] =	ssyncadd.s32 $0xFFFFFB00  }
0x72: {  	[spmem:s2] =	stream.indirect.scatter.add.f32 [tilespmem:s20], [sflag:$0x8], $0x10, s6, s16, $0xb8;
	[tilespmem:$0xDE30] =	vst v63  }
0x73: {  	_ =	swait.ge [sflag:s31], $0x500  }
0x74: {  	[sflag:s31] =	ssyncset.done $0x0  }
0x75: {  	s26 =	simm.s32 $0x320;
	[sflag:s31] =	ssyncadd.s32 $0xFFFFFB00  }
0x76: {  	[tilespmem:s17], [sflag:$0x1] =	stream.indirect.gather [spmem:s3], $0x10, s26, s16, $0xb8;
	[tilespmem:$0xDE30] =	vst v63  }
0x77: {  	_ =	swait.ge [sflag:s0], $0x500  }
0x78: {  	[sflag:s0] =	ssyncset.done $0x0  }
0x79: {  	s6 =	simm.s32 $0x2990;
	[sflag:s0] =	ssyncadd.s32 $0xFFFFFB00  }
0x7a: {  	[spmem:s2] =	stream.indirect.scatter.add.f32 [tilespmem:s23], [sflag:$0x9], $0x10, s6, s16, $0xb8;
	[tilespmem:$0xDE30] =	vst v63  }
0x7b: {  	_ =	swait.ge [sflag:s19], $0x500  }
0x7c: {  	[sflag:s19] =	ssyncset.done $0x0  }
0x7d: {  	s26 =	simm.s32 $0x370;
	[sflag:s19] =	ssyncadd.s32 $0xFFFFFB00  }
0x7e: {  	[tilespmem:s18], [sflag:$0x2] =	stream.indirect.gather [spmem:s3], $0x10, s26, s16, $0xb8;
	[tilespmem:$0xDE30] =	vst v63  }
0x7f: {  	_ =	swait.ge [sflag:s25], $0x500  }
0x80: {  	[sflag:s25] =	ssyncset.done $0x0  }
0x81: {  	s22 =	simm.s32 $0x640;
	s26 =	simm.s32 $0x29E0;
	[sflag:s25] =	ssyncadd.s32 $0xFFFFFB00  }
.LBB2_4:
0x82: {  	[spmem:s2] =	stream.indirect.scatter.add.f32 [tilespmem:s28], [sflag:$0xA], $0x10, s26, s16, $0xb8;
	[tilespmem:$0xDE30] =	vst v63  }
0x83: {  	s26 =	smov.u32 s22;
	s22 =	sadd.s32 $0x640, s22;
	_ =	swait.ge [sflag:s30], $0x500  }
0x84: {  	s26 =	sshra.s32 s26, $0x2;
	p0 =	sne.s32 s22, $0x8FC0;
	[sflag:s30] =	ssyncset.done $0x0  }
0x85: {  	s6 =	sadd.s32 $0x230, s26;
	[sflag:s30] =	ssyncadd.s32 $0xFFFFFB00  }
0x86: {  	[tilespmem:s20], [sflag:$0x3] =	stream.indirect.gather [spmem:s3], $0x10, s6, s16, $0xb8;
	[tilespmem:$0xDE30] =	vst v63  }
0x87: {  	_ =	swait.ge [sflag:s21], $0x500  }
0x88: {  	[sflag:s21] =	ssyncset.done $0x0  }
0x89: {  	s6 =	sadd.s32 $0x28A0, s26;
	[sflag:s21] =	ssyncadd.s32 $0xFFFFFB00  }
0x8a: {  	[spmem:s2] =	stream.indirect.scatter.add.f32 [tilespmem:s17], [sflag:$0x6], $0x10, s6, s16, $0xb8;
	[tilespmem:$0xDE30] =	vst v63  }
0x8b: {  	_ =	swait.ge [sflag:s1], $0x500  }
0x8c: {  	[sflag:s1] =	ssyncset.done $0x0  }
0x8d: {  	s6 =	sadd.s32 $0x280, s26;
	[sflag:s1] =	ssyncadd.s32 $0xFFFFFB00  }
0x8e: {  	[tilespmem:s23], [sflag:$0x4] =	stream.indirect.gather [spmem:s3], $0x10, s6, s16, $0xb8;
	[tilespmem:$0xDE30] =	vst v63  }
0x8f: {  	_ =	swait.ge [sflag:s24], $0x500  }
0x90: {  	[sflag:s24] =	ssyncset.done $0x0  }
0x91: {  	s6 =	sadd.s32 $0x28F0, s26;
	[sflag:s24] =	ssyncadd.s32 $0xFFFFFB00  }
0x92: {  	[spmem:s2] =	stream.indirect.scatter.add.f32 [tilespmem:s18], [sflag:$0x7], $0x10, s6, s16, $0xb8;
	[tilespmem:$0xDE30] =	vst v63  }
0x93: {  	_ =	swait.ge [sflag:s11], $0x500  }
0x94: {  	[sflag:s11] =	ssyncset.done $0x0  }
0x95: {  	s6 =	sadd.s32 $0x2D0, s26;
	[sflag:s11] =	ssyncadd.s32 $0xFFFFFB00  }
0x96: {  	[tilespmem:s28], [sflag:$0x5] =	stream.indirect.gather [spmem:s3], $0x10, s6, s16, $0xb8;
	[tilespmem:$0xDE30] =	vst v63  }
0x97: {  	_ =	swait.ge [sflag:s29], $0x500  }
0x98: {  	[sflag:s29] =	ssyncset.done $0x0  }
0x99: {  	s6 =	sadd.s32 $0x2940, s26;
	[sflag:s29] =	ssyncadd.s32 $0xFFFFFB00  }
0x9a: {  	[spmem:s2] =	stream.indirect.scatter.add.f32 [tilespmem:s20], [sflag:$0x8], $0x10, s6, s16, $0xb8;
	[tilespmem:$0xDE30] =	vst v63  }
0x9b: {  	_ =	swait.ge [sflag:s31], $0x500  }
0x9c: {  	[sflag:s31] =	ssyncset.done $0x0  }
0x9d: {  	s6 =	sadd.s32 $0x320, s26;
	[sflag:s31] =	ssyncadd.s32 $0xFFFFFB00  }
0x9e: {  	[tilespmem:s17], [sflag:$0x1] =	stream.indirect.gather [spmem:s3], $0x10, s6, s16, $0xb8;
	[tilespmem:$0xDE30] =	vst v63  }
0x9f: {  	_ =	swait.ge [sflag:s0], $0x500  }
0xa0: {  	[sflag:s0] =	ssyncset.done $0x0  }
0xa1: {  	s6 =	sadd.s32 $0x2990, s26;
	[sflag:s0] =	ssyncadd.s32 $0xFFFFFB00  }
0xa2: {  	[spmem:s2] =	stream.indirect.scatter.add.f32 [tilespmem:s23], [sflag:$0x9], $0x10, s6, s16, $0xb8;
	[tilespmem:$0xDE30] =	vst v63  }
0xa3: {  	_ =	swait.ge [sflag:s19], $0x500  }
0xa4: {  	[sflag:s19] =	ssyncset.done $0x0  }
.Ltmp1:
0xa5: {  	s6 =	sadd.s32 $0x370, s26;
	[sflag:s19] =	ssyncadd.s32 $0xFFFFFB00;
	(pc) =	sbr.rel @p0 .LBB2_4-.Ltmp1, $4  }
0xa6: {  	[tilespmem:s18], [sflag:$0x2] =	stream.indirect.gather [spmem:s3], $0x10, s6, s16, $0xb8;
	[tilespmem:$0xDE30] =	vst v63  }
0xa7: {  	_ =	swait.ge [sflag:s25], $0x500  }
0xa8: {  	[sflag:s25] =	ssyncset.done $0x0  }
0xa9: {  	s26 =	sadd.s32 $0x29E0, s26;
	[sflag:s25] =	ssyncadd.s32 $0xFFFFFB00  }
0xaa: {  	[spmem:s2] =	stream.indirect.scatter.add.f32 [tilespmem:s28], [sflag:$0xA], $0x10, s26, s16, $0xb8;
	[tilespmem:$0xDE30] =	vst v63  }
0xab: {  	_ =	swait.ge [sflag:s30], $0x500  }
0xac: {  	s6 =	sshra.s32 s22, $0x2;
	[sflag:s30] =	ssyncset.done $0x0  }
0xad: {  	s22 =	sadd.s32 $0x230, s6;
	[sflag:s30] =	ssyncadd.s32 $0xFFFFFB00  }
0xae: {  	[tilespmem:s20], [sflag:$0x3] =	stream.indirect.gather [spmem:s3], $0x10, s22, s16, $0xb8;
	[tilespmem:$0xDE30] =	vst v63  }
0xaf: {  	_ =	swait.ge [sflag:s21], $0x500  }
0xb0: {  	[sflag:s21] =	ssyncset.done $0x0  }
0xb1: {  	s26 =	sadd.s32 $0x28A0, s6;
	[sflag:s21] =	ssyncadd.s32 $0xFFFFFB00  }
0xb2: {  	[spmem:s2] =	stream.indirect.scatter.add.f32 [tilespmem:s17], [sflag:$0x6], $0x10, s26, s16, $0xb8;
	[tilespmem:$0xDE30] =	vst v63  }
0xb3: {  	_ =	swait.ge [sflag:s1], $0x500  }
0xb4: {  	[sflag:s1] =	ssyncset.done $0x0  }
0xb5: {  	s26 =	sadd.s32 $0x280, s6;
	[sflag:s1] =	ssyncadd.s32 $0xFFFFFB00  }
0xb6: {  	[tilespmem:s23], [sflag:$0x4] =	stream.indirect.gather [spmem:s3], $0x10, s26, s16, $0xb8;
	[tilespmem:$0xDE30] =	vst v63  }
0xb7: {  	_ =	swait.ge [sflag:s24], $0x500  }
0xb8: {  	[sflag:s24] =	ssyncset.done $0x0  }
0xb9: {  	s26 =	sadd.s32 $0x28F0, s6;
	[sflag:s24] =	ssyncadd.s32 $0xFFFFFB00  }
0xba: {  	[spmem:s2] =	stream.indirect.scatter.add.f32 [tilespmem:s18], [sflag:$0x7], $0x10, s26, s16, $0xb8;
	[tilespmem:$0xDE30] =	vst v63  }
0xbb: {  	_ =	swait.ge [sflag:s11], $0x500  }
0xbc: {  	[sflag:s11] =	ssyncset.done $0x0  }
0xbd: {  	s26 =	sadd.s32 $0x2D0, s6;
	[sflag:s11] =	ssyncadd.s32 $0xFFFFFB00  }
0xbe: {  	[tilespmem:s28], [sflag:$0x5] =	stream.indirect.gather [spmem:s3], $0x10, s26, s16, $0xb8;
	[tilespmem:$0xDE30] =	vst v63  }
0xbf: {  	_ =	swait.ge [sflag:s29], $0x500  }
0xc0: {  	[sflag:s29] =	ssyncset.done $0x0  }
0xc1: {  	s26 =	sadd.s32 $0x2940, s6;
	[sflag:s29] =	ssyncadd.s32 $0xFFFFFB00  }
0xc2: {  	[spmem:s2] =	stream.indirect.scatter.add.f32 [tilespmem:s20], [sflag:$0x8], $0x10, s26, s16, $0xb8;
	[tilespmem:$0xDE30] =	vst v63  }
0xc3: {  	_ =	swait.ge [sflag:s31], $0x500  }
0xc4: {  	[sflag:s31] =	ssyncset.done $0x0  }
0xc5: {  	[sflag:s31] =	ssyncadd.s32 $0xFFFFFB00  }
0xc6: {  	_ =	swait.ge [sflag:s0], $0x500  }
0xc7: {  	[sflag:s0] =	ssyncset.done $0x0  }
0xc8: {  	s26 =	sadd.s32 $0x2990, s6;
	[sflag:s0] =	ssyncadd.s32 $0xFFFFFB00  }
0xc9: {  	[spmem:s2] =	stream.indirect.scatter.add.f32 [tilespmem:s23], [sflag:$0x9], $0x10, s26, s16, $0xb8;
	[tilespmem:$0xDE30] =	vst v63  }
0xca: {  	_ =	swait.ge [sflag:s19], $0x500  }
0xcb: {  	[sflag:s19] =	ssyncset.done $0x0  }
0xcc: {  	[sflag:s19] =	ssyncadd.s32 $0xFFFFFB00  }
0xcd: {  	_ =	swait.ge [sflag:s25], $0x500  }
0xce: {  	[sflag:s25] =	ssyncset.done $0x0  }
0xcf: {  	s6 =	sadd.s32 $0x29E0, s6;
	[sflag:s25] =	ssyncadd.s32 $0xFFFFFB00  }
0xd0: {  	[spmem:s2] =	stream.indirect.scatter.add.f32 [tilespmem:s28], [sflag:$0xA], $0x10, s6, s16, $0xb8;
	[tilespmem:$0xDE30] =	vst v63  }
0xd1: {  	_ =	swait.ge [sflag:s30], $0x500  }
0xd2: {  	[sflag:s30] =	ssyncset.done $0x0  }
0xd3: {  	[sflag:s30] =	ssyncadd.s32 $0xFFFFFB00  }
0xd4: {  	_ =	swait.ge [sflag:s1], $0x500  }
0xd5: {  	[sflag:s1] =	ssyncset.done $0x0  }
0xd6: {  	[sflag:s1] =	ssyncadd.s32 $0xFFFFFB00  }
0xd7: {  	_ =	swait.ge [sflag:s11], $0x500  }
0xd8: {  	s4 =	sadd.s32 $0x1, s4;
	[sflag:s11] =	ssyncset.done $0x0  }
0xd9: {  	p0 =	sne.s32 s4, s10;
	[sflag:s11] =	ssyncadd.s32 $0xFFFFFB00  }
.Ltmp2:
0xda: {  	s26 =	sshrl.u32 s5, $0x3;
	[bflag:$0x0] =	sbarrier.arrive $0xFFFF;
	(pc) =	sbr.rel @p0 .LBB2_1-.Ltmp2, $4  }
0xdb: {  	[hbm:s9], [sflag:s13] =	dma.local [spmem:s26], $0x500  }
0xdc: {  	_ =	swait.ge [sflag:s12], $0x500  }
0xdd: {  	[sflag:s12] =	ssyncset.done $0x0  }
0xde: {  	[sflag:s12] =	ssyncadd.s32 $0xFFFFFB00  }
0xdf: {  	_ =	sfence.sel $0x180000  }
0xe0: {  	[bflag:$0x0] =	sbarrier.arrive $0xFFFF  }
0xe1: {  	_ =	strace $0x9000004D  }
0xe2: {  	s0 =	stileid.u32;
	[bflag:$0x2] =	sbarrier.arrive $0xFFFF  }
0xe3: {  	p0 =	sne.s32 s0, $0x0;
	s0 =	rddreg [dreg:$0x3]  }
0xe4: {  	s0 =	sadd.s32 @!p0 $0x100000, s0  }
0xe5: {  	[sflag:s0] =	ssyncadd.tile.s32 @!p0 $0x1;
	_ =	shalt  }
.Lfunc_end2:
_tile_overlayer_lowered:
.L_overlay_start_2:
0xe6: {  	(tag) =	ssettag $0x2  }
0xe7: {  	s0 =	rddreg [dreg:$0x0];
	s2 =	stileid.u32  }
0xe8: {  	s1 =	rddreg [dreg:$0x1];
	p0 =	sne.s32 s2, $0x0  }
0xe9: {  	s3 =	rddreg [dreg:$0x2];
	[bflag:$0x3] =	sbarrier.arrive $0xFFFF;
	s2 =	simm.s32 @!p0 $0x1C0B  }
0xea: {  	[timem:s3], [sflag:s2] =	dma.local @!p0 [hbm:s0], s1  }
0xeb: {  	s0 =	simm.s32 @!p0 $0xB  }
0xec: {  	_ =	swait.ge @!p0 [sflag:s0], s1  }
0xed: {  	s1 =	ssub.s32 @!p0 $0x0, s1;
	[sflag:s0] =	ssyncset.done @!p0 $0x0  }
0xee: {  	[sflag:s0] =	ssyncadd.s32 @!p0 s1  }
0xef: {  	[bflag:$0x3] =	sbarrier.arrive $0xFFFF  }
0xf0: {  	_ =	shalt  }

// kernel: kernel.9.cloned.1.call-start
scs
__scs_entry_jumppad:
0x0: {  	(pc) =	sbr.rel $0x88, $3  }
0x1: {  	(tag) =	ssettag $0x0;
	lr =	simm.s32 $0x1  }
0x2: {  	[smem:$0x3F99] =	sst lr;
	_ =	strace $0xD0000000  }
0x3: {  	_ = 	snop  }
0x4: {  	_ = 	snop  }
0x5: {  	_ = 	snop  }
0x6: {  	_ = 	snop  }
0x7: {  	_ = 	snop  }
__scs_overlays_trampoline_lowered:
0x8: {  	[smem:$0x3FA8] =	sst s0  }
0x9: {  	[smem:$0x3FA9] =	sst s1  }
0xa: {  	[smem:$0x3FAA] =	sst s2  }
0xb: {  	[smem:$0x3FAB] =	sst s3  }
0xc: {  	[smem:$0x3FAC] =	sst s4  }
0xd: {  	[smem:$0x3FAD] =	sst s5  }
0xe: {  	[smem:$0x3FAE] =	sst s6  }
0xf: {  	[smem:$0x3FAF] =	sst s7  }
0x10: {  	[smem:$0x3FB0] =	sst s8  }
0x11: {  	[smem:$0x3FB1] =	sst s9;
	s0 =	simm.s32 @!p0 $0x0  }
0x12: {  	s1 =	sld [smem:$0x3F97];
	s0 =	simm.s32 @p0 $0x1  }
0x13: {  	[smem:$0x3FB2] =	sst s0;
	s0 =	simm.s32 @!p1 $0x0  }
0x14: {  	s2 =	sld [smem:$0x3F96];
	s0 =	simm.s32 @p1 $0x1  }
0x15: {  	[smem:$0x3FB3] =	sst s0;
	s0 =	simm.s32 @!p2 $0x0  }
0x16: {  	s3 =	sld [smem:$0x3FDB];
	s0 =	simm.s32 @p2 $0x1  }
0x17: {  	s4 =	simm.s32 $0x1BF5;
	[smem:$0x3FB5] =	sst s0  }
0x18: {  	s0 =	sld [smem:$0x3F98];
	_ =	swait.ge [sflag:s4], $0x0  }
0x19: {  	s7 =	sld [smem:$0x3F99]  }
0x1a: {  	s8 =	sadd.s32 $0xFFFFE003, lr  }
0x1b: {  	s9 =	sadd.s32 $0xFFFFFEF7, lr;
	s5 =	simm.s32 $0xFFFFFFFF;
	p2 =	slt.u32 s8, $0xFFFFF086  }
0x1c: {  	p1 =	slt.u32 s9, $0xF7A;
	s5 =	simm.s32 @!p2 $0x0  }
0x1d: {  	s5 =	simm.s32 @p1 $0x1;
	p0 =	seq.s32 s7, s2  }
0x1e: {  	s7 =	smul.u32 @!p0 $0xF7A, s2;
	p2 =	seq.s32 @!p0 s5, $0x0  }
0x1f: {  	s9 =	smul.u32 $0xF7A, s1;
	s8 =	simm.s32 @!p0 $0x1BF5;
	p2 =	por !p2, p0  }
0x20: {  	[sflag:s8] =	ssyncset.s32 @!p0 $0xFFFFF086;
	s6 =	sadd.s32 @!p0 s3, s7;
	s7 =	simm.s32 @!p0 $0x108  }
0x21: {  	s3 =	sadd.s32 s3, s9;
	s6 =	sadd.s32 @!p0 $0x88, s6;
	s7 =	simm.s32 @p2 $0x1082  }
0x22: {  	[simem:s7], [sflag:s8] =	dma.local @!p0 [hbm:s6], $0xF7A  }
0x23: {  	s9 =	sor.u32 $0xD0000000, s2;
	s6 =	simm.s32 $0x108;
	_ =	swait.ge @!p0 [sflag:s8], $0x0  }
0x24: {  	s3 =	sadd.s32 $0x88, s3;
	s6 =	simm.s32 @!p1 $0x1082;
	[sflag:s4] =	ssyncset.s32 $0xFFFFF086  }
0x25: {  	[simem:s6], [sflag:s4] =	dma.local [hbm:s3], $0xF7A  }
0x26: {  	[smem:$0x3F99] =	sst s1;
	(tag) =	ssettag s2;
	_ =	strace s9  }
0x27: {  	s1 =	sld [smem:$0x3FA9]  }
0x28: {  	s2 =	sld [smem:$0x3FAA]  }
0x29: {  	s4 =	sld [smem:$0x3FAC]  }
0x2a: {  	p0 =	seq.s32 s5, $0x0;
	s5 =	sld [smem:$0x3FAD]  }
0x2b: {  	s6 =	sld [smem:$0x3FAE]  }
0x2c: {  	s7 =	sld [smem:$0x3FAF]  }
0x2d: {  	s3 =	simm.s32 $0x108;
	s8 =	sld [smem:$0x3FB0]  }
0x2e: {  	s3 =	simm.s32 @!p0 $0x1082;
	s9 =	sld [smem:$0x3FB1]  }
0x2f: {  	lr =	sadd.s32 s0, s3;
	s0 =	sld [smem:$0x3FA8]  }
0x30: {  	s3 =	sld [smem:$0x3FAB]  }
0x31: {  	[smem:$0x3FB4] =	sst s10  }
0x32: {  	s10 =	sld [smem:$0x3FB2];
	_ =	sdelay $0x3  }
0x33: {  	p0 =	seq.s32 s10, $0x1;
	s10 =	sld [smem:$0x3FB4];
	_ =	sdelay $0x3  }
0x34: {  	[smem:$0x3FB4] =	sst s10  }
0x35: {  	s10 =	sld [smem:$0x3FB3];
	_ =	sdelay $0x3  }
0x36: {  	p1 =	seq.s32 s10, $0x1;
	s10 =	sld [smem:$0x3FB4];
	_ =	sdelay $0x3  }
0x37: {  	[smem:$0x3FB4] =	sst s10  }
0x38: {  	s10 =	sld [smem:$0x3FB5]  }
0x39: {  	_ = 	snop;
	(pc) =	sbr.ind lr, $3  }
0x3a: {  	_ = 	snop  }
0x3b: {  	_ = 	snop  }
0x3c: {  	p2 =	seq.s32 s10, $0x1;
	s10 =	sld [smem:$0x3FB4]  }
0x3d: {  	_ =	shalt  }
0x3e: {  	_ =	shalt  }
0x3f: {  	_ =	shalt  }
0x40: {  	_ =	shalt  }
0x41: {  	_ =	shalt  }
0x42: {  	_ =	shalt  }
0x43: {  	_ =	shalt  }
0x44: {  	_ =	shalt  }
0x45: {  	_ =	shalt  }
0x46: {  	_ =	shalt  }
0x47: {  	_ =	shalt  }
0x48: {  	_ =	shalt  }
0x49: {  	_ =	shalt  }
0x4a: {  	_ =	shalt  }
0x4b: {  	_ =	shalt  }
0x4c: {  	_ =	shalt  }
0x4d: {  	_ =	shalt  }
0x4e: {  	_ =	shalt  }
0x4f: {  	_ =	shalt  }
0x50: {  	_ =	shalt  }
0x51: {  	_ =	shalt  }
0x52: {  	_ =	shalt  }
0x53: {  	_ =	shalt  }
0x54: {  	_ =	shalt  }
0x55: {  	_ =	shalt  }
0x56: {  	_ =	shalt  }
0x57: {  	_ =	shalt  }
0x58: {  	_ =	shalt  }
0x59: {  	_ =	shalt  }
0x5a: {  	_ =	shalt  }
0x5b: {  	_ =	shalt  }
0x5c: {  	_ =	shalt  }
0x5d: {  	_ =	shalt  }
0x5e: {  	_ =	shalt  }
0x5f: {  	_ =	shalt  }
0x60: {  	_ =	shalt  }
0x61: {  	_ =	shalt  }
0x62: {  	_ =	shalt  }
0x63: {  	_ =	shalt  }
0x64: {  	_ =	shalt  }
0x65: {  	_ =	shalt  }
0x66: {  	_ =	shalt  }
0x67: {  	_ =	shalt  }
0x68: {  	_ =	shalt  }
0x69: {  	_ =	shalt  }
0x6a: {  	_ =	shalt  }
0x6b: {  	_ =	shalt  }
0x6c: {  	_ =	shalt  }
0x6d: {  	_ =	shalt  }
0x6e: {  	_ =	shalt  }
0x6f: {  	_ =	shalt  }
0x70: {  	_ =	shalt  }
0x71: {  	_ =	shalt  }
0x72: {  	_ =	shalt  }
0x73: {  	_ =	shalt  }
0x74: {  	_ =	shalt  }
0x75: {  	_ =	shalt  }
0x76: {  	_ =	shalt  }
0x77: {  	_ =	shalt  }
0x78: {  	_ =	shalt  }
0x79: {  	_ =	shalt  }
0x7a: {  	_ =	shalt  }
0x7b: {  	_ =	shalt  }
0x7c: {  	_ =	shalt  }
0x7d: {  	_ =	shalt  }
0x7e: {  	_ =	shalt  }
0x7f: {  	_ =	shalt  }
0x80: {  	_ =	shalt  }
0x81: {  	_ =	shalt  }
0x82: {  	_ =	shalt  }
0x83: {  	_ =	shalt  }
0x84: {  	_ =	shalt  }
0x85: {  	_ =	shalt  }
0x86: {  	_ =	shalt  }
0x87: {  	_ =	shalt  }
.Lfunc_end0:
.L_simem_size_0:
called_computation_lowered:
.L_overlay_start_0:
0x88: {  	s2 =	sld [smem:$0x3FD9]  }
0x89: {  	s3 =	sld [smem:$0x3FFE];
	_ =	sdelay $0x1  }
0x8a: {  	s1 =	srdreg.scid  }
0x8b: {  	s0 =	sand.u32 $0x1, s1  }
0x8c: {  	s16 =	sshll.u32 s0, $0xA;
	s2 =	sadd.s32 s3, s2  }
0x8d: {  	s2 =	sadd.s32 s2, s16  }
0x8e: {  	[smem:$0x3FC0] =	sst s2  }
0x8f: {  	_ = 	snop  }
0x90: {  	(tm) =	ssettm $0x1  }
0x91: {  	s17 =	sld [smem:$0x3FFB];
	_ =	sdelay $0x3  }
0x92: {  	_ =	strace s17  }
0x93: {  	s2 =	sld [smem:$0x3FFC];
	_ =	sdelay $0x3  }
0x94: {  	_ =	strace s2  }
0x95: {  	s2 =	sld [smem:$0x3FFD];
	_ =	sdelay $0x3  }
0x96: {  	_ =	strace s2  }
0x97: {  	_ =	strace $0x8FFFFFFF  }
0x98: {  	s18 =	sld [smem:$0x3FDB];
	_ =	sdelay $0x1  }
0x99: {  	s19 =	simm.s32 $_scs_section_size  }
0x9a: {  	s4 =	simm.s32 $_size__tile_overlayer_lowered;
	s5 =	simm.s32 $_tile_overlayer_lowered  }
0x9b: {  	s22 =	simm.s32 $0x1BFF;
	s21 =	sshll.u32 s5, $0x1;
	s2 =	sadd.s32 s19, s18  }
0x9c: {  	s6 =	simm.s32 $0x0;
	s20 =	sshll.u32 s4, $0x1;
	s4 =	sadd.s32 s21, s2  }
0x9d: {  	[timem:s6], [sflag:s22] =	dma.local [hbm:s4], s20  }
0x9e: {  	_ =	swait.ge [sflag:s22], s20  }
0x9f: {  	s3 =	ssub.s32 $0x0, s20;
	[sflag:s22] =	ssyncset.done $0x0  }
0xa0: {  	[sflag:s22] =	ssyncadd.s32 s3;
	_ =	sdelay $0x1  }
0xa1: {  	s23 =	simm.s32 $0x1B8B  }
0xa2: {  	_ =	swait.ge [sflag:s23], $0x1  }
0xa3: {  	[sflag:s23] =	ssyncset.done $0x0  }
0xa4: {  	s25 =	simm.s32 $0x1B8E;
	s24 =	sld [smem:$0x3FFE];
	[sflag:s23] =	ssyncadd.s32 $0xFFFFFFFF  }
0xa5: {  	s26 =	simm.s32 $execute0_lowered;
	[smem:$0x3FD2] =	sst s25  }
0xa6: {  	s4 =	sshll.u32 s26, $0x1;
	_ =	strace $0x80000046;
	[dreg:$0x1] =	wrdreg $0xFFFFFFFF  }
0xa7: {  	s28 =	simm.s32 $_size_execute0_lowered;
	s2 =	sadd.s32 s2, s4;
	[dreg:$0x0] =	wrdreg $0x0  }
0xa8: {  	s4 =	sshll.u32 s28, $0x1;
	[dreg:$0x2] =	wrdreg s2  }
0xa9: {  	[dreg:$0x3] =	wrdreg s4  }
0xaa: {  	[dreg:$0x4] =	wrdreg $0xC0  }
0xab: {  	_ =	task [dreg:s6], $0x5FFFF  }
0xac: {  	[dreg:$0x1] =	wrdreg $0xFFFFFFFF  }
0xad: {  	[dreg:$0x0] =	wrdreg $0x60  }
0xae: {  	[dreg:$0x2] =	wrdreg s24  }
0xaf: {  	[dreg:$0x3] =	wrdreg $0x54100  }
0xb0: {  	[dreg:$0x4] =	wrdreg $0x9  }
0xb1: {  	_ =	task.clear_ibuf [dreg:s6], $0x5FFFF;
	_ =	strace $0x90000046  }
0xb2: {  	s29 =	simm.s32 $0x9;
	_ =	strace $0x80000048  }
0xb3: {  	_ =	swait.ge [sflag:s29], $0x1  }
0xb4: {  	[sflag:s29] =	ssyncadd.s32 $0xFFFFFFFF  }
0xb5: {  	_ =	strace $0x90000048  }
0xb6: {  	_ =	sfence  }
0xb7: {  	s30 =	sld [smem:$0x0];
	_ =	sdelay $0x2  }
0xb8: {  	s31 =	sshll.u32 s1, $0xD;
	s1 =	sshrl.u32 s1, $0x2  }
0xb9: {  	s3 =	sand.u32 $0x4000, s31;
	s1 =	sadd.s32 s1, s30  }
0xba: {  	s0 =	sor.u32 s3, s0;
	s1 =	sshll.u32 s1, $0x11  }
0xbb: {  	s0 =	sor.u32 s1, s0  }
0xbc: {  	s0 =	sadd.s32 $0x8F2B, s0  }
0xbd: {  	[sflag:s0] =	ssyncadd.remote.s32 $0x1  }
0xbe: {  	_ =	sfence.sel $0xFFFF  }
0xbf: {  	[dreg:$0x0] =	wrdreg $0xFFFFFFFF;
	(pc) =	sbr.abs _section_cstart, $3  }
0xc0: {  	[dreg:$0x1] =	wrdreg $0xFFFFFFFF  }
0xc1: {  	_ =	task.clear_ibuf [dreg:s6], $0x2FFFF;
	_ =	strace $0x9FFFFFFF  }
0xc2: {  	(tm) =	ssettm $0x7FFFFFFF  }
0xc3: {  	_ =	shalt  }
tec
execute0_lowered:
.L_overlay_start_1:
0x0: {  	(tag) =	ssettag $0x1  }
0x1: {  	s4 =	rddreg [dreg:$0x0];
	s0 =	srdreg.scid  }
0x2: {  	s2 =	rddreg [dreg:$0x1];
	s1 =	stileid.u32  }
0x3: {  	s3 =	simm.s32 $0x0;
	s10 =	simm.s32 $0x50;
	s11 =	simm.s32 $0x2710  }
0x4: {  	s12 =	simm.s32 $0x1;
	s5 =	sand.u32 $0x1, s0;
	s0 =	rddreg [dreg:$0x2]  }
0x5: {  	s6 =	smul.u32 $0x2800, s1;
	[smem:$0x7FF] =	sst s3;
	s7 =	sshll.u32 s5, $0x4  }
0x6: {  	s13 =	sshll.u32 s1, $0x6;
	s8 =	smul.u32 $0x28000, s5;
	s7 =	sor.u32 s1, s7  }
0x7: {  	_ =	strace $0x80000047;
	s5 =	ssub.s32 $0x2, s5;
	s7 =	smul.u32 $0x2710, s7  }
0x8: {  	s13 =	sor.u32 $0x1C02, s13;
	s9 =	sshrl.u32 s5, $0x1;
	s8 =	sadd.s32 s6, s8  }
0x9: {  	s9 =	ssub.s32 s5, s9;
	s8 =	sshrl.u32 s8, $0x3;
	s7 =	sshrl.u32 s7, $0x3  }
0xa: {  	s8 =	sadd.s32 s8, s4;
	s31 =	sadd.s32 s4, s7;
	s4 =	sadd.s32 s6, s2  }
0xb: {  	s6 =	sadd.s32 $0x16800, s8;
	s7 =	smax.u32 s9, $0x1;
	s8 =	simm.s32 $0x2C10  }
0xc: {  	v0 =	vimm.f32 $0.0e+00;
	v1 =	vimm.f32 $1.000000000e+00;
	s9 =	simm.s32 $0x2;
	s5 =	sadd.s32 $0xCA40, s31;
	s14 =	sshrl.u32 s4, $0x3  }
.LBB2_1:
0xd: {  	s15 =	simm.s32 $0x2C50  }
0xe: {  	[tilespmem:s15+$0xFFFFFFC0] =	vst v0  }
0xf: {  	[tilespmem:s15+$0x30] =	vst v0  }
0x10: {  	[tilespmem:s15+$0x20] =	vst v0  }
0x11: {  	[tilespmem:s15+$0x10] =	vst v0  }
0x12: {  	[tilespmem:s15+$0x0] =	vst v0  }
0x13: {  	[tilespmem:s15+$0xFFFFFFF0] =	vst v0  }
0x14: {  	s16 =	simm.s32 $0x0;
	[tilespmem:s15+$0xFFFFFFE0] =	vst v0  }
.LBB2_2:
0x15: {  	s16 =	sadd.s32 $0x8, s16;
	[tilespmem:s15+$0xFFFFFFD0] =	vst v0;
	s15 =	sadd.s32 $0x80, s15  }
0x16: {  	[tilespmem:s15+$0xFFFFFFC0] =	vst v0;
	p0 =	slt.u32 s16, $0x278  }
0x17: {  	[tilespmem:s15+$0x30] =	vst v0  }
.Ltmp0:
0x18: {  	[tilespmem:s15+$0x20] =	vst v0;
	(pc) =	sbr.rel @p0 .LBB2_2-.Ltmp0, $4  }
0x19: {  	[tilespmem:s15+$0x10] =	vst v0  }
0x1a: {  	[tilespmem:s15+$0x0] =	vst v0  }
0x1b: {  	[tilespmem:s15+$0xFFFFFFF0] =	vst v0  }
0x1c: {  	[tilespmem:s15+$0xFFFFFFE0] =	vst v0  }
0x1d: {  	[tilespmem:s15+$0xFFFFFFD0] =	vst v0  }
0x1e: {  	[tilespmem:$0x2710] =	vst v1  }
0x1f: {  	[tilespmem:$0x2720] =	vst v1  }
0x20: {  	[tilespmem:$0x2730] =	vst v1  }
0x21: {  	[tilespmem:$0x2740] =	vst v1  }
0x22: {  	[tilespmem:$0x2750] =	vst v1  }
0x23: {  	[tilespmem:$0x2760] =	vst v1  }
0x24: {  	[tilespmem:$0x2770] =	vst v1  }
0x25: {  	[tilespmem:$0x2780] =	vst v1  }
0x26: {  	[tilespmem:$0x2790] =	vst v1  }
0x27: {  	[tilespmem:$0x27A0] =	vst v1  }
0x28: {  	[tilespmem:$0x27B0] =	vst v1  }
0x29: {  	[tilespmem:$0x27C0] =	vst v1  }
0x2a: {  	[tilespmem:$0x27D0] =	vst v1  }
0x2b: {  	[tilespmem:$0x27E0] =	vst v1  }
0x2c: {  	[tilespmem:$0x27F0] =	vst v1  }
0x2d: {  	[tilespmem:$0x2800] =	vst v1  }
0x2e: {  	[tilespmem:$0x2810] =	vst v1  }
0x2f: {  	[tilespmem:$0x2820] =	vst v1  }
0x30: {  	[tilespmem:$0x2830] =	vst v1  }
0x31: {  	[tilespmem:$0x2840] =	vst v1  }
0x32: {  	[tilespmem:$0x2850] =	vst v1  }
0x33: {  	[tilespmem:$0x2860] =	vst v1  }
0x34: {  	[tilespmem:$0x2870] =	vst v1  }
0x35: {  	[tilespmem:$0x2880] =	vst v1  }
0x36: {  	[tilespmem:$0x2890] =	vst v1  }
0x37: {  	[tilespmem:$0x28A0] =	vst v1  }
0x38: {  	[tilespmem:$0x28B0] =	vst v1  }
0x39: {  	[tilespmem:$0x28C0] =	vst v1  }
0x3a: {  	[tilespmem:$0x28D0] =	vst v1  }
0x3b: {  	[tilespmem:$0x28E0] =	vst v1  }
0x3c: {  	[tilespmem:$0x28F0] =	vst v1  }
0x3d: {  	[tilespmem:$0x2900] =	vst v1  }
0x3e: {  	[tilespmem:$0x2910] =	vst v1  }
0x3f: {  	[tilespmem:$0x2920] =	vst v1  }
0x40: {  	[tilespmem:$0x2930] =	vst v1  }
0x41: {  	[tilespmem:$0x2940] =	vst v1  }
0x42: {  	[tilespmem:$0x2950] =	vst v1  }
0x43: {  	[tilespmem:$0x2960] =	vst v1  }
0x44: {  	[tilespmem:$0x2970] =	vst v1  }
0x45: {  	[tilespmem:$0x2980] =	vst v1  }
0x46: {  	[tilespmem:$0x2990] =	vst v1  }
0x47: {  	[tilespmem:$0x29A0] =	vst v1  }
0x48: {  	[tilespmem:$0x29B0] =	vst v1  }
0x49: {  	[tilespmem:$0x29C0] =	vst v1  }
0x4a: {  	[tilespmem:$0x29D0] =	vst v1  }
0x4b: {  	[tilespmem:$0x29E0] =	vst v1  }
0x4c: {  	[tilespmem:$0x29F0] =	vst v1  }
0x4d: {  	[tilespmem:$0x2A00] =	vst v1  }
0x4e: {  	[tilespmem:$0x2A10] =	vst v1  }
0x4f: {  	[tilespmem:$0x2A20] =	vst v1  }
0x50: {  	[tilespmem:$0x2A30] =	vst v1  }
0x51: {  	[tilespmem:$0x2A40] =	vst v1  }
0x52: {  	[tilespmem:$0x2A50] =	vst v1  }
0x53: {  	[tilespmem:$0x2A60] =	vst v1  }
0x54: {  	[tilespmem:$0x2A70] =	vst v1  }
0x55: {  	[tilespmem:$0x2A80] =	vst v1  }
0x56: {  	[tilespmem:$0x2A90] =	vst v1  }
0x57: {  	[tilespmem:$0x2AA0] =	vst v1  }
0x58: {  	[tilespmem:$0x2AB0] =	vst v1  }
0x59: {  	[tilespmem:$0x2AC0] =	vst v1  }
0x5a: {  	[tilespmem:$0x2AD0] =	vst v1  }
0x5b: {  	[tilespmem:$0x2AE0] =	vst v1  }
0x5c: {  	[tilespmem:$0x2AF0] =	vst v1  }
0x5d: {  	[tilespmem:$0x2B00] =	vst v1  }
0x5e: {  	[tilespmem:$0x2B10] =	vst v1  }
0x5f: {  	[tilespmem:$0x2B20] =	vst v1  }
0x60: {  	[tilespmem:$0x2B30] =	vst v1  }
0x61: {  	[tilespmem:$0x2B40] =	vst v1  }
0x62: {  	[tilespmem:$0x2B50] =	vst v1  }
0x63: {  	[tilespmem:$0x2B60] =	vst v1  }
0x64: {  	[tilespmem:$0x2B70] =	vst v1  }
0x65: {  	[tilespmem:$0x2B80] =	vst v1  }
0x66: {  	[tilespmem:$0x2B90] =	vst v1  }
0x67: {  	[tilespmem:$0x2BA0] =	vst v1  }
0x68: {  	[tilespmem:$0x2BB0] =	vst v1  }
0x69: {  	[tilespmem:$0x2BC0] =	vst v1  }
0x6a: {  	[tilespmem:$0x2BD0] =	vst v1  }
0x6b: {  	[tilespmem:$0x2BE0] =	vst v1  }
0x6c: {  	[tilespmem:$0x2BF0] =	vst v1  }
0x6d: {  	[tilespmem:$0x2C00] =	vst v1  }
0x6e: {  	[spmem:s4] =	stream.linear.scatter [tilespmem:s8], [sflag:$0x2], $0x2800, $0x38;
	[tilespmem:$0x7C10] =	vst v63  }
0x6f: {  	_ =	swait.ge [sflag:s9], $0x2800  }
0x70: {  	[sflag:s9] =	ssyncset.done $0x0  }
0x71: {  	[sflag:s9] =	ssyncadd.s32 $0xFFFFD800  }
0x72: {  	s15 =	simm.s32 $0x0;
	[bflag:$0x0] =	sbarrier.arrive $0xFFFF  }
0x73: {  	[tilespmem:s15], [sflag:$0x2] =	stream.linear.gather [hbm4b:s5+s15], $0x2710, $0x38;
	[tilespmem:$0x7C10] =	vst v63  }
0x74: {  	_ =	swait.ge [sflag:s9], $0x2710  }
0x75: {  	[sflag:s9] =	ssyncset.done $0x0  }
0x76: {  	[sflag:s9] =	ssyncadd.s32 $0xFFFFD8F0  }
.LBB2_4:
0x77: {  	p0 =	sne.s32 s15, $0x9B00  }
.Ltmp1:
0x78: {  	_ = 	snop;
	(pc) =	sbr.rel @p0 .LBB2_4-.Ltmp1, $3  }
0x79: {  	_ =	sdelay $0x1  }
0x7a: {  	s16 =	sshra.s32 s15, $0x2;
	s15 =	sadd.s32 $0x140, s15  }
0x7b: {  	[spmem:s2] =	stream.indirect.scatter.add.f32 [tilespmem:s11], [sflag:$0x1], $0x10, s16, s10, $0xb8;
	[tilespmem:$0x7C10] =	vst v63  }
0x7c: {  	_ =	swait.ge [sflag:s12], $0x500  }
0x7d: {  	s15 =	simm.s32 $0x7C;
	[sflag:s12] =	ssyncset.done $0x0  }
.LBB2_6:
0x7e: {  	p0 =	sne.s32 s15, $0x1;
	s15 =	sadd.s32 $0xFFFFFFFF, s15;
	[sflag:s12] =	ssyncadd.s32 $0xFFFFFB00  }
.Ltmp2:
0x7f: {  	(pc) =	sbr.rel @p0 .LBB2_6-.Ltmp2, $3  }
0x80: {  	_ =	sdelay $0x1  }
0x81: {  	_ =	swait.ge [sflag:s12], $0x500  }
0x82: {  	[sflag:s12] =	ssyncset.done $0x0  }
0x83: {  	s3 =	sadd.s32 $0x1, s3  }
0x84: {  	[sflag:s12] =	ssyncadd.s32 $0xFFFFFB00;
	p0 =	sne.s32 s3, s7  }
.Ltmp3:
0x85: {  	[bflag:$0x0] =	sbarrier.arrive $0xFFFF;
	(pc) =	sbr.rel @p0 .LBB2_1-.Ltmp3, $4  }
0x86: {  	[hbm:s6], [sflag:s13] =	dma.local [spmem:s14], $0x500  }
0x87: {  	_ =	swait.ge [sflag:s9], $0x500  }
0x88: {  	[sflag:s9] =	ssyncset.done $0x0  }
0x89: {  	[sflag:s9] =	ssyncadd.s32 $0xFFFFFB00  }
0x8a: {  	_ =	sfence.sel $0x180000  }
0x8b: {  	[bflag:$0x0] =	sbarrier.arrive $0xFFFF  }
0x8c: {  	p0 =	sne.s32 s1, $0x0;
	_ =	strace $0x90000047  }
0x8d: {  	s0 =	sadd.s32 @!p0 $0x100000, s0;
	[bflag:$0x2] =	sbarrier.arrive $0xFFFF  }
0x8e: {  	[sflag:s0] =	ssyncadd.tile.s32 @!p0 $0x1;
	_ =	shalt  }
.Lfunc_end2:
_tile_overlayer_lowered:
.L_overlay_start_2:
0x8f: {  	(tag) =	ssettag $0x2  }
0x90: {  	s0 =	rddreg [dreg:$0x0];
	s2 =	stileid.u32  }
0x91: {  	s1 =	rddreg [dreg:$0x1];
	p0 =	sne.s32 s2, $0x0  }
0x92: {  	s3 =	rddreg [dreg:$0x2];
	[bflag:$0x3] =	sbarrier.arrive $0xFFFF;
	s2 =	simm.s32 @!p0 $0x1C02  }
0x93: {  	[timem:s3], [sflag:s2] =	dma.local @!p0 [hbm:s0], s1  }
0x94: {  	s0 =	simm.s32 @!p0 $0x2  }
0x95: {  	_ =	swait.ge @!p0 [sflag:s0], s1  }
0x96: {  	s1 =	ssub.s32 @!p0 $0x0, s1;
	[sflag:s0] =	ssyncset.done @!p0 $0x0  }
0x97: {  	[sflag:s0] =	ssyncadd.s32 @!p0 s1  }
0x98: {  	[bflag:$0x3] =	sbarrier.arrive $0xFFFF  }
0x99: {  	_ =	shalt  }

</sc_bundles>
